<compile_context>
chip_gen: v7x
topology: tpu7x:2x2x1
jax: 0.10.2.dev20260603
libtpu: 0.0.44.dev20260713+nightly
codegen_flags: <defaults>
</compile_context>

<pallas_src>
import functools

import jax
import jax.numpy as jnp
from jax import lax
from jax.experimental import pallas as pl
from jax.experimental.pallas import tpu as pltpu
from jax.experimental.pallas import tpu_sc as plsc

N = 10000
E = 320000
D = 128
FFN = 256
BOT = 64

NC = 2
NS = 16
NW = NC * NS
CH = 128
KC = 80
GC = 8
KCF = 120
KCS = 40
EPW = CH * KC
EPAD = NW * EPW
NACC = 10240
RPS = NACC // NS


def _sc_mesh():
    return plsc.VectorSubcoreMesh(core_axis_name="c", subcore_axis_name="s")


def _deg_kernel(dst_hbm, ones_hbm, zeros_hbm):
    @functools.partial(
        pl.kernel,
        out_type=jax.ShapeDtypeStruct((NC, NACC), jnp.float32),
        mesh=_sc_mesh(),
        scratch_types=[
            pltpu.VMEM_SHARED((NACC,), jnp.float32),
            pltpu.VMEM((KC, CH), jnp.int32),
            pltpu.VMEM((CH,), jnp.float32),
        ],
    )
    def k(dst_ref, ones_ref, zeros_ref, out_ref, acc, idx, ones_v):
        cid = lax.axis_index("c")
        sid = lax.axis_index("s")
        wid = cid * NS + sid
        pltpu.sync_copy(zeros_ref, acc.at[pl.ds(sid * RPS, RPS)])
        pltpu.sync_copy(ones_ref, ones_v)
        pltpu.sync_copy(dst_ref.at[pl.ds(wid * KC, KC)], idx)
        plsc.subcore_barrier()

        def body(j, _):
            pltpu.sync_copy(ones_v, acc.at[idx.at[j]], add=True)
            return 0

        lax.fori_loop(0, KC, body, 0)
        plsc.subcore_barrier()
        pltpu.sync_copy(acc.at[pl.ds(sid * RPS, RPS)],
                        out_ref.at[cid, pl.ds(sid * RPS, RPS)])

    return k(dst_hbm, ones_hbm, zeros_hbm)


def _conv_kernel(g_hbm, src_hbm, dst_hbm, zeros_hbm):
    @functools.partial(
        pl.kernel,
        out_type=jax.ShapeDtypeStruct((NC, NACC, D), jnp.float32),
        mesh=_sc_mesh(),
        scratch_types=[
            pltpu.VMEM_SHARED((NACC, D), jnp.float32),
            pltpu.VMEM((GC, CH), jnp.int32),
            pltpu.VMEM((GC, CH), jnp.int32),
            pltpu.VMEM((CH, D), jnp.float32),
            pltpu.VMEM((CH, D), jnp.float32),
            pltpu.SemaphoreType.DMA,
        ],
    )
    def k(g_ref, src_ref, dst_ref, zeros_ref, out_ref,
          acc, sidx, didx, buf0, buf1, sem):
        cid = lax.axis_index("c")
        sid = lax.axis_index("s")
        wid = cid * NS + sid
        for t in range(10):
            pltpu.sync_copy(zeros_ref.at[pl.ds(t * 64, 64)],
                            acc.at[pl.ds(sid * RPS + t * 64, 64)])
        plsc.subcore_barrier()

        def scat(j, buf):
            pltpu.sync_copy(buf, acc.at[didx.at[j]], add=True)

        row0 = jnp.where(cid == 0, sid * KCF, NS * KCF + sid * KCS)
        ngrp = jnp.where(cid == 0, KCF // GC, KCS // GC)

        def group(gi, _):
            base = row0 + gi * GC
            pltpu.sync_copy(src_ref.at[pl.ds(base, GC)], sidx)
            pltpu.sync_copy(dst_ref.at[pl.ds(base, GC)], didx)
            pltpu.sync_copy(g_ref.at[sidx.at[0]], buf0)

            def body(jj, _):
                j = 2 * jj
                d1 = pltpu.async_copy(g_ref.at[sidx.at[j + 1]], buf1, sem)
                scat(j, buf0)
                d1.wait()
                d2 = pltpu.async_copy(g_ref.at[sidx.at[j + 2]], buf0, sem)
                scat(j + 1, buf1)
                d2.wait()
                return 0

            lax.fori_loop(0, (GC - 2) // 2, body, 0)
            d = pltpu.async_copy(g_ref.at[sidx.at[GC - 1]], buf1, sem)
            scat(GC - 2, buf0)
            d.wait()
            scat(GC - 1, buf1)
            return 0

        lax.fori_loop(0, ngrp, group, 0)
        plsc.subcore_barrier()
        pltpu.sync_copy(acc.at[pl.ds(sid * RPS, RPS)],
                        out_ref.at[cid, pl.ds(sid * RPS, RPS)])

    return k(g_hbm, src_hbm, dst_hbm, zeros_hbm)


RB = 1024
GRID = NACC // RB


def _dinv_block(d0, d1):
    return lax.rsqrt(d0 + d1 + 1.0)


def _g1_body(x_ref, d0_ref, d1_ref, w_ref, o_ref):
    dinv = _dinv_block(d0_ref[:], d1_ref[:])
    o_ref[:] = dinv * jnp.dot(x_ref[:], w_ref[:],
                              preferred_element_type=jnp.float32)


def _mid_body(p0_ref, p1_ref, g_ref, d0_ref, d1_ref, b_ref, w_ref, o_ref):
    dinv = _dinv_block(d0_ref[:], d1_ref[:])
    h = jax.nn.relu(dinv * (p0_ref[:] + p1_ref[:] + g_ref[:]) + b_ref[:])
    o_ref[:] = dinv * jnp.dot(h, w_ref[:], preferred_element_type=jnp.float32)


def _head_body(p0_ref, p1_ref, g_ref, d0_ref, d1_ref, b_ref,
               wf1_ref, bf1_ref, wf2_ref, bf2_ref, o_ref):
    dinv = _dinv_block(d0_ref[:], d1_ref[:])
    h = jax.nn.relu(dinv * (p0_ref[:] + p1_ref[:] + g_ref[:]) + b_ref[:])
    f = jax.nn.relu(jnp.dot(h, wf1_ref[:], preferred_element_type=jnp.float32)
                    + bf1_ref[:])
    o_ref[:] = (jnp.dot(f, wf2_ref[:], preferred_element_type=jnp.float32)
                + bf2_ref[:])


def _row_spec(cols):
    return pl.BlockSpec((RB, cols), lambda i: (i, 0))


def _col_spec():
    return pl.BlockSpec((RB, 1), lambda i: (i, 0))


def _full_spec(r, c):
    return pl.BlockSpec((r, c), lambda i: (0, 0))


def _tc_g1(x_pad, d0, d1, W1):
    return pl.pallas_call(
        _g1_body,
        grid=(GRID,),
        in_specs=[_row_spec(D), _col_spec(), _col_spec(), _full_spec(D, D)],
        out_specs=_row_spec(D),
        out_shape=jax.ShapeDtypeStruct((NACC, D), jnp.float32),
    )(x_pad, d0, d1, W1)


def _tc_mid(p0, p1, g, d0, d1, b, W):
    return pl.pallas_call(
        _mid_body,
        grid=(GRID,),
        in_specs=[_row_spec(D), _row_spec(D), _row_spec(D),
                  _col_spec(), _col_spec(),
                  _full_spec(1, D), _full_spec(D, D)],
        out_specs=_row_spec(D),
        out_shape=jax.ShapeDtypeStruct((NACC, D), jnp.float32),
    )(p0, p1, g, d0, d1, b, W)


def _tc_head(p0, p1, g, d0, d1, b, Wf1, bf1, Wf2, bf2):
    return pl.pallas_call(
        _head_body,
        grid=(GRID,),
        in_specs=[_row_spec(D), _row_spec(D), _row_spec(D),
                  _col_spec(), _col_spec(),
                  _full_spec(1, D), _full_spec(D, FFN), _full_spec(1, FFN),
                  _full_spec(FFN, BOT), _full_spec(1, BOT)],
        out_specs=_row_spec(BOT),
        out_shape=jax.ShapeDtypeStruct((NACC, BOT), jnp.float32),
    )(p0, p1, g, d0, d1, b, Wf1, bf1, Wf2, bf2)


def kernel(x, edge_index, W1, b1, W2, b2, Wf1, bf1, Wf2, bf2):
    src = edge_index[0]
    dst = edge_index[1]
    npad = EPAD - E
    src_pad = jnp.concatenate(
        [src, jnp.zeros((npad,), jnp.int32)]).reshape(NW * KC, CH)
    pad_dst = N + jnp.arange(npad, dtype=jnp.int32) % (NACC - N)
    dst_pad = jnp.concatenate([dst, pad_dst]).reshape(NW * KC, CH)
    x_pad = jnp.concatenate(
        [x, jnp.zeros((NACC - N, D), jnp.float32)], axis=0)

    ones_ch = jnp.ones((CH,), jnp.float32)
    zeros_deg = jnp.zeros((RPS,), jnp.float32)
    zeros_conv = jnp.zeros((RPS, D), jnp.float32)

    deg_parts = _deg_kernel(dst_pad, ones_ch, zeros_deg)
    d0 = deg_parts[0].reshape(NACC, 1)
    d1 = deg_parts[1].reshape(NACC, 1)

    g1 = _tc_g1(x_pad, d0, d1, W1)
    acc1 = _conv_kernel(g1, src_pad, dst_pad, zeros_conv)
    g2 = _tc_mid(acc1[0], acc1[1], g1, d0, d1, b1.reshape(1, D), W2)
    acc2 = _conv_kernel(g2, src_pad, dst_pad, zeros_conv)
    out = _tc_head(acc2[0], acc2[1], g2, d0, d1, b2.reshape(1, D),
                   Wf1, bf1.reshape(1, FFN), Wf2, bf2.reshape(1, BOT))
    return out[:N]

# --- scband reference (transcript-rebuilt; emitter-appended) ---
"""Pipeline reference for scband-convolution-layers-2800318677025 (READ-ONLY COPY).

The authoritative reference and input builder live on the scoring server;
editing this copy changes nothing except your own understanding.
"""

import jax, jax.numpy as jnp
import numpy as np

N = 10000
E = 320000
D = 128
FFN = 256
BOT = 64


def setup_inputs(seed: int = 0) -> dict:
    key = jax.random.key(seed)
    ks = jax.random.split(key, 10)
    x = jax.random.normal(ks[0], (N, D), dtype=jnp.float32)
    edge_index = jax.random.randint(ks[1], (2, E), 0, N, dtype=jnp.int32)
    W1 = jax.random.normal(ks[2], (D, D), dtype=jnp.float32) * 0.05
    b1 = jnp.zeros((D,), dtype=jnp.float32)
    W2 = jax.random.normal(ks[3], (D, D), dtype=jnp.float32) * 0.05
    b2 = jnp.zeros((D,), dtype=jnp.float32)
    Wf1 = jax.random.normal(ks[4], (D, FFN), dtype=jnp.float32) * 0.05
    bf1 = jnp.zeros((FFN,), dtype=jnp.float32)
    Wf2 = jax.random.normal(ks[5], (FFN, BOT), dtype=jnp.float32) * 0.05
    bf2 = jnp.zeros((BOT,), dtype=jnp.float32)
    return {"x": x, "edge_index": edge_index, "W1": W1, "b1": b1, "W2": W2, "b2": b2,
            "Wf1": Wf1, "bf1": bf1, "Wf2": Wf2, "bf2": bf2}


def _gcn_conv(h, src, dst, norm, W, b):
    # GCNConv: out = D^{-1/2} (A + I) D^{-1/2} (h W) + b
    hw = h @ W
    msg = jnp.take(hw, src, axis=0) * norm[:, None]
    out = jax.ops.segment_sum(msg, dst, num_segments=N) + b
    return out


def reference(x, edge_index, W1, b1, W2, b2, Wf1, bf1, Wf2, bf2):
    src = edge_index[0]
    dst = edge_index[1]
    loop = jnp.arange(N, dtype=src.dtype)
    src_full = jnp.concatenate([src, loop])
    dst_full = jnp.concatenate([dst, loop])
    ones = jnp.ones((src_full.shape[0],), dtype=jnp.float32)
    deg = jax.ops.segment_sum(ones, dst_full, num_segments=N)
    dinv = jnp.where(deg > 0, jax.lax.rsqrt(jnp.maximum(deg, 1e-12)), 0.0)
    norm = jnp.take(dinv, src_full) * jnp.take(dinv, dst_full)

    h = x
    # conv1 + relu (dropout p=0.0 -> identity)
    h = jax.nn.relu(_gcn_conv(h, src_full, dst_full, norm, W1, b1))
    # conv2 + relu
    h = jax.nn.relu(_gcn_conv(h, src_full, dst_full, norm, W2, b2))
    # reshape (N, -1)
    h = h.reshape(h.shape[0], -1)
    h = jax.nn.relu(h @ Wf1 + bf1)
    out = h @ Wf2 + bf2
    return out

if __name__ == "__main__":
    import jax
    _d = setup_inputs()
    print(jax.jit(kernel)(*tuple(_d.values())))

</pallas_src>

<mosaic_0001>
#map = affine_map<(d0, d1) -> (0, 0)>
#map1 = affine_map<(d0, d1) -> (0)>
module attributes {stable_mosaic.version = 14 : i64} {
  func.func @k(%arg0: i32, %arg1: i32, %arg2: memref<2560x128xi32, #tpu.memory_space<hbm>>, %arg3: memref<128xf32, #tpu.memory_space<hbm>>, %arg4: memref<640xf32, #tpu.memory_space<hbm>>, %arg5: memref<2x10240xf32, #tpu.memory_space<hbm>>, %arg6: memref<10240xf32, #tpu.memory_space<vmem_shared>>, %arg7: memref<80x128xi32, #tpu.memory_space<vmem>>, %arg8: memref<128xf32, #tpu.memory_space<vmem>>) attributes {dimension_semantics = [#tpu.dimension_semantics<core_parallel>, #tpu.dimension_semantics<subcore_parallel>], iteration_bounds = array<i64: 2, 16>, scalar_prefetch = 0 : i64, scratch_operands = 3 : i64, tpu.core_type = #tpu.core_type<sc_vector_subcore>, window_params = [{transform_indices = #map}, {transform_indices = #map1}, {transform_indices = #map1}, {transform_indices = #map}]} {
    %mul3A = arith.constant 16 : i32
    %mul3A_0 = arith.muli %arg0, %mul3A : i32
    %add3A = arith.addi %mul3A_0, %arg1 : i32
    %mul3A_1 = arith.constant 640 : i32
    %mul3A_2 = arith.muli %arg1, %mul3A_1 : i32
    "tpu.region"() ({
      %run_scoped3A = tpu.sem_alloc : memref<!tpu.dma_semaphore, #tpu.memory_space<semaphore_mem>>
      %dma_start3A = tpu.memref_slice %arg6[%mul3A_2] : memref<10240xf32, #tpu.memory_space<vmem_shared>> -> memref<640xf32, #tpu.memory_space<vmem_shared>>
      tpu.enqueue_dma source(%arg4 : memref<640xf32, #tpu.memory_space<hbm>>) target(%dma_start3A : memref<640xf32, #tpu.memory_space<vmem_shared>>) target_semaphore(%run_scoped3A : memref<!tpu.dma_semaphore, #tpu.memory_space<semaphore_mem>>)
      %dma_wait3A = tpu.memref_slice %arg6[%mul3A_2] : memref<10240xf32, #tpu.memory_space<vmem_shared>> -> memref<640xf32, #tpu.memory_space<vmem_shared>>
      tpu.wait_dma2 semaphore(%run_scoped3A : memref<!tpu.dma_semaphore, #tpu.memory_space<semaphore_mem>>) src(%arg4 : memref<640xf32, #tpu.memory_space<hbm>>) dst(%dma_wait3A : memref<640xf32, #tpu.memory_space<vmem_shared>>)
      tpu.yield
    }) : () -> ()
    "tpu.region"() ({
      %run_scoped3A = tpu.sem_alloc : memref<!tpu.dma_semaphore, #tpu.memory_space<semaphore_mem>>
      tpu.enqueue_dma source(%arg3 : memref<128xf32, #tpu.memory_space<hbm>>) target(%arg8 : memref<128xf32, #tpu.memory_space<vmem>>) target_semaphore(%run_scoped3A : memref<!tpu.dma_semaphore, #tpu.memory_space<semaphore_mem>>)
      tpu.wait_dma2 semaphore(%run_scoped3A : memref<!tpu.dma_semaphore, #tpu.memory_space<semaphore_mem>>) src(%arg3 : memref<128xf32, #tpu.memory_space<hbm>>) dst(%arg8 : memref<128xf32, #tpu.memory_space<vmem>>)
      tpu.yield
    }) : () -> ()
    %mul3A_3 = arith.constant 80 : i32
    %mul3A_4 = arith.muli %add3A, %mul3A_3 : i32
    "tpu.region"() ({
      %run_scoped3A = tpu.sem_alloc : memref<!tpu.dma_semaphore, #tpu.memory_space<semaphore_mem>>
      %dma_start3A = arith.constant 0 : i32
      %dma_start3A_16 = tpu.memref_slice %arg2[%mul3A_4, %dma_start3A] : memref<2560x128xi32, #tpu.memory_space<hbm>> -> memref<80x128xi32, #tpu.memory_space<hbm>>
      %dma_start3A_17 = arith.constant 0 : i32
      %dma_start3A_18 = tpu.memref_slice %arg2[%mul3A_4, %dma_start3A_17] : memref<2560x128xi32, #tpu.memory_space<hbm>> -> memref<80x128xi32, #tpu.memory_space<hbm>>
      tpu.enqueue_dma source(%dma_start3A_18 : memref<80x128xi32, #tpu.memory_space<hbm>>) target(%arg7 : memref<80x128xi32, #tpu.memory_space<vmem>>) target_semaphore(%run_scoped3A : memref<!tpu.dma_semaphore, #tpu.memory_space<semaphore_mem>>)
      %dma_wait3A = arith.constant 0 : i32
      %dma_wait3A_19 = tpu.memref_slice %arg2[%mul3A_4, %dma_wait3A] : memref<2560x128xi32, #tpu.memory_space<hbm>> -> memref<80x128xi32, #tpu.memory_space<hbm>>
      %dma_wait3A_20 = arith.constant 0 : i32
      %dma_wait3A_21 = tpu.memref_slice %arg2[%mul3A_4, %dma_wait3A_20] : memref<2560x128xi32, #tpu.memory_space<hbm>> -> memref<80x128xi32, #tpu.memory_space<hbm>>
      tpu.wait_dma2 semaphore(%run_scoped3A : memref<!tpu.dma_semaphore, #tpu.memory_space<semaphore_mem>>) src(%dma_wait3A_21 : memref<80x128xi32, #tpu.memory_space<hbm>>) dst(%arg7 : memref<80x128xi32, #tpu.memory_space<vmem>>)
      tpu.yield
    }) : () -> ()
    %barrier3A = arith.constant 0 : index
    tpu.barrier barrier_id(%barrier3A)
    %scan3A = arith.constant 0 : i32
    %scan3A_5 = arith.constant 0 : i32
    %scan3A_6 = arith.constant 80 : i32
    %scan3A_7 = arith.addi %scan3A_5, %scan3A_6 : i32
    %scan3A_8 = arith.constant 1 : i32
    %scan3A_9 = scf.for %scan3A_16 = %scan3A_5 to %scan3A_7 step %scan3A_8 iter_args(%scan3A_17 = %scan3A) -> (i32)  : i32 {
      "tpu.region"() ({
        %run_scoped3A = tpu.sem_alloc : memref<!tpu.dma_semaphore, #tpu.memory_space<semaphore_mem>>
        %dma_start3A = arith.constant 0 : i32
        %dma_start3A_19 = tpu.memref_slice %arg7[%scan3A_16, %dma_start3A] : memref<80x128xi32, #tpu.memory_space<vmem>> -> memref<1x128xi32, #tpu.memory_space<vmem>>
        %dma_start3A_20 = tpu.memref_squeeze %dma_start3A_19 : memref<1x128xi32, #tpu.memory_space<vmem>> -> memref<128xi32, #tpu.memory_space<vmem>>
        %dma_start3A_21 = arith.constant 0 : i32
        %dma_start3A_22 = tpu.memref_slice %arg6[%dma_start3A_21] : memref<10240xf32, #tpu.memory_space<vmem_shared>> -> memref<10240xf32, #tpu.memory_space<vmem_shared>>
        tpu.enqueue_indirect_dma source(%arg8 : memref<128xf32, #tpu.memory_space<vmem>>) target(%dma_start3A_22 : memref<10240xf32, #tpu.memory_space<vmem_shared>>) offsets(%dma_start3A_20 : memref<128xi32, #tpu.memory_space<vmem>>) semaphore(%run_scoped3A : memref<!tpu.dma_semaphore, #tpu.memory_space<semaphore_mem>>) {add = true}
        %dma_wait3A = arith.constant 0 : i32
        %dma_wait3A_23 = tpu.memref_slice %arg7[%scan3A_16, %dma_wait3A] : memref<80x128xi32, #tpu.memory_space<vmem>> -> memref<1x128xi32, #tpu.memory_space<vmem>>
        %dma_wait3A_24 = tpu.memref_squeeze %dma_wait3A_23 : memref<1x128xi32, #tpu.memory_space<vmem>> -> memref<128xi32, #tpu.memory_space<vmem>>
        %dma_wait3A_25 = arith.constant 0 : i32
        %dma_wait3A_26 = tpu.memref_slice %arg6[%dma_wait3A_25] : memref<10240xf32, #tpu.memory_space<vmem_shared>> -> memref<10240xf32, #tpu.memory_space<vmem_shared>>
        tpu.wait_indirect_dma semaphore(%run_scoped3A : memref<!tpu.dma_semaphore, #tpu.memory_space<semaphore_mem>>) src(%arg8 : memref<128xf32, #tpu.memory_space<vmem>>) dst(%dma_wait3A_26 : memref<10240xf32, #tpu.memory_space<vmem_shared>>)
        tpu.yield
      }) : () -> ()
      %scan3A_18 = arith.constant 0 : i32
      scf.yield %scan3A_18 : i32
    }
    %scan3A_10 = arith.constant 80 : i32
    %barrier3A_11 = arith.constant 0 : index
    tpu.barrier barrier_id(%barrier3A_11)
    %mul3A_12 = arith.constant 640 : i32
    %mul3A_13 = arith.muli %arg1, %mul3A_12 : i32
    %mul3A_14 = arith.constant 640 : i32
    %mul3A_15 = arith.muli %arg1, %mul3A_14 : i32
    "tpu.region"() ({
      %run_scoped3A = tpu.sem_alloc : memref<!tpu.dma_semaphore, #tpu.memory_space<semaphore_mem>>
      %dma_start3A = tpu.memref_slice %arg5[%arg0, %mul3A_15] : memref<2x10240xf32, #tpu.memory_space<hbm>> -> memref<1x640xf32, #tpu.memory_space<hbm>>
      %dma_start3A_16 = tpu.memref_squeeze %dma_start3A : memref<1x640xf32, #tpu.memory_space<hbm>> -> memref<640xf32, #tpu.memory_space<hbm>>
      %dma_start3A_17 = tpu.memref_slice %arg6[%mul3A_13] : memref<10240xf32, #tpu.memory_space<vmem_shared>> -> memref<640xf32, #tpu.memory_space<vmem_shared>>
      tpu.enqueue_dma source(%dma_start3A_17 : memref<640xf32, #tpu.memory_space<vmem_shared>>) target(%dma_start3A_16 : memref<640xf32, #tpu.memory_space<hbm>>) target_semaphore(%run_scoped3A : memref<!tpu.dma_semaphore, #tpu.memory_space<semaphore_mem>>)
      %dma_wait3A = tpu.memref_slice %arg5[%arg0, %mul3A_15] : memref<2x10240xf32, #tpu.memory_space<hbm>> -> memref<1x640xf32, #tpu.memory_space<hbm>>
      %dma_wait3A_18 = tpu.memref_squeeze %dma_wait3A : memref<1x640xf32, #tpu.memory_space<hbm>> -> memref<640xf32, #tpu.memory_space<hbm>>
      %dma_wait3A_19 = tpu.memref_slice %arg6[%mul3A_13] : memref<10240xf32, #tpu.memory_space<vmem_shared>> -> memref<640xf32, #tpu.memory_space<vmem_shared>>
      tpu.wait_dma2 semaphore(%run_scoped3A : memref<!tpu.dma_semaphore, #tpu.memory_space<semaphore_mem>>) src(%dma_wait3A_19 : memref<640xf32, #tpu.memory_space<vmem_shared>>) dst(%dma_wait3A_18 : memref<640xf32, #tpu.memory_space<hbm>>)
      tpu.yield
    }) : () -> ()
    return
  }
}

#map = affine_map<(d0, d1) -> (0, 0)>
#map1 = affine_map<(d0, d1) -> (0, 0, 0)>
module attributes {stable_mosaic.version = 14 : i64} {
  func.func @k(%arg0: i32, %arg1: i32, %arg2: memref<10240x128xf32, #tpu.memory_space<hbm>>, %arg3: memref<2560x128xi32, #tpu.memory_space<hbm>>, %arg4: memref<2560x128xi32, #tpu.memory_space<hbm>>, %arg5: memref<640x128xf32, #tpu.memory_space<hbm>>, %arg6: memref<2x10240x128xf32, #tpu.memory_space<hbm>>, %arg7: memref<10240x128xf32, #tpu.memory_space<vmem_shared>>, %arg8: memref<8x128xi32, #tpu.memory_space<vmem>>, %arg9: memref<8x128xi32, #tpu.memory_space<vmem>>, %arg10: memref<128x128xf32, #tpu.memory_space<vmem>>, %arg11: memref<128x128xf32, #tpu.memory_space<vmem>>, %arg12: memref<!tpu.dma_semaphore, #tpu.memory_space<semaphore_mem>>) attributes {dimension_semantics = [#tpu.dimension_semantics<core_parallel>, #tpu.dimension_semantics<subcore_parallel>], iteration_bounds = array<i64: 2, 16>, scalar_prefetch = 0 : i64, scratch_operands = 6 : i64, tpu.core_type = #tpu.core_type<sc_vector_subcore>, window_params = [{transform_indices = #map}, {transform_indices = #map}, {transform_indices = #map}, {transform_indices = #map}, {transform_indices = #map1}]} {
    %mul3A = arith.constant 16 : i32
    %mul3A_0 = arith.muli %arg0, %mul3A : i32
    %add3A = arith.addi %mul3A_0, %arg1 : i32
    %mul3A_1 = arith.constant 640 : i32
    %mul3A_2 = arith.muli %arg1, %mul3A_1 : i32
    %add3A_3 = arith.constant 0 : i32
    %add3A_4 = arith.addi %mul3A_2, %add3A_3 : i32
    "tpu.region"() ({
      %run_scoped3A = tpu.sem_alloc : memref<!tpu.dma_semaphore, #tpu.memory_space<semaphore_mem>>
      %dma_start3A = arith.constant 0 : i32
      %dma_start3A_68 = tpu.memref_slice %arg7[%add3A_4, %dma_start3A] : memref<10240x128xf32, #tpu.memory_space<vmem_shared>> -> memref<64x128xf32, #tpu.memory_space<vmem_shared>>
      %dma_start3A_69 = arith.constant 0 : i32
      %dma_start3A_70 = arith.constant 0 : i32
      %dma_start3A_71 = tpu.memref_slice %arg5[%dma_start3A_69, %dma_start3A_70] : memref<640x128xf32, #tpu.memory_space<hbm>> -> memref<64x128xf32, #tpu.memory_space<hbm>>
      tpu.enqueue_dma source(%dma_start3A_71 : memref<64x128xf32, #tpu.memory_space<hbm>>) target(%dma_start3A_68 : memref<64x128xf32, #tpu.memory_space<vmem_shared>>) target_semaphore(%run_scoped3A : memref<!tpu.dma_semaphore, #tpu.memory_space<semaphore_mem>>)
      %dma_wait3A = arith.constant 0 : i32
      %dma_wait3A_72 = tpu.memref_slice %arg7[%add3A_4, %dma_wait3A] : memref<10240x128xf32, #tpu.memory_space<vmem_shared>> -> memref<64x128xf32, #tpu.memory_space<vmem_shared>>
      %dma_wait3A_73 = arith.constant 0 : i32
      %dma_wait3A_74 = arith.constant 0 : i32
      %dma_wait3A_75 = tpu.memref_slice %arg5[%dma_wait3A_73, %dma_wait3A_74] : memref<640x128xf32, #tpu.memory_space<hbm>> -> memref<64x128xf32, #tpu.memory_space<hbm>>
      tpu.wait_dma2 semaphore(%run_scoped3A : memref<!tpu.dma_semaphore, #tpu.memory_space<semaphore_mem>>) src(%dma_wait3A_75 : memref<64x128xf32, #tpu.memory_space<hbm>>) dst(%dma_wait3A_72 : memref<64x128xf32, #tpu.memory_space<vmem_shared>>)
      tpu.yield
    }) : () -> ()
    %mul3A_5 = arith.constant 640 : i32
    %mul3A_6 = arith.muli %arg1, %mul3A_5 : i32
    %add3A_7 = arith.constant 64 : i32
    %add3A_8 = arith.addi %mul3A_6, %add3A_7 : i32
    "tpu.region"() ({
      %run_scoped3A = tpu.sem_alloc : memref<!tpu.dma_semaphore, #tpu.memory_space<semaphore_mem>>
      %dma_start3A = arith.constant 0 : i32
      %dma_start3A_68 = tpu.memref_slice %arg7[%add3A_8, %dma_start3A] : memref<10240x128xf32, #tpu.memory_space<vmem_shared>> -> memref<64x128xf32, #tpu.memory_space<vmem_shared>>
      %dma_start3A_69 = arith.constant 64 : i32
      %dma_start3A_70 = arith.constant 0 : i32
      %dma_start3A_71 = tpu.memref_slice %arg5[%dma_start3A_69, %dma_start3A_70] : memref<640x128xf32, #tpu.memory_space<hbm>> -> memref<64x128xf32, #tpu.memory_space<hbm>>
      tpu.enqueue_dma source(%dma_start3A_71 : memref<64x128xf32, #tpu.memory_space<hbm>>) target(%dma_start3A_68 : memref<64x128xf32, #tpu.memory_space<vmem_shared>>) target_semaphore(%run_scoped3A : memref<!tpu.dma_semaphore, #tpu.memory_space<semaphore_mem>>)
      %dma_wait3A = arith.constant 0 : i32
      %dma_wait3A_72 = tpu.memref_slice %arg7[%add3A_8, %dma_wait3A] : memref<10240x128xf32, #tpu.memory_space<vmem_shared>> -> memref<64x128xf32, #tpu.memory_space<vmem_shared>>
      %dma_wait3A_73 = arith.constant 64 : i32
      %dma_wait3A_74 = arith.constant 0 : i32
      %dma_wait3A_75 = tpu.memref_slice %arg5[%dma_wait3A_73, %dma_wait3A_74] : memref<640x128xf32, #tpu.memory_space<hbm>> -> memref<64x128xf32, #tpu.memory_space<hbm>>
      tpu.wait_dma2 semaphore(%run_scoped3A : memref<!tpu.dma_semaphore, #tpu.memory_space<semaphore_mem>>) src(%dma_wait3A_75 : memref<64x128xf32, #tpu.memory_space<hbm>>) dst(%dma_wait3A_72 : memref<64x128xf32, #tpu.memory_space<vmem_shared>>)
      tpu.yield
    }) : () -> ()
    %mul3A_9 = arith.constant 640 : i32
    %mul3A_10 = arith.muli %arg1, %mul3A_9 : i32
    %add3A_11 = arith.constant 128 : i32
    %add3A_12 = arith.addi %mul3A_10, %add3A_11 : i32
    "tpu.region"() ({
      %run_scoped3A = tpu.sem_alloc : memref<!tpu.dma_semaphore, #tpu.memory_space<semaphore_mem>>
      %dma_start3A = arith.constant 0 : i32
      %dma_start3A_68 = tpu.memref_slice %arg7[%add3A_12, %dma_start3A] : memref<10240x128xf32, #tpu.memory_space<vmem_shared>> -> memref<64x128xf32, #tpu.memory_space<vmem_shared>>
      %dma_start3A_69 = arith.constant 128 : i32
      %dma_start3A_70 = arith.constant 0 : i32
      %dma_start3A_71 = tpu.memref_slice %arg5[%dma_start3A_69, %dma_start3A_70] : memref<640x128xf32, #tpu.memory_space<hbm>> -> memref<64x128xf32, #tpu.memory_space<hbm>>
      tpu.enqueue_dma source(%dma_start3A_71 : memref<64x128xf32, #tpu.memory_space<hbm>>) target(%dma_start3A_68 : memref<64x128xf32, #tpu.memory_space<vmem_shared>>) target_semaphore(%run_scoped3A : memref<!tpu.dma_semaphore, #tpu.memory_space<semaphore_mem>>)
      %dma_wait3A = arith.constant 0 : i32
      %dma_wait3A_72 = tpu.memref_slice %arg7[%add3A_12, %dma_wait3A] : memref<10240x128xf32, #tpu.memory_space<vmem_shared>> -> memref<64x128xf32, #tpu.memory_space<vmem_shared>>
      %dma_wait3A_73 = arith.constant 128 : i32
      %dma_wait3A_74 = arith.constant 0 : i32
      %dma_wait3A_75 = tpu.memref_slice %arg5[%dma_wait3A_73, %dma_wait3A_74] : memref<640x128xf32, #tpu.memory_space<hbm>> -> memref<64x128xf32, #tpu.memory_space<hbm>>
      tpu.wait_dma2 semaphore(%run_scoped3A : memref<!tpu.dma_semaphore, #tpu.memory_space<semaphore_mem>>) src(%dma_wait3A_75 : memref<64x128xf32, #tpu.memory_space<hbm>>) dst(%dma_wait3A_72 : memref<64x128xf32, #tpu.memory_space<vmem_shared>>)
      tpu.yield
    }) : () -> ()
    %mul3A_13 = arith.constant 640 : i32
    %mul3A_14 = arith.muli %arg1, %mul3A_13 : i32
    %add3A_15 = arith.constant 192 : i32
    %add3A_16 = arith.addi %mul3A_14, %add3A_15 : i32
    "tpu.region"() ({
      %run_scoped3A = tpu.sem_alloc : memref<!tpu.dma_semaphore, #tpu.memory_space<semaphore_mem>>
      %dma_start3A = arith.constant 0 : i32
      %dma_start3A_68 = tpu.memref_slice %arg7[%add3A_16, %dma_start3A] : memref<10240x128xf32, #tpu.memory_space<vmem_shared>> -> memref<64x128xf32, #tpu.memory_space<vmem_shared>>
      %dma_start3A_69 = arith.constant 192 : i32
      %dma_start3A_70 = arith.constant 0 : i32
      %dma_start3A_71 = tpu.memref_slice %arg5[%dma_start3A_69, %dma_start3A_70] : memref<640x128xf32, #tpu.memory_space<hbm>> -> memref<64x128xf32, #tpu.memory_space<hbm>>
      tpu.enqueue_dma source(%dma_start3A_71 : memref<64x128xf32, #tpu.memory_space<hbm>>) target(%dma_start3A_68 : memref<64x128xf32, #tpu.memory_space<vmem_shared>>) target_semaphore(%run_scoped3A : memref<!tpu.dma_semaphore, #tpu.memory_space<semaphore_mem>>)
      %dma_wait3A = arith.constant 0 : i32
      %dma_wait3A_72 = tpu.memref_slice %arg7[%add3A_16, %dma_wait3A] : memref<10240x128xf32, #tpu.memory_space<vmem_shared>> -> memref<64x128xf32, #tpu.memory_space<vmem_shared>>
      %dma_wait3A_73 = arith.constant 192 : i32
      %dma_wait3A_74 = arith.constant 0 : i32
      %dma_wait3A_75 = tpu.memref_slice %arg5[%dma_wait3A_73, %dma_wait3A_74] : memref<640x128xf32, #tpu.memory_space<hbm>> -> memref<64x128xf32, #tpu.memory_space<hbm>>
      tpu.wait_dma2 semaphore(%run_scoped3A : memref<!tpu.dma_semaphore, #tpu.memory_space<semaphore_mem>>) src(%dma_wait3A_75 : memref<64x128xf32, #tpu.memory_space<hbm>>) dst(%dma_wait3A_72 : memref<64x128xf32, #tpu.memory_space<vmem_shared>>)
      tpu.yield
    }) : () -> ()
    %mul3A_17 = arith.constant 640 : i32
    %mul3A_18 = arith.muli %arg1, %mul3A_17 : i32
    %add3A_19 = arith.constant 256 : i32
    %add3A_20 = arith.addi %mul3A_18, %add3A_19 : i32
    "tpu.region"() ({
      %run_scoped3A = tpu.sem_alloc : memref<!tpu.dma_semaphore, #tpu.memory_space<semaphore_mem>>
      %dma_start3A = arith.constant 0 : i32
      %dma_start3A_68 = tpu.memref_slice %arg7[%add3A_20, %dma_start3A] : memref<10240x128xf32, #tpu.memory_space<vmem_shared>> -> memref<64x128xf32, #tpu.memory_space<vmem_shared>>
      %dma_start3A_69 = arith.constant 256 : i32
      %dma_start3A_70 = arith.constant 0 : i32
      %dma_start3A_71 = tpu.memref_slice %arg5[%dma_start3A_69, %dma_start3A_70] : memref<640x128xf32, #tpu.memory_space<hbm>> -> memref<64x128xf32, #tpu.memory_space<hbm>>
      tpu.enqueue_dma source(%dma_start3A_71 : memref<64x128xf32, #tpu.memory_space<hbm>>) target(%dma_start3A_68 : memref<64x128xf32, #tpu.memory_space<vmem_shared>>) target_semaphore(%run_scoped3A : memref<!tpu.dma_semaphore, #tpu.memory_space<semaphore_mem>>)
      %dma_wait3A = arith.constant 0 : i32
      %dma_wait3A_72 = tpu.memref_slice %arg7[%add3A_20, %dma_wait3A] : memref<10240x128xf32, #tpu.memory_space<vmem_shared>> -> memref<64x128xf32, #tpu.memory_space<vmem_shared>>
      %dma_wait3A_73 = arith.constant 256 : i32
      %dma_wait3A_74 = arith.constant 0 : i32
      %dma_wait3A_75 = tpu.memref_slice %arg5[%dma_wait3A_73, %dma_wait3A_74] : memref<640x128xf32, #tpu.memory_space<hbm>> -> memref<64x128xf32, #tpu.memory_space<hbm>>
      tpu.wait_dma2 semaphore(%run_scoped3A : memref<!tpu.dma_semaphore, #tpu.memory_space<semaphore_mem>>) src(%dma_wait3A_75 : memref<64x128xf32, #tpu.memory_space<hbm>>) dst(%dma_wait3A_72 : memref<64x128xf32, #tpu.memory_space<vmem_shared>>)
      tpu.yield
    }) : () -> ()
    %mul3A_21 = arith.constant 640 : i32
    %mul3A_22 = arith.muli %arg1, %mul3A_21 : i32
    %add3A_23 = arith.constant 320 : i32
    %add3A_24 = arith.addi %mul3A_22, %add3A_23 : i32
    "tpu.region"() ({
      %run_scoped3A = tpu.sem_alloc : memref<!tpu.dma_semaphore, #tpu.memory_space<semaphore_mem>>
      %dma_start3A = arith.constant 0 : i32
      %dma_start3A_68 = tpu.memref_slice %arg7[%add3A_24, %dma_start3A] : memref<10240x128xf32, #tpu.memory_space<vmem_shared>> -> memref<64x128xf32, #tpu.memory_space<vmem_shared>>
      %dma_start3A_69 = arith.constant 320 : i32
      %dma_start3A_70 = arith.constant 0 : i32
      %dma_start3A_71 = tpu.memref_slice %arg5[%dma_start3A_69, %dma_start3A_70] : memref<640x128xf32, #tpu.memory_space<hbm>> -> memref<64x128xf32, #tpu.memory_space<hbm>>
      tpu.enqueue_dma source(%dma_start3A_71 : memref<64x128xf32, #tpu.memory_space<hbm>>) target(%dma_start3A_68 : memref<64x128xf32, #tpu.memory_space<vmem_shared>>) target_semaphore(%run_scoped3A : memref<!tpu.dma_semaphore, #tpu.memory_space<semaphore_mem>>)
      %dma_wait3A = arith.constant 0 : i32
      %dma_wait3A_72 = tpu.memref_slice %arg7[%add3A_24, %dma_wait3A] : memref<10240x128xf32, #tpu.memory_space<vmem_shared>> -> memref<64x128xf32, #tpu.memory_space<vmem_shared>>
      %dma_wait3A_73 = arith.constant 320 : i32
      %dma_wait3A_74 = arith.constant 0 : i32
      %dma_wait3A_75 = tpu.memref_slice %arg5[%dma_wait3A_73, %dma_wait3A_74] : memref<640x128xf32, #tpu.memory_space<hbm>> -> memref<64x128xf32, #tpu.memory_space<hbm>>
      tpu.wait_dma2 semaphore(%run_scoped3A : memref<!tpu.dma_semaphore, #tpu.memory_space<semaphore_mem>>) src(%dma_wait3A_75 : memref<64x128xf32, #tpu.memory_space<hbm>>) dst(%dma_wait3A_72 : memref<64x128xf32, #tpu.memory_space<vmem_shared>>)
      tpu.yield
    }) : () -> ()
    %mul3A_25 = arith.constant 640 : i32
    %mul3A_26 = arith.muli %arg1, %mul3A_25 : i32
    %add3A_27 = arith.constant 384 : i32
    %add3A_28 = arith.addi %mul3A_26, %add3A_27 : i32
    "tpu.region"() ({
      %run_scoped3A = tpu.sem_alloc : memref<!tpu.dma_semaphore, #tpu.memory_space<semaphore_mem>>
      %dma_start3A = arith.constant 0 : i32
      %dma_start3A_68 = tpu.memref_slice %arg7[%add3A_28, %dma_start3A] : memref<10240x128xf32, #tpu.memory_space<vmem_shared>> -> memref<64x128xf32, #tpu.memory_space<vmem_shared>>
      %dma_start3A_69 = arith.constant 384 : i32
      %dma_start3A_70 = arith.constant 0 : i32
      %dma_start3A_71 = tpu.memref_slice %arg5[%dma_start3A_69, %dma_start3A_70] : memref<640x128xf32, #tpu.memory_space<hbm>> -> memref<64x128xf32, #tpu.memory_space<hbm>>
      tpu.enqueue_dma source(%dma_start3A_71 : memref<64x128xf32, #tpu.memory_space<hbm>>) target(%dma_start3A_68 : memref<64x128xf32, #tpu.memory_space<vmem_shared>>) target_semaphore(%run_scoped3A : memref<!tpu.dma_semaphore, #tpu.memory_space<semaphore_mem>>)
      %dma_wait3A = arith.constant 0 : i32
      %dma_wait3A_72 = tpu.memref_slice %arg7[%add3A_28, %dma_wait3A] : memref<10240x128xf32, #tpu.memory_space<vmem_shared>> -> memref<64x128xf32, #tpu.memory_space<vmem_shared>>
      %dma_wait3A_73 = arith.constant 384 : i32
      %dma_wait3A_74 = arith.constant 0 : i32
      %dma_wait3A_75 = tpu.memref_slice %arg5[%dma_wait3A_73, %dma_wait3A_74] : memref<640x128xf32, #tpu.memory_space<hbm>> -> memref<64x128xf32, #tpu.memory_space<hbm>>
      tpu.wait_dma2 semaphore(%run_scoped3A : memref<!tpu.dma_semaphore, #tpu.memory_space<semaphore_mem>>) src(%dma_wait3A_75 : memref<64x128xf32, #tpu.memory_space<hbm>>) dst(%dma_wait3A_72 : memref<64x128xf32, #tpu.memory_space<vmem_shared>>)
      tpu.yield
    }) : () -> ()
    %mul3A_29 = arith.constant 640 : i32
    %mul3A_30 = arith.muli %arg1, %mul3A_29 : i32
    %add3A_31 = arith.constant 448 : i32
    %add3A_32 = arith.addi %mul3A_30, %add3A_31 : i32
    "tpu.region"() ({
      %run_scoped3A = tpu.sem_alloc : memref<!tpu.dma_semaphore, #tpu.memory_space<semaphore_mem>>
      %dma_start3A = arith.constant 0 : i32
      %dma_start3A_68 = tpu.memref_slice %arg7[%add3A_32, %dma_start3A] : memref<10240x128xf32, #tpu.memory_space<vmem_shared>> -> memref<64x128xf32, #tpu.memory_space<vmem_shared>>
      %dma_start3A_69 = arith.constant 448 : i32
      %dma_start3A_70 = arith.constant 0 : i32
      %dma_start3A_71 = tpu.memref_slice %arg5[%dma_start3A_69, %dma_start3A_70] : memref<640x128xf32, #tpu.memory_space<hbm>> -> memref<64x128xf32, #tpu.memory_space<hbm>>
      tpu.enqueue_dma source(%dma_start3A_71 : memref<64x128xf32, #tpu.memory_space<hbm>>) target(%dma_start3A_68 : memref<64x128xf32, #tpu.memory_space<vmem_shared>>) target_semaphore(%run_scoped3A : memref<!tpu.dma_semaphore, #tpu.memory_space<semaphore_mem>>)
      %dma_wait3A = arith.constant 0 : i32
      %dma_wait3A_72 = tpu.memref_slice %arg7[%add3A_32, %dma_wait3A] : memref<10240x128xf32, #tpu.memory_space<vmem_shared>> -> memref<64x128xf32, #tpu.memory_space<vmem_shared>>
      %dma_wait3A_73 = arith.constant 448 : i32
      %dma_wait3A_74 = arith.constant 0 : i32
      %dma_wait3A_75 = tpu.memref_slice %arg5[%dma_wait3A_73, %dma_wait3A_74] : memref<640x128xf32, #tpu.memory_space<hbm>> -> memref<64x128xf32, #tpu.memory_space<hbm>>
      tpu.wait_dma2 semaphore(%run_scoped3A : memref<!tpu.dma_semaphore, #tpu.memory_space<semaphore_mem>>) src(%dma_wait3A_75 : memref<64x128xf32, #tpu.memory_space<hbm>>) dst(%dma_wait3A_72 : memref<64x128xf32, #tpu.memory_space<vmem_shared>>)
      tpu.yield
    }) : () -> ()
    %mul3A_33 = arith.constant 640 : i32
    %mul3A_34 = arith.muli %arg1, %mul3A_33 : i32
    %add3A_35 = arith.constant 512 : i32
    %add3A_36 = arith.addi %mul3A_34, %add3A_35 : i32
    "tpu.region"() ({
      %run_scoped3A = tpu.sem_alloc : memref<!tpu.dma_semaphore, #tpu.memory_space<semaphore_mem>>
      %dma_start3A = arith.constant 0 : i32
      %dma_start3A_68 = tpu.memref_slice %arg7[%add3A_36, %dma_start3A] : memref<10240x128xf32, #tpu.memory_space<vmem_shared>> -> memref<64x128xf32, #tpu.memory_space<vmem_shared>>
      %dma_start3A_69 = arith.constant 512 : i32
      %dma_start3A_70 = arith.constant 0 : i32
      %dma_start3A_71 = tpu.memref_slice %arg5[%dma_start3A_69, %dma_start3A_70] : memref<640x128xf32, #tpu.memory_space<hbm>> -> memref<64x128xf32, #tpu.memory_space<hbm>>
      tpu.enqueue_dma source(%dma_start3A_71 : memref<64x128xf32, #tpu.memory_space<hbm>>) target(%dma_start3A_68 : memref<64x128xf32, #tpu.memory_space<vmem_shared>>) target_semaphore(%run_scoped3A : memref<!tpu.dma_semaphore, #tpu.memory_space<semaphore_mem>>)
      %dma_wait3A = arith.constant 0 : i32
      %dma_wait3A_72 = tpu.memref_slice %arg7[%add3A_36, %dma_wait3A] : memref<10240x128xf32, #tpu.memory_space<vmem_shared>> -> memref<64x128xf32, #tpu.memory_space<vmem_shared>>
      %dma_wait3A_73 = arith.constant 512 : i32
      %dma_wait3A_74 = arith.constant 0 : i32
      %dma_wait3A_75 = tpu.memref_slice %arg5[%dma_wait3A_73, %dma_wait3A_74] : memref<640x128xf32, #tpu.memory_space<hbm>> -> memref<64x128xf32, #tpu.memory_space<hbm>>
      tpu.wait_dma2 semaphore(%run_scoped3A : memref<!tpu.dma_semaphore, #tpu.memory_space<semaphore_mem>>) src(%dma_wait3A_75 : memref<64x128xf32, #tpu.memory_space<hbm>>) dst(%dma_wait3A_72 : memref<64x128xf32, #tpu.memory_space<vmem_shared>>)
      tpu.yield
    }) : () -> ()
    %mul3A_37 = arith.constant 640 : i32
    %mul3A_38 = arith.muli %arg1, %mul3A_37 : i32
    %add3A_39 = arith.constant 576 : i32
    %add3A_40 = arith.addi %mul3A_38, %add3A_39 : i32
    "tpu.region"() ({
      %run_scoped3A = tpu.sem_alloc : memref<!tpu.dma_semaphore, #tpu.memory_space<semaphore_mem>>
      %dma_start3A = arith.constant 0 : i32
      %dma_start3A_68 = tpu.memref_slice %arg7[%add3A_40, %dma_start3A] : memref<10240x128xf32, #tpu.memory_space<vmem_shared>> -> memref<64x128xf32, #tpu.memory_space<vmem_shared>>
      %dma_start3A_69 = arith.constant 576 : i32
      %dma_start3A_70 = arith.constant 0 : i32
      %dma_start3A_71 = tpu.memref_slice %arg5[%dma_start3A_69, %dma_start3A_70] : memref<640x128xf32, #tpu.memory_space<hbm>> -> memref<64x128xf32, #tpu.memory_space<hbm>>
      tpu.enqueue_dma source(%dma_start3A_71 : memref<64x128xf32, #tpu.memory_space<hbm>>) target(%dma_start3A_68 : memref<64x128xf32, #tpu.memory_space<vmem_shared>>) target_semaphore(%run_scoped3A : memref<!tpu.dma_semaphore, #tpu.memory_space<semaphore_mem>>)
      %dma_wait3A = arith.constant 0 : i32
      %dma_wait3A_72 = tpu.memref_slice %arg7[%add3A_40, %dma_wait3A] : memref<10240x128xf32, #tpu.memory_space<vmem_shared>> -> memref<64x128xf32, #tpu.memory_space<vmem_shared>>
      %dma_wait3A_73 = arith.constant 576 : i32
      %dma_wait3A_74 = arith.constant 0 : i32
      %dma_wait3A_75 = tpu.memref_slice %arg5[%dma_wait3A_73, %dma_wait3A_74] : memref<640x128xf32, #tpu.memory_space<hbm>> -> memref<64x128xf32, #tpu.memory_space<hbm>>
      tpu.wait_dma2 semaphore(%run_scoped3A : memref<!tpu.dma_semaphore, #tpu.memory_space<semaphore_mem>>) src(%dma_wait3A_75 : memref<64x128xf32, #tpu.memory_space<hbm>>) dst(%dma_wait3A_72 : memref<64x128xf32, #tpu.memory_space<vmem_shared>>)
      tpu.yield
    }) : () -> ()
    %barrier3A = arith.constant 0 : index
    tpu.barrier barrier_id(%barrier3A)
    %eq3A = arith.constant 0 : i32
    %eq3A_41 = arith.cmpi eq, %arg0, %eq3A : i32
    %mul3A_42 = arith.constant 120 : i32
    %mul3A_43 = arith.muli %arg1, %mul3A_42 : i32
    %mul3A_44 = arith.constant 40 : i32
    %mul3A_45 = arith.muli %arg1, %mul3A_44 : i32
    %add3A_46 = arith.constant 1920 : i32
    %add3A_47 = arith.addi %add3A_46, %mul3A_45 : i32
    %select_n3A = arith.select %eq3A_41, %mul3A_43, %add3A_47 : i32
    %eq3A_48 = arith.constant 0 : i32
    %eq3A_49 = arith.cmpi eq, %arg0, %eq3A_48 : i32
    %jit3A = arith.constant 15 : i32
    %jit3A_50 = arith.constant 5 : i32
    %select_n3A_51 = arith.select %eq3A_49, %jit3A, %jit3A_50 : i32
    %while3A = arith.constant 0 : i32
    %while3A_52 = arith.constant 0 : i32
    %while3A_53 = arith.subi %select_n3A_51, %while3A : i32
    %while3A_54 = arith.addi %while3A, %while3A_53 : i32
    %while3A_55 = arith.constant 1 : i32
    %while3A_56 = arith.divsi %while3A_53, %while3A_55 : i32
    %while3A_57 = arith.muli %while3A_56, %while3A_55 : i32
    %while3A_58 = arith.addi %while3A, %while3A_57 : i32
    %while3A_59 = arith.constant 1 : i32
    %while3A_60 = scf.for %while3A_68 = %while3A to %while3A_58 step %while3A_59 iter_args(%while3A_69 = %while3A_52) -> (i32)  : i32 {
      %mul3A_70 = arith.constant 8 : i32
      %mul3A_71 = arith.muli %while3A_68, %mul3A_70 : i32
      %add3A_72 = arith.addi %select_n3A, %mul3A_71 : i32
      "tpu.region"() ({
        %run_scoped3A_94 = tpu.sem_alloc : memref<!tpu.dma_semaphore, #tpu.memory_space<semaphore_mem>>
        %dma_start3A_95 = arith.constant 0 : i32
        %dma_start3A_96 = tpu.memref_slice %arg3[%add3A_72, %dma_start3A_95] : memref<2560x128xi32, #tpu.memory_space<hbm>> -> memref<8x128xi32, #tpu.memory_space<hbm>>
        %dma_start3A_97 = arith.constant 0 : i32
        %dma_start3A_98 = tpu.memref_slice %arg3[%add3A_72, %dma_start3A_97] : memref<2560x128xi32, #tpu.memory_space<hbm>> -> memref<8x128xi32, #tpu.memory_space<hbm>>
        tpu.enqueue_dma source(%dma_start3A_98 : memref<8x128xi32, #tpu.memory_space<hbm>>) target(%arg8 : memref<8x128xi32, #tpu.memory_space<vmem>>) target_semaphore(%run_scoped3A_94 : memref<!tpu.dma_semaphore, #tpu.memory_space<semaphore_mem>>)
        %dma_wait3A_99 = arith.constant 0 : i32
        %dma_wait3A_100 = tpu.memref_slice %arg3[%add3A_72, %dma_wait3A_99] : memref<2560x128xi32, #tpu.memory_space<hbm>> -> memref<8x128xi32, #tpu.memory_space<hbm>>
        %dma_wait3A_101 = arith.constant 0 : i32
        %dma_wait3A_102 = tpu.memref_slice %arg3[%add3A_72, %dma_wait3A_101] : memref<2560x128xi32, #tpu.memory_space<hbm>> -> memref<8x128xi32, #tpu.memory_space<hbm>>
        tpu.wait_dma2 semaphore(%run_scoped3A_94 : memref<!tpu.dma_semaphore, #tpu.memory_space<semaphore_mem>>) src(%dma_wait3A_102 : memref<8x128xi32, #tpu.memory_space<hbm>>) dst(%arg8 : memref<8x128xi32, #tpu.memory_space<vmem>>)
        tpu.yield
      }) : () -> ()
      "tpu.region"() ({
        %run_scoped3A_94 = tpu.sem_alloc : memref<!tpu.dma_semaphore, #tpu.memory_space<semaphore_mem>>
        %dma_start3A_95 = arith.constant 0 : i32
        %dma_start3A_96 = tpu.memref_slice %arg4[%add3A_72, %dma_start3A_95] : memref<2560x128xi32, #tpu.memory_space<hbm>> -> memref<8x128xi32, #tpu.memory_space<hbm>>
        %dma_start3A_97 = arith.constant 0 : i32
        %dma_start3A_98 = tpu.memref_slice %arg4[%add3A_72, %dma_start3A_97] : memref<2560x128xi32, #tpu.memory_space<hbm>> -> memref<8x128xi32, #tpu.memory_space<hbm>>
        tpu.enqueue_dma source(%dma_start3A_98 : memref<8x128xi32, #tpu.memory_space<hbm>>) target(%arg9 : memref<8x128xi32, #tpu.memory_space<vmem>>) target_semaphore(%run_scoped3A_94 : memref<!tpu.dma_semaphore, #tpu.memory_space<semaphore_mem>>)
        %dma_wait3A_99 = arith.constant 0 : i32
        %dma_wait3A_100 = tpu.memref_slice %arg4[%add3A_72, %dma_wait3A_99] : memref<2560x128xi32, #tpu.memory_space<hbm>> -> memref<8x128xi32, #tpu.memory_space<hbm>>
        %dma_wait3A_101 = arith.constant 0 : i32
        %dma_wait3A_102 = tpu.memref_slice %arg4[%add3A_72, %dma_wait3A_101] : memref<2560x128xi32, #tpu.memory_space<hbm>> -> memref<8x128xi32, #tpu.memory_space<hbm>>
        tpu.wait_dma2 semaphore(%run_scoped3A_94 : memref<!tpu.dma_semaphore, #tpu.memory_space<semaphore_mem>>) src(%dma_wait3A_102 : memref<8x128xi32, #tpu.memory_space<hbm>>) dst(%arg9 : memref<8x128xi32, #tpu.memory_space<vmem>>)
        tpu.yield
      }) : () -> ()
      %run_scoped3A = arith.constant 0 : i32
      "tpu.region"() ({
        %run_scoped3A_94 = tpu.sem_alloc : memref<!tpu.dma_semaphore, #tpu.memory_space<semaphore_mem>>
        %dma_start3A_95 = arith.constant 0 : i32
        %dma_start3A_96 = tpu.memref_slice %arg8[%run_scoped3A, %dma_start3A_95] : memref<8x128xi32, #tpu.memory_space<vmem>> -> memref<1x128xi32, #tpu.memory_space<vmem>>
        %dma_start3A_97 = tpu.memref_squeeze %dma_start3A_96 : memref<1x128xi32, #tpu.memory_space<vmem>> -> memref<128xi32, #tpu.memory_space<vmem>>
        %dma_start3A_98 = arith.constant 0 : i32
        %dma_start3A_99 = arith.constant 0 : i32
        %dma_start3A_100 = tpu.memref_slice %arg2[%dma_start3A_98, %dma_start3A_99] : memref<10240x128xf32, #tpu.memory_space<hbm>> -> memref<10240x128xf32, #tpu.memory_space<hbm>>
        tpu.enqueue_indirect_dma source(%dma_start3A_100 : memref<10240x128xf32, #tpu.memory_space<hbm>>) target(%arg10 : memref<128x128xf32, #tpu.memory_space<vmem>>) offsets(%dma_start3A_97 : memref<128xi32, #tpu.memory_space<vmem>>) semaphore(%run_scoped3A_94 : memref<!tpu.dma_semaphore, #tpu.memory_space<semaphore_mem>>)
        %dma_wait3A_101 = arith.constant 0 : i32
        %dma_wait3A_102 = tpu.memref_slice %arg8[%run_scoped3A, %dma_wait3A_101] : memref<8x128xi32, #tpu.memory_space<vmem>> -> memref<1x128xi32, #tpu.memory_space<vmem>>
        %dma_wait3A_103 = tpu.memref_squeeze %dma_wait3A_102 : memref<1x128xi32, #tpu.memory_space<vmem>> -> memref<128xi32, #tpu.memory_space<vmem>>
        %dma_wait3A_104 = arith.constant 0 : i32
        %dma_wait3A_105 = arith.constant 0 : i32
        %dma_wait3A_106 = tpu.memref_slice %arg2[%dma_wait3A_104, %dma_wait3A_105] : memref<10240x128xf32, #tpu.memory_space<hbm>> -> memref<10240x128xf32, #tpu.memory_space<hbm>>
        tpu.wait_indirect_dma semaphore(%run_scoped3A_94 : memref<!tpu.dma_semaphore, #tpu.memory_space<semaphore_mem>>) src(%dma_wait3A_106 : memref<10240x128xf32, #tpu.memory_space<hbm>>) dst(%arg10 : memref<128x128xf32, #tpu.memory_space<vmem>>)
        tpu.yield
      }) : () -> ()
      %scan3A = arith.constant 0 : i32
      %scan3A_73 = arith.constant 0 : i32
      %scan3A_74 = arith.constant 3 : i32
      %scan3A_75 = arith.addi %scan3A_73, %scan3A_74 : i32
      %scan3A_76 = arith.constant 1 : i32
      %scan3A_77 = scf.for %scan3A_94 = %scan3A_73 to %scan3A_75 step %scan3A_76 iter_args(%scan3A_95 = %scan3A) -> (i32)  : i32 {
        %mul3A_96 = arith.constant 2 : i32
        %mul3A_97 = arith.muli %mul3A_96, %scan3A_94 : i32
        %add3A_98 = arith.constant 1 : i32
        %add3A_99 = arith.addi %mul3A_97, %add3A_98 : i32
        %dma_start3A_100 = arith.constant 0 : i32
        %dma_start3A_101 = tpu.memref_slice %arg8[%add3A_99, %dma_start3A_100] : memref<8x128xi32, #tpu.memory_space<vmem>> -> memref<1x128xi32, #tpu.memory_space<vmem>>
        %dma_start3A_102 = tpu.memref_squeeze %dma_start3A_101 : memref<1x128xi32, #tpu.memory_space<vmem>> -> memref<128xi32, #tpu.memory_space<vmem>>
        %dma_start3A_103 = arith.constant 0 : i32
        %dma_start3A_104 = arith.constant 0 : i32
        %dma_start3A_105 = tpu.memref_slice %arg2[%dma_start3A_103, %dma_start3A_104] : memref<10240x128xf32, #tpu.memory_space<hbm>> -> memref<10240x128xf32, #tpu.memory_space<hbm>>
        tpu.enqueue_indirect_dma source(%dma_start3A_105 : memref<10240x128xf32, #tpu.memory_space<hbm>>) target(%arg11 : memref<128x128xf32, #tpu.memory_space<vmem>>) offsets(%dma_start3A_102 : memref<128xi32, #tpu.memory_space<vmem>>) semaphore(%arg12 : memref<!tpu.dma_semaphore, #tpu.memory_space<semaphore_mem>>)
        "tpu.region"() ({
          %run_scoped3A_129 = tpu.sem_alloc : memref<!tpu.dma_semaphore, #tpu.memory_space<semaphore_mem>>
          %dma_start3A_130 = arith.constant 0 : i32
          %dma_start3A_131 = tpu.memref_slice %arg9[%mul3A_97, %dma_start3A_130] : memref<8x128xi32, #tpu.memory_space<vmem>> -> memref<1x128xi32, #tpu.memory_space<vmem>>
          %dma_start3A_132 = tpu.memref_squeeze %dma_start3A_131 : memref<1x128xi32, #tpu.memory_space<vmem>> -> memref<128xi32, #tpu.memory_space<vmem>>
          %dma_start3A_133 = arith.constant 0 : i32
          %dma_start3A_134 = arith.constant 0 : i32
          %dma_start3A_135 = tpu.memref_slice %arg7[%dma_start3A_133, %dma_start3A_134] : memref<10240x128xf32, #tpu.memory_space<vmem_shared>> -> memref<10240x128xf32, #tpu.memory_space<vmem_shared>>
          tpu.enqueue_indirect_dma source(%arg10 : memref<128x128xf32, #tpu.memory_space<vmem>>) target(%dma_start3A_135 : memref<10240x128xf32, #tpu.memory_space<vmem_shared>>) offsets(%dma_start3A_132 : memref<128xi32, #tpu.memory_space<vmem>>) semaphore(%run_scoped3A_129 : memref<!tpu.dma_semaphore, #tpu.memory_space<semaphore_mem>>) {add = true}
          %dma_wait3A_136 = arith.constant 0 : i32
          %dma_wait3A_137 = tpu.memref_slice %arg9[%mul3A_97, %dma_wait3A_136] : memref<8x128xi32, #tpu.memory_space<vmem>> -> memref<1x128xi32, #tpu.memory_space<vmem>>
          %dma_wait3A_138 = tpu.memref_squeeze %dma_wait3A_137 : memref<1x128xi32, #tpu.memory_space<vmem>> -> memref<128xi32, #tpu.memory_space<vmem>>
          %dma_wait3A_139 = arith.constant 0 : i32
          %dma_wait3A_140 = arith.constant 0 : i32
          %dma_wait3A_141 = tpu.memref_slice %arg7[%dma_wait3A_139, %dma_wait3A_140] : memref<10240x128xf32, #tpu.memory_space<vmem_shared>> -> memref<10240x128xf32, #tpu.memory_space<vmem_shared>>
          tpu.wait_indirect_dma semaphore(%run_scoped3A_129 : memref<!tpu.dma_semaphore, #tpu.memory_space<semaphore_mem>>) src(%arg10 : memref<128x128xf32, #tpu.memory_space<vmem>>) dst(%dma_wait3A_141 : memref<10240x128xf32, #tpu.memory_space<vmem_shared>>)
          tpu.yield
        }) : () -> ()
        %dma_wait3A_106 = arith.constant 0 : i32
        %dma_wait3A_107 = tpu.memref_slice %arg8[%add3A_99, %dma_wait3A_106] : memref<8x128xi32, #tpu.memory_space<vmem>> -> memref<1x128xi32, #tpu.memory_space<vmem>>
        %dma_wait3A_108 = tpu.memref_squeeze %dma_wait3A_107 : memref<1x128xi32, #tpu.memory_space<vmem>> -> memref<128xi32, #tpu.memory_space<vmem>>
        %dma_wait3A_109 = arith.constant 0 : i32
        %dma_wait3A_110 = arith.constant 0 : i32
        %dma_wait3A_111 = tpu.memref_slice %arg2[%dma_wait3A_109, %dma_wait3A_110] : memref<10240x128xf32, #tpu.memory_space<hbm>> -> memref<10240x128xf32, #tpu.memory_space<hbm>>
        tpu.wait_indirect_dma semaphore(%arg12 : memref<!tpu.dma_semaphore, #tpu.memory_space<semaphore_mem>>) src(%dma_wait3A_111 : memref<10240x128xf32, #tpu.memory_space<hbm>>) dst(%arg11 : memref<128x128xf32, #tpu.memory_space<vmem>>)
        %add3A_112 = arith.constant 2 : i32
        %add3A_113 = arith.addi %mul3A_97, %add3A_112 : i32
        %dma_start3A_114 = arith.constant 0 : i32
        %dma_start3A_115 = tpu.memref_slice %arg8[%add3A_113, %dma_start3A_114] : memref<8x128xi32, #tpu.memory_space<vmem>> -> memref<1x128xi32, #tpu.memory_space<vmem>>
        %dma_start3A_116 = tpu.memref_squeeze %dma_start3A_115 : memref<1x128xi32, #tpu.memory_space<vmem>> -> memref<128xi32, #tpu.memory_space<vmem>>
        %dma_start3A_117 = arith.constant 0 : i32
        %dma_start3A_118 = arith.constant 0 : i32
        %dma_start3A_119 = tpu.memref_slice %arg2[%dma_start3A_117, %dma_start3A_118] : memref<10240x128xf32, #tpu.memory_space<hbm>> -> memref<10240x128xf32, #tpu.memory_space<hbm>>
        tpu.enqueue_indirect_dma source(%dma_start3A_119 : memref<10240x128xf32, #tpu.memory_space<hbm>>) target(%arg10 : memref<128x128xf32, #tpu.memory_space<vmem>>) offsets(%dma_start3A_116 : memref<128xi32, #tpu.memory_space<vmem>>) semaphore(%arg12 : memref<!tpu.dma_semaphore, #tpu.memory_space<semaphore_mem>>)
        %add3A_120 = arith.constant 1 : i32
        %add3A_121 = arith.addi %mul3A_97, %add3A_120 : i32
        "tpu.region"() ({
          %run_scoped3A_129 = tpu.sem_alloc : memref<!tpu.dma_semaphore, #tpu.memory_space<semaphore_mem>>
          %dma_start3A_130 = arith.constant 0 : i32
          %dma_start3A_131 = tpu.memref_slice %arg9[%add3A_121, %dma_start3A_130] : memref<8x128xi32, #tpu.memory_space<vmem>> -> memref<1x128xi32, #tpu.memory_space<vmem>>
          %dma_start3A_132 = tpu.memref_squeeze %dma_start3A_131 : memref<1x128xi32, #tpu.memory_space<vmem>> -> memref<128xi32, #tpu.memory_space<vmem>>
          %dma_start3A_133 = arith.constant 0 : i32
          %dma_start3A_134 = arith.constant 0 : i32
          %dma_start3A_135 = tpu.memref_slice %arg7[%dma_start3A_133, %dma_start3A_134] : memref<10240x128xf32, #tpu.memory_space<vmem_shared>> -> memref<10240x128xf32, #tpu.memory_space<vmem_shared>>
          tpu.enqueue_indirect_dma source(%arg11 : memref<128x128xf32, #tpu.memory_space<vmem>>) target(%dma_start3A_135 : memref<10240x128xf32, #tpu.memory_space<vmem_shared>>) offsets(%dma_start3A_132 : memref<128xi32, #tpu.memory_space<vmem>>) semaphore(%run_scoped3A_129 : memref<!tpu.dma_semaphore, #tpu.memory_space<semaphore_mem>>) {add = true}
          %dma_wait3A_136 = arith.constant 0 : i32
          %dma_wait3A_137 = tpu.memref_slice %arg9[%add3A_121, %dma_wait3A_136] : memref<8x128xi32, #tpu.memory_space<vmem>> -> memref<1x128xi32, #tpu.memory_space<vmem>>
          %dma_wait3A_138 = tpu.memref_squeeze %dma_wait3A_137 : memref<1x128xi32, #tpu.memory_space<vmem>> -> memref<128xi32, #tpu.memory_space<vmem>>
          %dma_wait3A_139 = arith.constant 0 : i32
          %dma_wait3A_140 = arith.constant 0 : i32
          %dma_wait3A_141 = tpu.memref_slice %arg7[%dma_wait3A_139, %dma_wait3A_140] : memref<10240x128xf32, #tpu.memory_space<vmem_shared>> -> memref<10240x128xf32, #tpu.memory_space<vmem_shared>>
          tpu.wait_indirect_dma semaphore(%run_scoped3A_129 : memref<!tpu.dma_semaphore, #tpu.memory_space<semaphore_mem>>) src(%arg11 : memref<128x128xf32, #tpu.memory_space<vmem>>) dst(%dma_wait3A_141 : memref<10240x128xf32, #tpu.memory_space<vmem_shared>>)
          tpu.yield
        }) : () -> ()
        %dma_wait3A_122 = arith.constant 0 : i32
        %dma_wait3A_123 = tpu.memref_slice %arg8[%add3A_113, %dma_wait3A_122] : memref<8x128xi32, #tpu.memory_space<vmem>> -> memref<1x128xi32, #tpu.memory_space<vmem>>
        %dma_wait3A_124 = tpu.memref_squeeze %dma_wait3A_123 : memref<1x128xi32, #tpu.memory_space<vmem>> -> memref<128xi32, #tpu.memory_space<vmem>>
        %dma_wait3A_125 = arith.constant 0 : i32
        %dma_wait3A_126 = arith.constant 0 : i32
        %dma_wait3A_127 = tpu.memref_slice %arg2[%dma_wait3A_125, %dma_wait3A_126] : memref<10240x128xf32, #tpu.memory_space<hbm>> -> memref<10240x128xf32, #tpu.memory_space<hbm>>
        tpu.wait_indirect_dma semaphore(%arg12 : memref<!tpu.dma_semaphore, #tpu.memory_space<semaphore_mem>>) src(%dma_wait3A_127 : memref<10240x128xf32, #tpu.memory_space<hbm>>) dst(%arg10 : memref<128x128xf32, #tpu.memory_space<vmem>>)
        %scan3A_128 = arith.constant 0 : i32
        scf.yield %scan3A_128 : i32
      }
      %scan3A_78 = arith.constant 3 : i32
      %dma_start3A = arith.constant 7 : i32
      %dma_start3A_79 = arith.constant 0 : i32
      %dma_start3A_80 = tpu.memref_slice %arg8[%dma_start3A, %dma_start3A_79] : memref<8x128xi32, #tpu.memory_space<vmem>> -> memref<1x128xi32, #tpu.memory_space<vmem>>
      %dma_start3A_81 = tpu.memref_squeeze %dma_start3A_80 : memref<1x128xi32, #tpu.memory_space<vmem>> -> memref<128xi32, #tpu.memory_space<vmem>>
      %dma_start3A_82 = arith.constant 0 : i32
      %dma_start3A_83 = arith.constant 0 : i32
      %dma_start3A_84 = tpu.memref_slice %arg2[%dma_start3A_82, %dma_start3A_83] : memref<10240x128xf32, #tpu.memory_space<hbm>> -> memref<10240x128xf32, #tpu.memory_space<hbm>>
      tpu.enqueue_indirect_dma source(%dma_start3A_84 : memref<10240x128xf32, #tpu.memory_space<hbm>>) target(%arg11 : memref<128x128xf32, #tpu.memory_space<vmem>>) offsets(%dma_start3A_81 : memref<128xi32, #tpu.memory_space<vmem>>) semaphore(%arg12 : memref<!tpu.dma_semaphore, #tpu.memory_space<semaphore_mem>>)
      %run_scoped3A_85 = arith.constant 6 : i32
      "tpu.region"() ({
        %run_scoped3A_94 = tpu.sem_alloc : memref<!tpu.dma_semaphore, #tpu.memory_space<semaphore_mem>>
        %dma_start3A_95 = arith.constant 0 : i32
        %dma_start3A_96 = tpu.memref_slice %arg9[%run_scoped3A_85, %dma_start3A_95] : memref<8x128xi32, #tpu.memory_space<vmem>> -> memref<1x128xi32, #tpu.memory_space<vmem>>
        %dma_start3A_97 = tpu.memref_squeeze %dma_start3A_96 : memref<1x128xi32, #tpu.memory_space<vmem>> -> memref<128xi32, #tpu.memory_space<vmem>>
        %dma_start3A_98 = arith.constant 0 : i32
        %dma_start3A_99 = arith.constant 0 : i32
        %dma_start3A_100 = tpu.memref_slice %arg7[%dma_start3A_98, %dma_start3A_99] : memref<10240x128xf32, #tpu.memory_space<vmem_shared>> -> memref<10240x128xf32, #tpu.memory_space<vmem_shared>>
        tpu.enqueue_indirect_dma source(%arg10 : memref<128x128xf32, #tpu.memory_space<vmem>>) target(%dma_start3A_100 : memref<10240x128xf32, #tpu.memory_space<vmem_shared>>) offsets(%dma_start3A_97 : memref<128xi32, #tpu.memory_space<vmem>>) semaphore(%run_scoped3A_94 : memref<!tpu.dma_semaphore, #tpu.memory_space<semaphore_mem>>) {add = true}
        %dma_wait3A_101 = arith.constant 0 : i32
        %dma_wait3A_102 = tpu.memref_slice %arg9[%run_scoped3A_85, %dma_wait3A_101] : memref<8x128xi32, #tpu.memory_space<vmem>> -> memref<1x128xi32, #tpu.memory_space<vmem>>
        %dma_wait3A_103 = tpu.memref_squeeze %dma_wait3A_102 : memref<1x128xi32, #tpu.memory_space<vmem>> -> memref<128xi32, #tpu.memory_space<vmem>>
        %dma_wait3A_104 = arith.constant 0 : i32
        %dma_wait3A_105 = arith.constant 0 : i32
        %dma_wait3A_106 = tpu.memref_slice %arg7[%dma_wait3A_104, %dma_wait3A_105] : memref<10240x128xf32, #tpu.memory_space<vmem_shared>> -> memref<10240x128xf32, #tpu.memory_space<vmem_shared>>
        tpu.wait_indirect_dma semaphore(%run_scoped3A_94 : memref<!tpu.dma_semaphore, #tpu.memory_space<semaphore_mem>>) src(%arg10 : memref<128x128xf32, #tpu.memory_space<vmem>>) dst(%dma_wait3A_106 : memref<10240x128xf32, #tpu.memory_space<vmem_shared>>)
        tpu.yield
      }) : () -> ()
      %dma_wait3A = arith.constant 7 : i32
      %dma_wait3A_86 = arith.constant 0 : i32
      %dma_wait3A_87 = tpu.memref_slice %arg8[%dma_wait3A, %dma_wait3A_86] : memref<8x128xi32, #tpu.memory_space<vmem>> -> memref<1x128xi32, #tpu.memory_space<vmem>>
      %dma_wait3A_88 = tpu.memref_squeeze %dma_wait3A_87 : memref<1x128xi32, #tpu.memory_space<vmem>> -> memref<128xi32, #tpu.memory_space<vmem>>
      %dma_wait3A_89 = arith.constant 0 : i32
      %dma_wait3A_90 = arith.constant 0 : i32
      %dma_wait3A_91 = tpu.memref_slice %arg2[%dma_wait3A_89, %dma_wait3A_90] : memref<10240x128xf32, #tpu.memory_space<hbm>> -> memref<10240x128xf32, #tpu.memory_space<hbm>>
      tpu.wait_indirect_dma semaphore(%arg12 : memref<!tpu.dma_semaphore, #tpu.memory_space<semaphore_mem>>) src(%dma_wait3A_91 : memref<10240x128xf32, #tpu.memory_space<hbm>>) dst(%arg11 : memref<128x128xf32, #tpu.memory_space<vmem>>)
      %run_scoped3A_92 = arith.constant 7 : i32
      "tpu.region"() ({
        %run_scoped3A_94 = tpu.sem_alloc : memref<!tpu.dma_semaphore, #tpu.memory_space<semaphore_mem>>
        %dma_start3A_95 = arith.constant 0 : i32
        %dma_start3A_96 = tpu.memref_slice %arg9[%run_scoped3A_92, %dma_start3A_95] : memref<8x128xi32, #tpu.memory_space<vmem>> -> memref<1x128xi32, #tpu.memory_space<vmem>>
        %dma_start3A_97 = tpu.memref_squeeze %dma_start3A_96 : memref<1x128xi32, #tpu.memory_space<vmem>> -> memref<128xi32, #tpu.memory_space<vmem>>
        %dma_start3A_98 = arith.constant 0 : i32
        %dma_start3A_99 = arith.constant 0 : i32
        %dma_start3A_100 = tpu.memref_slice %arg7[%dma_start3A_98, %dma_start3A_99] : memref<10240x128xf32, #tpu.memory_space<vmem_shared>> -> memref<10240x128xf32, #tpu.memory_space<vmem_shared>>
        tpu.enqueue_indirect_dma source(%arg11 : memref<128x128xf32, #tpu.memory_space<vmem>>) target(%dma_start3A_100 : memref<10240x128xf32, #tpu.memory_space<vmem_shared>>) offsets(%dma_start3A_97 : memref<128xi32, #tpu.memory_space<vmem>>) semaphore(%run_scoped3A_94 : memref<!tpu.dma_semaphore, #tpu.memory_space<semaphore_mem>>) {add = true}
        %dma_wait3A_101 = arith.constant 0 : i32
        %dma_wait3A_102 = tpu.memref_slice %arg9[%run_scoped3A_92, %dma_wait3A_101] : memref<8x128xi32, #tpu.memory_space<vmem>> -> memref<1x128xi32, #tpu.memory_space<vmem>>
        %dma_wait3A_103 = tpu.memref_squeeze %dma_wait3A_102 : memref<1x128xi32, #tpu.memory_space<vmem>> -> memref<128xi32, #tpu.memory_space<vmem>>
        %dma_wait3A_104 = arith.constant 0 : i32
        %dma_wait3A_105 = arith.constant 0 : i32
        %dma_wait3A_106 = tpu.memref_slice %arg7[%dma_wait3A_104, %dma_wait3A_105] : memref<10240x128xf32, #tpu.memory_space<vmem_shared>> -> memref<10240x128xf32, #tpu.memory_space<vmem_shared>>
        tpu.wait_indirect_dma semaphore(%run_scoped3A_94 : memref<!tpu.dma_semaphore, #tpu.memory_space<semaphore_mem>>) src(%arg11 : memref<128x128xf32, #tpu.memory_space<vmem>>) dst(%dma_wait3A_106 : memref<10240x128xf32, #tpu.memory_space<vmem_shared>>)
        tpu.yield
      }) : () -> ()
      %while3A_93 = arith.constant 0 : i32
      scf.yield %while3A_93 : i32
    }
    %while3A_61 = arith.constant 1 : i32
    %while3A_62 = scf.for %while3A_68 = %while3A_58 to %while3A_54 step %while3A_61 iter_args(%while3A_69 = %while3A_60) -> (i32)  : i32 {
      %mul3A_70 = arith.constant 8 : i32
      %mul3A_71 = arith.muli %while3A_68, %mul3A_70 : i32
      %add3A_72 = arith.addi %select_n3A, %mul3A_71 : i32
      "tpu.region"() ({
        %run_scoped3A_94 = tpu.sem_alloc : memref<!tpu.dma_semaphore, #tpu.memory_space<semaphore_mem>>
        %dma_start3A_95 = arith.constant 0 : i32
        %dma_start3A_96 = tpu.memref_slice %arg3[%add3A_72, %dma_start3A_95] : memref<2560x128xi32, #tpu.memory_space<hbm>> -> memref<8x128xi32, #tpu.memory_space<hbm>>
        %dma_start3A_97 = arith.constant 0 : i32
        %dma_start3A_98 = tpu.memref_slice %arg3[%add3A_72, %dma_start3A_97] : memref<2560x128xi32, #tpu.memory_space<hbm>> -> memref<8x128xi32, #tpu.memory_space<hbm>>
        tpu.enqueue_dma source(%dma_start3A_98 : memref<8x128xi32, #tpu.memory_space<hbm>>) target(%arg8 : memref<8x128xi32, #tpu.memory_space<vmem>>) target_semaphore(%run_scoped3A_94 : memref<!tpu.dma_semaphore, #tpu.memory_space<semaphore_mem>>)
        %dma_wait3A_99 = arith.constant 0 : i32
        %dma_wait3A_100 = tpu.memref_slice %arg3[%add3A_72, %dma_wait3A_99] : memref<2560x128xi32, #tpu.memory_space<hbm>> -> memref<8x128xi32, #tpu.memory_space<hbm>>
        %dma_wait3A_101 = arith.constant 0 : i32
        %dma_wait3A_102 = tpu.memref_slice %arg3[%add3A_72, %dma_wait3A_101] : memref<2560x128xi32, #tpu.memory_space<hbm>> -> memref<8x128xi32, #tpu.memory_space<hbm>>
        tpu.wait_dma2 semaphore(%run_scoped3A_94 : memref<!tpu.dma_semaphore, #tpu.memory_space<semaphore_mem>>) src(%dma_wait3A_102 : memref<8x128xi32, #tpu.memory_space<hbm>>) dst(%arg8 : memref<8x128xi32, #tpu.memory_space<vmem>>)
        tpu.yield
      }) : () -> ()
      "tpu.region"() ({
        %run_scoped3A_94 = tpu.sem_alloc : memref<!tpu.dma_semaphore, #tpu.memory_space<semaphore_mem>>
        %dma_start3A_95 = arith.constant 0 : i32
        %dma_start3A_96 = tpu.memref_slice %arg4[%add3A_72, %dma_start3A_95] : memref<2560x128xi32, #tpu.memory_space<hbm>> -> memref<8x128xi32, #tpu.memory_space<hbm>>
        %dma_start3A_97 = arith.constant 0 : i32
        %dma_start3A_98 = tpu.memref_slice %arg4[%add3A_72, %dma_start3A_97] : memref<2560x128xi32, #tpu.memory_space<hbm>> -> memref<8x128xi32, #tpu.memory_space<hbm>>
        tpu.enqueue_dma source(%dma_start3A_98 : memref<8x128xi32, #tpu.memory_space<hbm>>) target(%arg9 : memref<8x128xi32, #tpu.memory_space<vmem>>) target_semaphore(%run_scoped3A_94 : memref<!tpu.dma_semaphore, #tpu.memory_space<semaphore_mem>>)
        %dma_wait3A_99 = arith.constant 0 : i32
        %dma_wait3A_100 = tpu.memref_slice %arg4[%add3A_72, %dma_wait3A_99] : memref<2560x128xi32, #tpu.memory_space<hbm>> -> memref<8x128xi32, #tpu.memory_space<hbm>>
        %dma_wait3A_101 = arith.constant 0 : i32
        %dma_wait3A_102 = tpu.memref_slice %arg4[%add3A_72, %dma_wait3A_101] : memref<2560x128xi32, #tpu.memory_space<hbm>> -> memref<8x128xi32, #tpu.memory_space<hbm>>
        tpu.wait_dma2 semaphore(%run_scoped3A_94 : memref<!tpu.dma_semaphore, #tpu.memory_space<semaphore_mem>>) src(%dma_wait3A_102 : memref<8x128xi32, #tpu.memory_space<hbm>>) dst(%arg9 : memref<8x128xi32, #tpu.memory_space<vmem>>)
        tpu.yield
      }) : () -> ()
      %run_scoped3A = arith.constant 0 : i32
      "tpu.region"() ({
        %run_scoped3A_94 = tpu.sem_alloc : memref<!tpu.dma_semaphore, #tpu.memory_space<semaphore_mem>>
        %dma_start3A_95 = arith.constant 0 : i32
        %dma_start3A_96 = tpu.memref_slice %arg8[%run_scoped3A, %dma_start3A_95] : memref<8x128xi32, #tpu.memory_space<vmem>> -> memref<1x128xi32, #tpu.memory_space<vmem>>
        %dma_start3A_97 = tpu.memref_squeeze %dma_start3A_96 : memref<1x128xi32, #tpu.memory_space<vmem>> -> memref<128xi32, #tpu.memory_space<vmem>>
        %dma_start3A_98 = arith.constant 0 : i32
        %dma_start3A_99 = arith.constant 0 : i32
        %dma_start3A_100 = tpu.memref_slice %arg2[%dma_start3A_98, %dma_start3A_99] : memref<10240x128xf32, #tpu.memory_space<hbm>> -> memref<10240x128xf32, #tpu.memory_space<hbm>>
        tpu.enqueue_indirect_dma source(%dma_start3A_100 : memref<10240x128xf32, #tpu.memory_space<hbm>>) target(%arg10 : memref<128x128xf32, #tpu.memory_space<vmem>>) offsets(%dma_start3A_97 : memref<128xi32, #tpu.memory_space<vmem>>) semaphore(%run_scoped3A_94 : memref<!tpu.dma_semaphore, #tpu.memory_space<semaphore_mem>>)
        %dma_wait3A_101 = arith.constant 0 : i32
        %dma_wait3A_102 = tpu.memref_slice %arg8[%run_scoped3A, %dma_wait3A_101] : memref<8x128xi32, #tpu.memory_space<vmem>> -> memref<1x128xi32, #tpu.memory_space<vmem>>
        %dma_wait3A_103 = tpu.memref_squeeze %dma_wait3A_102 : memref<1x128xi32, #tpu.memory_space<vmem>> -> memref<128xi32, #tpu.memory_space<vmem>>
        %dma_wait3A_104 = arith.constant 0 : i32
        %dma_wait3A_105 = arith.constant 0 : i32
        %dma_wait3A_106 = tpu.memref_slice %arg2[%dma_wait3A_104, %dma_wait3A_105] : memref<10240x128xf32, #tpu.memory_space<hbm>> -> memref<10240x128xf32, #tpu.memory_space<hbm>>
        tpu.wait_indirect_dma semaphore(%run_scoped3A_94 : memref<!tpu.dma_semaphore, #tpu.memory_space<semaphore_mem>>) src(%dma_wait3A_106 : memref<10240x128xf32, #tpu.memory_space<hbm>>) dst(%arg10 : memref<128x128xf32, #tpu.memory_space<vmem>>)
        tpu.yield
      }) : () -> ()
      %scan3A = arith.constant 0 : i32
      %scan3A_73 = arith.constant 0 : i32
      %scan3A_74 = arith.constant 3 : i32
      %scan3A_75 = arith.addi %scan3A_73, %scan3A_74 : i32
      %scan3A_76 = arith.constant 1 : i32
      %scan3A_77 = scf.for %scan3A_94 = %scan3A_73 to %scan3A_75 step %scan3A_76 iter_args(%scan3A_95 = %scan3A) -> (i32)  : i32 {
        %mul3A_96 = arith.constant 2 : i32
        %mul3A_97 = arith.muli %mul3A_96, %scan3A_94 : i32
        %add3A_98 = arith.constant 1 : i32
        %add3A_99 = arith.addi %mul3A_97, %add3A_98 : i32
        %dma_start3A_100 = arith.constant 0 : i32
        %dma_start3A_101 = tpu.memref_slice %arg8[%add3A_99, %dma_start3A_100] : memref<8x128xi32, #tpu.memory_space<vmem>> -> memref<1x128xi32, #tpu.memory_space<vmem>>
        %dma_start3A_102 = tpu.memref_squeeze %dma_start3A_101 : memref<1x128xi32, #tpu.memory_space<vmem>> -> memref<128xi32, #tpu.memory_space<vmem>>
        %dma_start3A_103 = arith.constant 0 : i32
        %dma_start3A_104 = arith.constant 0 : i32
        %dma_start3A_105 = tpu.memref_slice %arg2[%dma_start3A_103, %dma_start3A_104] : memref<10240x128xf32, #tpu.memory_space<hbm>> -> memref<10240x128xf32, #tpu.memory_space<hbm>>
        tpu.enqueue_indirect_dma source(%dma_start3A_105 : memref<10240x128xf32, #tpu.memory_space<hbm>>) target(%arg11 : memref<128x128xf32, #tpu.memory_space<vmem>>) offsets(%dma_start3A_102 : memref<128xi32, #tpu.memory_space<vmem>>) semaphore(%arg12 : memref<!tpu.dma_semaphore, #tpu.memory_space<semaphore_mem>>)
        "tpu.region"() ({
          %run_scoped3A_129 = tpu.sem_alloc : memref<!tpu.dma_semaphore, #tpu.memory_space<semaphore_mem>>
          %dma_start3A_130 = arith.constant 0 : i32
          %dma_start3A_131 = tpu.memref_slice %arg9[%mul3A_97, %dma_start3A_130] : memref<8x128xi32, #tpu.memory_space<vmem>> -> memref<1x128xi32, #tpu.memory_space<vmem>>
          %dma_start3A_132 = tpu.memref_squeeze %dma_start3A_131 : memref<1x128xi32, #tpu.memory_space<vmem>> -> memref<128xi32, #tpu.memory_space<vmem>>
          %dma_start3A_133 = arith.constant 0 : i32
          %dma_start3A_134 = arith.constant 0 : i32
          %dma_start3A_135 = tpu.memref_slice %arg7[%dma_start3A_133, %dma_start3A_134] : memref<10240x128xf32, #tpu.memory_space<vmem_shared>> -> memref<10240x128xf32, #tpu.memory_space<vmem_shared>>
          tpu.enqueue_indirect_dma source(%arg10 : memref<128x128xf32, #tpu.memory_space<vmem>>) target(%dma_start3A_135 : memref<10240x128xf32, #tpu.memory_space<vmem_shared>>) offsets(%dma_start3A_132 : memref<128xi32, #tpu.memory_space<vmem>>) semaphore(%run_scoped3A_129 : memref<!tpu.dma_semaphore, #tpu.memory_space<semaphore_mem>>) {add = true}
          %dma_wait3A_136 = arith.constant 0 : i32
          %dma_wait3A_137 = tpu.memref_slice %arg9[%mul3A_97, %dma_wait3A_136] : memref<8x128xi32, #tpu.memory_space<vmem>> -> memref<1x128xi32, #tpu.memory_space<vmem>>
          %dma_wait3A_138 = tpu.memref_squeeze %dma_wait3A_137 : memref<1x128xi32, #tpu.memory_space<vmem>> -> memref<128xi32, #tpu.memory_space<vmem>>
          %dma_wait3A_139 = arith.constant 0 : i32
          %dma_wait3A_140 = arith.constant 0 : i32
          %dma_wait3A_141 = tpu.memref_slice %arg7[%dma_wait3A_139, %dma_wait3A_140] : memref<10240x128xf32, #tpu.memory_space<vmem_shared>> -> memref<10240x128xf32, #tpu.memory_space<vmem_shared>>
          tpu.wait_indirect_dma semaphore(%run_scoped3A_129 : memref<!tpu.dma_semaphore, #tpu.memory_space<semaphore_mem>>) src(%arg10 : memref<128x128xf32, #tpu.memory_space<vmem>>) dst(%dma_wait3A_141 : memref<10240x128xf32, #tpu.memory_space<vmem_shared>>)
          tpu.yield
        }) : () -> ()
        %dma_wait3A_106 = arith.constant 0 : i32
        %dma_wait3A_107 = tpu.memref_slice %arg8[%add3A_99, %dma_wait3A_106] : memref<8x128xi32, #tpu.memory_space<vmem>> -> memref<1x128xi32, #tpu.memory_space<vmem>>
        %dma_wait3A_108 = tpu.memref_squeeze %dma_wait3A_107 : memref<1x128xi32, #tpu.memory_space<vmem>> -> memref<128xi32, #tpu.memory_space<vmem>>
        %dma_wait3A_109 = arith.constant 0 : i32
        %dma_wait3A_110 = arith.constant 0 : i32
        %dma_wait3A_111 = tpu.memref_slice %arg2[%dma_wait3A_109, %dma_wait3A_110] : memref<10240x128xf32, #tpu.memory_space<hbm>> -> memref<10240x128xf32, #tpu.memory_space<hbm>>
        tpu.wait_indirect_dma semaphore(%arg12 : memref<!tpu.dma_semaphore, #tpu.memory_space<semaphore_mem>>) src(%dma_wait3A_111 : memref<10240x128xf32, #tpu.memory_space<hbm>>) dst(%arg11 : memref<128x128xf32, #tpu.memory_space<vmem>>)
        %add3A_112 = arith.constant 2 : i32
        %add3A_113 = arith.addi %mul3A_97, %add3A_112 : i32
        %dma_start3A_114 = arith.constant 0 : i32
        %dma_start3A_115 = tpu.memref_slice %arg8[%add3A_113, %dma_start3A_114] : memref<8x128xi32, #tpu.memory_space<vmem>> -> memref<1x128xi32, #tpu.memory_space<vmem>>
        %dma_start3A_116 = tpu.memref_squeeze %dma_start3A_115 : memref<1x128xi32, #tpu.memory_space<vmem>> -> memref<128xi32, #tpu.memory_space<vmem>>
        %dma_start3A_117 = arith.constant 0 : i32
        %dma_start3A_118 = arith.constant 0 : i32
        %dma_start3A_119 = tpu.memref_slice %arg2[%dma_start3A_117, %dma_start3A_118] : memref<10240x128xf32, #tpu.memory_space<hbm>> -> memref<10240x128xf32, #tpu.memory_space<hbm>>
        tpu.enqueue_indirect_dma source(%dma_start3A_119 : memref<10240x128xf32, #tpu.memory_space<hbm>>) target(%arg10 : memref<128x128xf32, #tpu.memory_space<vmem>>) offsets(%dma_start3A_116 : memref<128xi32, #tpu.memory_space<vmem>>) semaphore(%arg12 : memref<!tpu.dma_semaphore, #tpu.memory_space<semaphore_mem>>)
        %add3A_120 = arith.constant 1 : i32
        %add3A_121 = arith.addi %mul3A_97, %add3A_120 : i32
        "tpu.region"() ({
          %run_scoped3A_129 = tpu.sem_alloc : memref<!tpu.dma_semaphore, #tpu.memory_space<semaphore_mem>>
          %dma_start3A_130 = arith.constant 0 : i32
          %dma_start3A_131 = tpu.memref_slice %arg9[%add3A_121, %dma_start3A_130] : memref<8x128xi32, #tpu.memory_space<vmem>> -> memref<1x128xi32, #tpu.memory_space<vmem>>
          %dma_start3A_132 = tpu.memref_squeeze %dma_start3A_131 : memref<1x128xi32, #tpu.memory_space<vmem>> -> memref<128xi32, #tpu.memory_space<vmem>>
          %dma_start3A_133 = arith.constant 0 : i32
          %dma_start3A_134 = arith.constant 0 : i32
          %dma_start3A_135 = tpu.memref_slice %arg7[%dma_start3A_133, %dma_start3A_134] : memref<10240x128xf32, #tpu.memory_space<vmem_shared>> -> memref<10240x128xf32, #tpu.memory_space<vmem_shared>>
          tpu.enqueue_indirect_dma source(%arg11 : memref<128x128xf32, #tpu.memory_space<vmem>>) target(%dma_start3A_135 : memref<10240x128xf32, #tpu.memory_space<vmem_shared>>) offsets(%dma_start3A_132 : memref<128xi32, #tpu.memory_space<vmem>>) semaphore(%run_scoped3A_129 : memref<!tpu.dma_semaphore, #tpu.memory_space<semaphore_mem>>) {add = true}
          %dma_wait3A_136 = arith.constant 0 : i32
          %dma_wait3A_137 = tpu.memref_slice %arg9[%add3A_121, %dma_wait3A_136] : memref<8x128xi32, #tpu.memory_space<vmem>> -> memref<1x128xi32, #tpu.memory_space<vmem>>
          %dma_wait3A_138 = tpu.memref_squeeze %dma_wait3A_137 : memref<1x128xi32, #tpu.memory_space<vmem>> -> memref<128xi32, #tpu.memory_space<vmem>>
          %dma_wait3A_139 = arith.constant 0 : i32
          %dma_wait3A_140 = arith.constant 0 : i32
          %dma_wait3A_141 = tpu.memref_slice %arg7[%dma_wait3A_139, %dma_wait3A_140] : memref<10240x128xf32, #tpu.memory_space<vmem_shared>> -> memref<10240x128xf32, #tpu.memory_space<vmem_shared>>
          tpu.wait_indirect_dma semaphore(%run_scoped3A_129 : memref<!tpu.dma_semaphore, #tpu.memory_space<semaphore_mem>>) src(%arg11 : memref<128x128xf32, #tpu.memory_space<vmem>>) dst(%dma_wait3A_141 : memref<10240x128xf32, #tpu.memory_space<vmem_shared>>)
          tpu.yield
        }) : () -> ()
        %dma_wait3A_122 = arith.constant 0 : i32
        %dma_wait3A_123 = tpu.memref_slice %arg8[%add3A_113, %dma_wait3A_122] : memref<8x128xi32, #tpu.memory_space<vmem>> -> memref<1x128xi32, #tpu.memory_space<vmem>>
        %dma_wait3A_124 = tpu.memref_squeeze %dma_wait3A_123 : memref<1x128xi32, #tpu.memory_space<vmem>> -> memref<128xi32, #tpu.memory_space<vmem>>
        %dma_wait3A_125 = arith.constant 0 : i32
        %dma_wait3A_126 = arith.constant 0 : i32
        %dma_wait3A_127 = tpu.memref_slice %arg2[%dma_wait3A_125, %dma_wait3A_126] : memref<10240x128xf32, #tpu.memory_space<hbm>> -> memref<10240x128xf32, #tpu.memory_space<hbm>>
        tpu.wait_indirect_dma semaphore(%arg12 : memref<!tpu.dma_semaphore, #tpu.memory_space<semaphore_mem>>) src(%dma_wait3A_127 : memref<10240x128xf32, #tpu.memory_space<hbm>>) dst(%arg10 : memref<128x128xf32, #tpu.memory_space<vmem>>)
        %scan3A_128 = arith.constant 0 : i32
        scf.yield %scan3A_128 : i32
      }
      %scan3A_78 = arith.constant 3 : i32
      %dma_start3A = arith.constant 7 : i32
      %dma_start3A_79 = arith.constant 0 : i32
      %dma_start3A_80 = tpu.memref_slice %arg8[%dma_start3A, %dma_start3A_79] : memref<8x128xi32, #tpu.memory_space<vmem>> -> memref<1x128xi32, #tpu.memory_space<vmem>>
      %dma_start3A_81 = tpu.memref_squeeze %dma_start3A_80 : memref<1x128xi32, #tpu.memory_space<vmem>> -> memref<128xi32, #tpu.memory_space<vmem>>
      %dma_start3A_82 = arith.constant 0 : i32
      %dma_start3A_83 = arith.constant 0 : i32
      %dma_start3A_84 = tpu.memref_slice %arg2[%dma_start3A_82, %dma_start3A_83] : memref<10240x128xf32, #tpu.memory_space<hbm>> -> memref<10240x128xf32, #tpu.memory_space<hbm>>
      tpu.enqueue_indirect_dma source(%dma_start3A_84 : memref<10240x128xf32, #tpu.memory_space<hbm>>) target(%arg11 : memref<128x128xf32, #tpu.memory_space<vmem>>) offsets(%dma_start3A_81 : memref<128xi32, #tpu.memory_space<vmem>>) semaphore(%arg12 : memref<!tpu.dma_semaphore, #tpu.memory_space<semaphore_mem>>)
      %run_scoped3A_85 = arith.constant 6 : i32
      "tpu.region"() ({
        %run_scoped3A_94 = tpu.sem_alloc : memref<!tpu.dma_semaphore, #tpu.memory_space<semaphore_mem>>
        %dma_start3A_95 = arith.constant 0 : i32
        %dma_start3A_96 = tpu.memref_slice %arg9[%run_scoped3A_85, %dma_start3A_95] : memref<8x128xi32, #tpu.memory_space<vmem>> -> memref<1x128xi32, #tpu.memory_space<vmem>>
        %dma_start3A_97 = tpu.memref_squeeze %dma_start3A_96 : memref<1x128xi32, #tpu.memory_space<vmem>> -> memref<128xi32, #tpu.memory_space<vmem>>
        %dma_start3A_98 = arith.constant 0 : i32
        %dma_start3A_99 = arith.constant 0 : i32
        %dma_start3A_100 = tpu.memref_slice %arg7[%dma_start3A_98, %dma_start3A_99] : memref<10240x128xf32, #tpu.memory_space<vmem_shared>> -> memref<10240x128xf32, #tpu.memory_space<vmem_shared>>
        tpu.enqueue_indirect_dma source(%arg10 : memref<128x128xf32, #tpu.memory_space<vmem>>) target(%dma_start3A_100 : memref<10240x128xf32, #tpu.memory_space<vmem_shared>>) offsets(%dma_start3A_97 : memref<128xi32, #tpu.memory_space<vmem>>) semaphore(%run_scoped3A_94 : memref<!tpu.dma_semaphore, #tpu.memory_space<semaphore_mem>>) {add = true}
        %dma_wait3A_101 = arith.constant 0 : i32
        %dma_wait3A_102 = tpu.memref_slice %arg9[%run_scoped3A_85, %dma_wait3A_101] : memref<8x128xi32, #tpu.memory_space<vmem>> -> memref<1x128xi32, #tpu.memory_space<vmem>>
        %dma_wait3A_103 = tpu.memref_squeeze %dma_wait3A_102 : memref<1x128xi32, #tpu.memory_space<vmem>> -> memref<128xi32, #tpu.memory_space<vmem>>
        %dma_wait3A_104 = arith.constant 0 : i32
        %dma_wait3A_105 = arith.constant 0 : i32
        %dma_wait3A_106 = tpu.memref_slice %arg7[%dma_wait3A_104, %dma_wait3A_105] : memref<10240x128xf32, #tpu.memory_space<vmem_shared>> -> memref<10240x128xf32, #tpu.memory_space<vmem_shared>>
        tpu.wait_indirect_dma semaphore(%run_scoped3A_94 : memref<!tpu.dma_semaphore, #tpu.memory_space<semaphore_mem>>) src(%arg10 : memref<128x128xf32, #tpu.memory_space<vmem>>) dst(%dma_wait3A_106 : memref<10240x128xf32, #tpu.memory_space<vmem_shared>>)
        tpu.yield
      }) : () -> ()
      %dma_wait3A = arith.constant 7 : i32
      %dma_wait3A_86 = arith.constant 0 : i32
      %dma_wait3A_87 = tpu.memref_slice %arg8[%dma_wait3A, %dma_wait3A_86] : memref<8x128xi32, #tpu.memory_space<vmem>> -> memref<1x128xi32, #tpu.memory_space<vmem>>
      %dma_wait3A_88 = tpu.memref_squeeze %dma_wait3A_87 : memref<1x128xi32, #tpu.memory_space<vmem>> -> memref<128xi32, #tpu.memory_space<vmem>>
      %dma_wait3A_89 = arith.constant 0 : i32
      %dma_wait3A_90 = arith.constant 0 : i32
      %dma_wait3A_91 = tpu.memref_slice %arg2[%dma_wait3A_89, %dma_wait3A_90] : memref<10240x128xf32, #tpu.memory_space<hbm>> -> memref<10240x128xf32, #tpu.memory_space<hbm>>
      tpu.wait_indirect_dma semaphore(%arg12 : memref<!tpu.dma_semaphore, #tpu.memory_space<semaphore_mem>>) src(%dma_wait3A_91 : memref<10240x128xf32, #tpu.memory_space<hbm>>) dst(%arg11 : memref<128x128xf32, #tpu.memory_space<vmem>>)
      %run_scoped3A_92 = arith.constant 7 : i32
      "tpu.region"() ({
        %run_scoped3A_94 = tpu.sem_alloc : memref<!tpu.dma_semaphore, #tpu.memory_space<semaphore_mem>>
        %dma_start3A_95 = arith.constant 0 : i32
        %dma_start3A_96 = tpu.memref_slice %arg9[%run_scoped3A_92, %dma_start3A_95] : memref<8x128xi32, #tpu.memory_space<vmem>> -> memref<1x128xi32, #tpu.memory_space<vmem>>
        %dma_start3A_97 = tpu.memref_squeeze %dma_start3A_96 : memref<1x128xi32, #tpu.memory_space<vmem>> -> memref<128xi32, #tpu.memory_space<vmem>>
        %dma_start3A_98 = arith.constant 0 : i32
        %dma_start3A_99 = arith.constant 0 : i32
        %dma_start3A_100 = tpu.memref_slice %arg7[%dma_start3A_98, %dma_start3A_99] : memref<10240x128xf32, #tpu.memory_space<vmem_shared>> -> memref<10240x128xf32, #tpu.memory_space<vmem_shared>>
        tpu.enqueue_indirect_dma source(%arg11 : memref<128x128xf32, #tpu.memory_space<vmem>>) target(%dma_start3A_100 : memref<10240x128xf32, #tpu.memory_space<vmem_shared>>) offsets(%dma_start3A_97 : memref<128xi32, #tpu.memory_space<vmem>>) semaphore(%run_scoped3A_94 : memref<!tpu.dma_semaphore, #tpu.memory_space<semaphore_mem>>) {add = true}
        %dma_wait3A_101 = arith.constant 0 : i32
        %dma_wait3A_102 = tpu.memref_slice %arg9[%run_scoped3A_92, %dma_wait3A_101] : memref<8x128xi32, #tpu.memory_space<vmem>> -> memref<1x128xi32, #tpu.memory_space<vmem>>
        %dma_wait3A_103 = tpu.memref_squeeze %dma_wait3A_102 : memref<1x128xi32, #tpu.memory_space<vmem>> -> memref<128xi32, #tpu.memory_space<vmem>>
        %dma_wait3A_104 = arith.constant 0 : i32
        %dma_wait3A_105 = arith.constant 0 : i32
        %dma_wait3A_106 = tpu.memref_slice %arg7[%dma_wait3A_104, %dma_wait3A_105] : memref<10240x128xf32, #tpu.memory_space<vmem_shared>> -> memref<10240x128xf32, #tpu.memory_space<vmem_shared>>
        tpu.wait_indirect_dma semaphore(%run_scoped3A_94 : memref<!tpu.dma_semaphore, #tpu.memory_space<semaphore_mem>>) src(%arg11 : memref<128x128xf32, #tpu.memory_space<vmem>>) dst(%dma_wait3A_106 : memref<10240x128xf32, #tpu.memory_space<vmem_shared>>)
        tpu.yield
      }) : () -> ()
      %while3A_93 = arith.constant 0 : i32
      scf.yield %while3A_93 : i32
    }
    %barrier3A_63 = arith.constant 0 : index
    tpu.barrier barrier_id(%barrier3A_63)
    %mul3A_64 = arith.constant 640 : i32
    %mul3A_65 = arith.muli %arg1, %mul3A_64 : i32
    %mul3A_66 = arith.constant 640 : i32
    %mul3A_67 = arith.muli %arg1, %mul3A_66 : i32
    "tpu.region"() ({
      %run_scoped3A = tpu.sem_alloc : memref<!tpu.dma_semaphore, #tpu.memory_space<semaphore_mem>>
      %dma_start3A = arith.constant 0 : i32
      %dma_start3A_68 = tpu.memref_slice %arg6[%arg0, %mul3A_67, %dma_start3A] : memref<2x10240x128xf32, #tpu.memory_space<hbm>> -> memref<1x640x128xf32, #tpu.memory_space<hbm>>
      %dma_start3A_69 = tpu.memref_squeeze %dma_start3A_68 : memref<1x640x128xf32, #tpu.memory_space<hbm>> -> memref<640x128xf32, #tpu.memory_space<hbm>>
      %dma_start3A_70 = arith.constant 0 : i32
      %dma_start3A_71 = tpu.memref_slice %arg7[%mul3A_65, %dma_start3A_70] : memref<10240x128xf32, #tpu.memory_space<vmem_shared>> -> memref<640x128xf32, #tpu.memory_space<vmem_shared>>
      tpu.enqueue_dma source(%dma_start3A_71 : memref<640x128xf32, #tpu.memory_space<vmem_shared>>) target(%dma_start3A_69 : memref<640x128xf32, #tpu.memory_space<hbm>>) target_semaphore(%run_scoped3A : memref<!tpu.dma_semaphore, #tpu.memory_space<semaphore_mem>>)
      %dma_wait3A = arith.constant 0 : i32
      %dma_wait3A_72 = tpu.memref_slice %arg6[%arg0, %mul3A_67, %dma_wait3A] : memref<2x10240x128xf32, #tpu.memory_space<hbm>> -> memref<1x640x128xf32, #tpu.memory_space<hbm>>
      %dma_wait3A_73 = tpu.memref_squeeze %dma_wait3A_72 : memref<1x640x128xf32, #tpu.memory_space<hbm>> -> memref<640x128xf32, #tpu.memory_space<hbm>>
      %dma_wait3A_74 = arith.constant 0 : i32
      %dma_wait3A_75 = tpu.memref_slice %arg7[%mul3A_65, %dma_wait3A_74] : memref<10240x128xf32, #tpu.memory_space<vmem_shared>> -> memref<640x128xf32, #tpu.memory_space<vmem_shared>>
      tpu.wait_dma2 semaphore(%run_scoped3A : memref<!tpu.dma_semaphore, #tpu.memory_space<semaphore_mem>>) src(%dma_wait3A_75 : memref<640x128xf32, #tpu.memory_space<vmem_shared>>) dst(%dma_wait3A_73 : memref<640x128xf32, #tpu.memory_space<hbm>>)
      tpu.yield
    }) : () -> ()
    return
  }
}

#map = affine_map<(d0, d1) -> (0, 0)>
#map1 = affine_map<(d0, d1) -> (0, 0, 0)>
module attributes {stable_mosaic.version = 14 : i64} {
  func.func @k(%arg0: i32, %arg1: i32, %arg2: memref<10240x128xf32, #tpu.memory_space<hbm>>, %arg3: memref<2560x128xi32, #tpu.memory_space<hbm>>, %arg4: memref<2560x128xi32, #tpu.memory_space<hbm>>, %arg5: memref<640x128xf32, #tpu.memory_space<hbm>>, %arg6: memref<2x10240x128xf32, #tpu.memory_space<hbm>>, %arg7: memref<10240x128xf32, #tpu.memory_space<vmem_shared>>, %arg8: memref<8x128xi32, #tpu.memory_space<vmem>>, %arg9: memref<8x128xi32, #tpu.memory_space<vmem>>, %arg10: memref<128x128xf32, #tpu.memory_space<vmem>>, %arg11: memref<128x128xf32, #tpu.memory_space<vmem>>, %arg12: memref<!tpu.dma_semaphore, #tpu.memory_space<semaphore_mem>>) attributes {dimension_semantics = [#tpu.dimension_semantics<core_parallel>, #tpu.dimension_semantics<subcore_parallel>], iteration_bounds = array<i64: 2, 16>, scalar_prefetch = 0 : i64, scratch_operands = 6 : i64, tpu.core_type = #tpu.core_type<sc_vector_subcore>, window_params = [{transform_indices = #map}, {transform_indices = #map}, {transform_indices = #map}, {transform_indices = #map}, {transform_indices = #map1}]} {
    %mul3A = arith.constant 16 : i32
    %mul3A_0 = arith.muli %arg0, %mul3A : i32
    %add3A = arith.addi %mul3A_0, %arg1 : i32
    %mul3A_1 = arith.constant 640 : i32
    %mul3A_2 = arith.muli %arg1, %mul3A_1 : i32
    %add3A_3 = arith.constant 0 : i32
    %add3A_4 = arith.addi %mul3A_2, %add3A_3 : i32
    "tpu.region"() ({
      %run_scoped3A = tpu.sem_alloc : memref<!tpu.dma_semaphore, #tpu.memory_space<semaphore_mem>>
      %dma_start3A = arith.constant 0 : i32
      %dma_start3A_68 = tpu.memref_slice %arg7[%add3A_4, %dma_start3A] : memref<10240x128xf32, #tpu.memory_space<vmem_shared>> -> memref<64x128xf32, #tpu.memory_space<vmem_shared>>
      %dma_start3A_69 = arith.constant 0 : i32
      %dma_start3A_70 = arith.constant 0 : i32
      %dma_start3A_71 = tpu.memref_slice %arg5[%dma_start3A_69, %dma_start3A_70] : memref<640x128xf32, #tpu.memory_space<hbm>> -> memref<64x128xf32, #tpu.memory_space<hbm>>
      tpu.enqueue_dma source(%dma_start3A_71 : memref<64x128xf32, #tpu.memory_space<hbm>>) target(%dma_start3A_68 : memref<64x128xf32, #tpu.memory_space<vmem_shared>>) target_semaphore(%run_scoped3A : memref<!tpu.dma_semaphore, #tpu.memory_space<semaphore_mem>>)
      %dma_wait3A = arith.constant 0 : i32
      %dma_wait3A_72 = tpu.memref_slice %arg7[%add3A_4, %dma_wait3A] : memref<10240x128xf32, #tpu.memory_space<vmem_shared>> -> memref<64x128xf32, #tpu.memory_space<vmem_shared>>
      %dma_wait3A_73 = arith.constant 0 : i32
      %dma_wait3A_74 = arith.constant 0 : i32
      %dma_wait3A_75 = tpu.memref_slice %arg5[%dma_wait3A_73, %dma_wait3A_74] : memref<640x128xf32, #tpu.memory_space<hbm>> -> memref<64x128xf32, #tpu.memory_space<hbm>>
      tpu.wait_dma2 semaphore(%run_scoped3A : memref<!tpu.dma_semaphore, #tpu.memory_space<semaphore_mem>>) src(%dma_wait3A_75 : memref<64x128xf32, #tpu.memory_space<hbm>>) dst(%dma_wait3A_72 : memref<64x128xf32, #tpu.memory_space<vmem_shared>>)
      tpu.yield
    }) : () -> ()
    %mul3A_5 = arith.constant 640 : i32
    %mul3A_6 = arith.muli %arg1, %mul3A_5 : i32
    %add3A_7 = arith.constant 64 : i32
    %add3A_8 = arith.addi %mul3A_6, %add3A_7 : i32
    "tpu.region"() ({
      %run_scoped3A = tpu.sem_alloc : memref<!tpu.dma_semaphore, #tpu.memory_space<semaphore_mem>>
      %dma_start3A = arith.constant 0 : i32
      %dma_start3A_68 = tpu.memref_slice %arg7[%add3A_8, %dma_start3A] : memref<10240x128xf32, #tpu.memory_space<vmem_shared>> -> memref<64x128xf32, #tpu.memory_space<vmem_shared>>
      %dma_start3A_69 = arith.constant 64 : i32
      %dma_start3A_70 = arith.constant 0 : i32
      %dma_start3A_71 = tpu.memref_slice %arg5[%dma_start3A_69, %dma_start3A_70] : memref<640x128xf32, #tpu.memory_space<hbm>> -> memref<64x128xf32, #tpu.memory_space<hbm>>
      tpu.enqueue_dma source(%dma_start3A_71 : memref<64x128xf32, #tpu.memory_space<hbm>>) target(%dma_start3A_68 : memref<64x128xf32, #tpu.memory_space<vmem_shared>>) target_semaphore(%run_scoped3A : memref<!tpu.dma_semaphore, #tpu.memory_space<semaphore_mem>>)
      %dma_wait3A = arith.constant 0 : i32
      %dma_wait3A_72 = tpu.memref_slice %arg7[%add3A_8, %dma_wait3A] : memref<10240x128xf32, #tpu.memory_space<vmem_shared>> -> memref<64x128xf32, #tpu.memory_space<vmem_shared>>
      %dma_wait3A_73 = arith.constant 64 : i32
      %dma_wait3A_74 = arith.constant 0 : i32
      %dma_wait3A_75 = tpu.memref_slice %arg5[%dma_wait3A_73, %dma_wait3A_74] : memref<640x128xf32, #tpu.memory_space<hbm>> -> memref<64x128xf32, #tpu.memory_space<hbm>>
      tpu.wait_dma2 semaphore(%run_scoped3A : memref<!tpu.dma_semaphore, #tpu.memory_space<semaphore_mem>>) src(%dma_wait3A_75 : memref<64x128xf32, #tpu.memory_space<hbm>>) dst(%dma_wait3A_72 : memref<64x128xf32, #tpu.memory_space<vmem_shared>>)
      tpu.yield
    }) : () -> ()
    %mul3A_9 = arith.constant 640 : i32
    %mul3A_10 = arith.muli %arg1, %mul3A_9 : i32
    %add3A_11 = arith.constant 128 : i32
    %add3A_12 = arith.addi %mul3A_10, %add3A_11 : i32
    "tpu.region"() ({
      %run_scoped3A = tpu.sem_alloc : memref<!tpu.dma_semaphore, #tpu.memory_space<semaphore_mem>>
      %dma_start3A = arith.constant 0 : i32
      %dma_start3A_68 = tpu.memref_slice %arg7[%add3A_12, %dma_start3A] : memref<10240x128xf32, #tpu.memory_space<vmem_shared>> -> memref<64x128xf32, #tpu.memory_space<vmem_shared>>
      %dma_start3A_69 = arith.constant 128 : i32
      %dma_start3A_70 = arith.constant 0 : i32
      %dma_start3A_71 = tpu.memref_slice %arg5[%dma_start3A_69, %dma_start3A_70] : memref<640x128xf32, #tpu.memory_space<hbm>> -> memref<64x128xf32, #tpu.memory_space<hbm>>
      tpu.enqueue_dma source(%dma_start3A_71 : memref<64x128xf32, #tpu.memory_space<hbm>>) target(%dma_start3A_68 : memref<64x128xf32, #tpu.memory_space<vmem_shared>>) target_semaphore(%run_scoped3A : memref<!tpu.dma_semaphore, #tpu.memory_space<semaphore_mem>>)
      %dma_wait3A = arith.constant 0 : i32
      %dma_wait3A_72 = tpu.memref_slice %arg7[%add3A_12, %dma_wait3A] : memref<10240x128xf32, #tpu.memory_space<vmem_shared>> -> memref<64x128xf32, #tpu.memory_space<vmem_shared>>
      %dma_wait3A_73 = arith.constant 128 : i32
      %dma_wait3A_74 = arith.constant 0 : i32
      %dma_wait3A_75 = tpu.memref_slice %arg5[%dma_wait3A_73, %dma_wait3A_74] : memref<640x128xf32, #tpu.memory_space<hbm>> -> memref<64x128xf32, #tpu.memory_space<hbm>>
      tpu.wait_dma2 semaphore(%run_scoped3A : memref<!tpu.dma_semaphore, #tpu.memory_space<semaphore_mem>>) src(%dma_wait3A_75 : memref<64x128xf32, #tpu.memory_space<hbm>>) dst(%dma_wait3A_72 : memref<64x128xf32, #tpu.memory_space<vmem_shared>>)
      tpu.yield
    }) : () -> ()
    %mul3A_13 = arith.constant 640 : i32
    %mul3A_14 = arith.muli %arg1, %mul3A_13 : i32
    %add3A_15 = arith.constant 192 : i32
    %add3A_16 = arith.addi %mul3A_14, %add3A_15 : i32
    "tpu.region"() ({
      %run_scoped3A = tpu.sem_alloc : memref<!tpu.dma_semaphore, #tpu.memory_space<semaphore_mem>>
      %dma_start3A = arith.constant 0 : i32
      %dma_start3A_68 = tpu.memref_slice %arg7[%add3A_16, %dma_start3A] : memref<10240x128xf32, #tpu.memory_space<vmem_shared>> -> memref<64x128xf32, #tpu.memory_space<vmem_shared>>
      %dma_start3A_69 = arith.constant 192 : i32
      %dma_start3A_70 = arith.constant 0 : i32
      %dma_start3A_71 = tpu.memref_slice %arg5[%dma_start3A_69, %dma_start3A_70] : memref<640x128xf32, #tpu.memory_space<hbm>> -> memref<64x128xf32, #tpu.memory_space<hbm>>
      tpu.enqueue_dma source(%dma_start3A_71 : memref<64x128xf32, #tpu.memory_space<hbm>>) target(%dma_start3A_68 : memref<64x128xf32, #tpu.memory_space<vmem_shared>>) target_semaphore(%run_scoped3A : memref<!tpu.dma_semaphore, #tpu.memory_space<semaphore_mem>>)
      %dma_wait3A = arith.constant 0 : i32
      %dma_wait3A_72 = tpu.memref_slice %arg7[%add3A_16, %dma_wait3A] : memref<10240x128xf32, #tpu.memory_space<vmem_shared>> -> memref<64x128xf32, #tpu.memory_space<vmem_shared>>
      %dma_wait3A_73 = arith.constant 192 : i32
      %dma_wait3A_74 = arith.constant 0 : i32
      %dma_wait3A_75 = tpu.memref_slice %arg5[%dma_wait3A_73, %dma_wait3A_74] : memref<640x128xf32, #tpu.memory_space<hbm>> -> memref<64x128xf32, #tpu.memory_space<hbm>>
      tpu.wait_dma2 semaphore(%run_scoped3A : memref<!tpu.dma_semaphore, #tpu.memory_space<semaphore_mem>>) src(%dma_wait3A_75 : memref<64x128xf32, #tpu.memory_space<hbm>>) dst(%dma_wait3A_72 : memref<64x128xf32, #tpu.memory_space<vmem_shared>>)
      tpu.yield
    }) : () -> ()
    %mul3A_17 = arith.constant 640 : i32
    %mul3A_18 = arith.muli %arg1, %mul3A_17 : i32
    %add3A_19 = arith.constant 256 : i32
    %add3A_20 = arith.addi %mul3A_18, %add3A_19 : i32
    "tpu.region"() ({
      %run_scoped3A = tpu.sem_alloc : memref<!tpu.dma_semaphore, #tpu.memory_space<semaphore_mem>>
      %dma_start3A = arith.constant 0 : i32
      %dma_start3A_68 = tpu.memref_slice %arg7[%add3A_20, %dma_start3A] : memref<10240x128xf32, #tpu.memory_space<vmem_shared>> -> memref<64x128xf32, #tpu.memory_space<vmem_shared>>
      %dma_start3A_69 = arith.constant 256 : i32
      %dma_start3A_70 = arith.constant 0 : i32
      %dma_start3A_71 = tpu.memref_slice %arg5[%dma_start3A_69, %dma_start3A_70] : memref<640x128xf32, #tpu.memory_space<hbm>> -> memref<64x128xf32, #tpu.memory_space<hbm>>
      tpu.enqueue_dma source(%dma_start3A_71 : memref<64x128xf32, #tpu.memory_space<hbm>>) target(%dma_start3A_68 : memref<64x128xf32, #tpu.memory_space<vmem_shared>>) target_semaphore(%run_scoped3A : memref<!tpu.dma_semaphore, #tpu.memory_space<semaphore_mem>>)
      %dma_wait3A = arith.constant 0 : i32
      %dma_wait3A_72 = tpu.memref_slice %arg7[%add3A_20, %dma_wait3A] : memref<10240x128xf32, #tpu.memory_space<vmem_shared>> -> memref<64x128xf32, #tpu.memory_space<vmem_shared>>
      %dma_wait3A_73 = arith.constant 256 : i32
      %dma_wait3A_74 = arith.constant 0 : i32
      %dma_wait3A_75 = tpu.memref_slice %arg5[%dma_wait3A_73, %dma_wait3A_74] : memref<640x128xf32, #tpu.memory_space<hbm>> -> memref<64x128xf32, #tpu.memory_space<hbm>>
      tpu.wait_dma2 semaphore(%run_scoped3A : memref<!tpu.dma_semaphore, #tpu.memory_space<semaphore_mem>>) src(%dma_wait3A_75 : memref<64x128xf32, #tpu.memory_space<hbm>>) dst(%dma_wait3A_72 : memref<64x128xf32, #tpu.memory_space<vmem_shared>>)
      tpu.yield
    }) : () -> ()
    %mul3A_21 = arith.constant 640 : i32
    %mul3A_22 = arith.muli %arg1, %mul3A_21 : i32
    %add3A_23 = arith.constant 320 : i32
    %add3A_24 = arith.addi %mul3A_22, %add3A_23 : i32
    "tpu.region"() ({
      %run_scoped3A = tpu.sem_alloc : memref<!tpu.dma_semaphore, #tpu.memory_space<semaphore_mem>>
      %dma_start3A = arith.constant 0 : i32
      %dma_start3A_68 = tpu.memref_slice %arg7[%add3A_24, %dma_start3A] : memref<10240x128xf32, #tpu.memory_space<vmem_shared>> -> memref<64x128xf32, #tpu.memory_space<vmem_shared>>
      %dma_start3A_69 = arith.constant 320 : i32
      %dma_start3A_70 = arith.constant 0 : i32
      %dma_start3A_71 = tpu.memref_slice %arg5[%dma_start3A_69, %dma_start3A_70] : memref<640x128xf32, #tpu.memory_space<hbm>> -> memref<64x128xf32, #tpu.memory_space<hbm>>
      tpu.enqueue_dma source(%dma_start3A_71 : memref<64x128xf32, #tpu.memory_space<hbm>>) target(%dma_start3A_68 : memref<64x128xf32, #tpu.memory_space<vmem_shared>>) target_semaphore(%run_scoped3A : memref<!tpu.dma_semaphore, #tpu.memory_space<semaphore_mem>>)
      %dma_wait3A = arith.constant 0 : i32
      %dma_wait3A_72 = tpu.memref_slice %arg7[%add3A_24, %dma_wait3A] : memref<10240x128xf32, #tpu.memory_space<vmem_shared>> -> memref<64x128xf32, #tpu.memory_space<vmem_shared>>
      %dma_wait3A_73 = arith.constant 320 : i32
      %dma_wait3A_74 = arith.constant 0 : i32
      %dma_wait3A_75 = tpu.memref_slice %arg5[%dma_wait3A_73, %dma_wait3A_74] : memref<640x128xf32, #tpu.memory_space<hbm>> -> memref<64x128xf32, #tpu.memory_space<hbm>>
      tpu.wait_dma2 semaphore(%run_scoped3A : memref<!tpu.dma_semaphore, #tpu.memory_space<semaphore_mem>>) src(%dma_wait3A_75 : memref<64x128xf32, #tpu.memory_space<hbm>>) dst(%dma_wait3A_72 : memref<64x128xf32, #tpu.memory_space<vmem_shared>>)
      tpu.yield
    }) : () -> ()
    %mul3A_25 = arith.constant 640 : i32
    %mul3A_26 = arith.muli %arg1, %mul3A_25 : i32
    %add3A_27 = arith.constant 384 : i32
    %add3A_28 = arith.addi %mul3A_26, %add3A_27 : i32
    "tpu.region"() ({
      %run_scoped3A = tpu.sem_alloc : memref<!tpu.dma_semaphore, #tpu.memory_space<semaphore_mem>>
      %dma_start3A = arith.constant 0 : i32
      %dma_start3A_68 = tpu.memref_slice %arg7[%add3A_28, %dma_start3A] : memref<10240x128xf32, #tpu.memory_space<vmem_shared>> -> memref<64x128xf32, #tpu.memory_space<vmem_shared>>
      %dma_start3A_69 = arith.constant 384 : i32
      %dma_start3A_70 = arith.constant 0 : i32
      %dma_start3A_71 = tpu.memref_slice %arg5[%dma_start3A_69, %dma_start3A_70] : memref<640x128xf32, #tpu.memory_space<hbm>> -> memref<64x128xf32, #tpu.memory_space<hbm>>
      tpu.enqueue_dma source(%dma_start3A_71 : memref<64x128xf32, #tpu.memory_space<hbm>>) target(%dma_start3A_68 : memref<64x128xf32, #tpu.memory_space<vmem_shared>>) target_semaphore(%run_scoped3A : memref<!tpu.dma_semaphore, #tpu.memory_space<semaphore_mem>>)
      %dma_wait3A = arith.constant 0 : i32
      %dma_wait3A_72 = tpu.memref_slice %arg7[%add3A_28, %dma_wait3A] : memref<10240x128xf32, #tpu.memory_space<vmem_shared>> -> memref<64x128xf32, #tpu.memory_space<vmem_shared>>
      %dma_wait3A_73 = arith.constant 384 : i32
      %dma_wait3A_74 = arith.constant 0 : i32
      %dma_wait3A_75 = tpu.memref_slice %arg5[%dma_wait3A_73, %dma_wait3A_74] : memref<640x128xf32, #tpu.memory_space<hbm>> -> memref<64x128xf32, #tpu.memory_space<hbm>>
      tpu.wait_dma2 semaphore(%run_scoped3A : memref<!tpu.dma_semaphore, #tpu.memory_space<semaphore_mem>>) src(%dma_wait3A_75 : memref<64x128xf32, #tpu.memory_space<hbm>>) dst(%dma_wait3A_72 : memref<64x128xf32, #tpu.memory_space<vmem_shared>>)
      tpu.yield
    }) : () -> ()
    %mul3A_29 = arith.constant 640 : i32
    %mul3A_30 = arith.muli %arg1, %mul3A_29 : i32
    %add3A_31 = arith.constant 448 : i32
    %add3A_32 = arith.addi %mul3A_30, %add3A_31 : i32
    "tpu.region"() ({
      %run_scoped3A = tpu.sem_alloc : memref<!tpu.dma_semaphore, #tpu.memory_space<semaphore_mem>>
      %dma_start3A = arith.constant 0 : i32
      %dma_start3A_68 = tpu.memref_slice %arg7[%add3A_32, %dma_start3A] : memref<10240x128xf32, #tpu.memory_space<vmem_shared>> -> memref<64x128xf32, #tpu.memory_space<vmem_shared>>
      %dma_start3A_69 = arith.constant 448 : i32
      %dma_start3A_70 = arith.constant 0 : i32
      %dma_start3A_71 = tpu.memref_slice %arg5[%dma_start3A_69, %dma_start3A_70] : memref<640x128xf32, #tpu.memory_space<hbm>> -> memref<64x128xf32, #tpu.memory_space<hbm>>
      tpu.enqueue_dma source(%dma_start3A_71 : memref<64x128xf32, #tpu.memory_space<hbm>>) target(%dma_start3A_68 : memref<64x128xf32, #tpu.memory_space<vmem_shared>>) target_semaphore(%run_scoped3A : memref<!tpu.dma_semaphore, #tpu.memory_space<semaphore_mem>>)
      %dma_wait3A = arith.constant 0 : i32
      %dma_wait3A_72 = tpu.memref_slice %arg7[%add3A_32, %dma_wait3A] : memref<10240x128xf32, #tpu.memory_space<vmem_shared>> -> memref<64x128xf32, #tpu.memory_space<vmem_shared>>
      %dma_wait3A_73 = arith.constant 448 : i32
      %dma_wait3A_74 = arith.constant 0 : i32
      %dma_wait3A_75 = tpu.memref_slice %arg5[%dma_wait3A_73, %dma_wait3A_74] : memref<640x128xf32, #tpu.memory_space<hbm>> -> memref<64x128xf32, #tpu.memory_space<hbm>>
      tpu.wait_dma2 semaphore(%run_scoped3A : memref<!tpu.dma_semaphore, #tpu.memory_space<semaphore_mem>>) src(%dma_wait3A_75 : memref<64x128xf32, #tpu.memory_space<hbm>>) dst(%dma_wait3A_72 : memref<64x128xf32, #tpu.memory_space<vmem_shared>>)
      tpu.yield
    }) : () -> ()
    %mul3A_33 = arith.constant 640 : i32
    %mul3A_34 = arith.muli %arg1, %mul3A_33 : i32
    %add3A_35 = arith.constant 512 : i32
    %add3A_36 = arith.addi %mul3A_34, %add3A_35 : i32
    "tpu.region"() ({
      %run_scoped3A = tpu.sem_alloc : memref<!tpu.dma_semaphore, #tpu.memory_space<semaphore_mem>>
      %dma_start3A = arith.constant 0 : i32
      %dma_start3A_68 = tpu.memref_slice %arg7[%add3A_36, %dma_start3A] : memref<10240x128xf32, #tpu.memory_space<vmem_shared>> -> memref<64x128xf32, #tpu.memory_space<vmem_shared>>
      %dma_start3A_69 = arith.constant 512 : i32
      %dma_start3A_70 = arith.constant 0 : i32
      %dma_start3A_71 = tpu.memref_slice %arg5[%dma_start3A_69, %dma_start3A_70] : memref<640x128xf32, #tpu.memory_space<hbm>> -> memref<64x128xf32, #tpu.memory_space<hbm>>
      tpu.enqueue_dma source(%dma_start3A_71 : memref<64x128xf32, #tpu.memory_space<hbm>>) target(%dma_start3A_68 : memref<64x128xf32, #tpu.memory_space<vmem_shared>>) target_semaphore(%run_scoped3A : memref<!tpu.dma_semaphore, #tpu.memory_space<semaphore_mem>>)
      %dma_wait3A = arith.constant 0 : i32
      %dma_wait3A_72 = tpu.memref_slice %arg7[%add3A_36, %dma_wait3A] : memref<10240x128xf32, #tpu.memory_space<vmem_shared>> -> memref<64x128xf32, #tpu.memory_space<vmem_shared>>
      %dma_wait3A_73 = arith.constant 512 : i32
      %dma_wait3A_74 = arith.constant 0 : i32
      %dma_wait3A_75 = tpu.memref_slice %arg5[%dma_wait3A_73, %dma_wait3A_74] : memref<640x128xf32, #tpu.memory_space<hbm>> -> memref<64x128xf32, #tpu.memory_space<hbm>>
      tpu.wait_dma2 semaphore(%run_scoped3A : memref<!tpu.dma_semaphore, #tpu.memory_space<semaphore_mem>>) src(%dma_wait3A_75 : memref<64x128xf32, #tpu.memory_space<hbm>>) dst(%dma_wait3A_72 : memref<64x128xf32, #tpu.memory_space<vmem_shared>>)
      tpu.yield
    }) : () -> ()
    %mul3A_37 = arith.constant 640 : i32
    %mul3A_38 = arith.muli %arg1, %mul3A_37 : i32
    %add3A_39 = arith.constant 576 : i32
    %add3A_40 = arith.addi %mul3A_38, %add3A_39 : i32
    "tpu.region"() ({
      %run_scoped3A = tpu.sem_alloc : memref<!tpu.dma_semaphore, #tpu.memory_space<semaphore_mem>>
      %dma_start3A = arith.constant 0 : i32
      %dma_start3A_68 = tpu.memref_slice %arg7[%add3A_40, %dma_start3A] : memref<10240x128xf32, #tpu.memory_space<vmem_shared>> -> memref<64x128xf32, #tpu.memory_space<vmem_shared>>
      %dma_start3A_69 = arith.constant 576 : i32
      %dma_start3A_70 = arith.constant 0 : i32
      %dma_start3A_71 = tpu.memref_slice %arg5[%dma_start3A_69, %dma_start3A_70] : memref<640x128xf32, #tpu.memory_space<hbm>> -> memref<64x128xf32, #tpu.memory_space<hbm>>
      tpu.enqueue_dma source(%dma_start3A_71 : memref<64x128xf32, #tpu.memory_space<hbm>>) target(%dma_start3A_68 : memref<64x128xf32, #tpu.memory_space<vmem_shared>>) target_semaphore(%run_scoped3A : memref<!tpu.dma_semaphore, #tpu.memory_space<semaphore_mem>>)
      %dma_wait3A = arith.constant 0 : i32
      %dma_wait3A_72 = tpu.memref_slice %arg7[%add3A_40, %dma_wait3A] : memref<10240x128xf32, #tpu.memory_space<vmem_shared>> -> memref<64x128xf32, #tpu.memory_space<vmem_shared>>
      %dma_wait3A_73 = arith.constant 576 : i32
      %dma_wait3A_74 = arith.constant 0 : i32
      %dma_wait3A_75 = tpu.memref_slice %arg5[%dma_wait3A_73, %dma_wait3A_74] : memref<640x128xf32, #tpu.memory_space<hbm>> -> memref<64x128xf32, #tpu.memory_space<hbm>>
      tpu.wait_dma2 semaphore(%run_scoped3A : memref<!tpu.dma_semaphore, #tpu.memory_space<semaphore_mem>>) src(%dma_wait3A_75 : memref<64x128xf32, #tpu.memory_space<hbm>>) dst(%dma_wait3A_72 : memref<64x128xf32, #tpu.memory_space<vmem_shared>>)
      tpu.yield
    }) : () -> ()
    %barrier3A = arith.constant 0 : index
    tpu.barrier barrier_id(%barrier3A)
    %eq3A = arith.constant 0 : i32
    %eq3A_41 = arith.cmpi eq, %arg0, %eq3A : i32
    %mul3A_42 = arith.constant 120 : i32
    %mul3A_43 = arith.muli %arg1, %mul3A_42 : i32
    %mul3A_44 = arith.constant 40 : i32
    %mul3A_45 = arith.muli %arg1, %mul3A_44 : i32
    %add3A_46 = arith.constant 1920 : i32
    %add3A_47 = arith.addi %add3A_46, %mul3A_45 : i32
    %select_n3A = arith.select %eq3A_41, %mul3A_43, %add3A_47 : i32
    %eq3A_48 = arith.constant 0 : i32
    %eq3A_49 = arith.cmpi eq, %arg0, %eq3A_48 : i32
    %jit3A = arith.constant 15 : i32
    %jit3A_50 = arith.constant 5 : i32
    %select_n3A_51 = arith.select %eq3A_49, %jit3A, %jit3A_50 : i32
    %while3A = arith.constant 0 : i32
    %while3A_52 = arith.constant 0 : i32
    %while3A_53 = arith.subi %select_n3A_51, %while3A : i32
    %while3A_54 = arith.addi %while3A, %while3A_53 : i32
    %while3A_55 = arith.constant 1 : i32
    %while3A_56 = arith.divsi %while3A_53, %while3A_55 : i32
    %while3A_57 = arith.muli %while3A_56, %while3A_55 : i32
    %while3A_58 = arith.addi %while3A, %while3A_57 : i32
    %while3A_59 = arith.constant 1 : i32
    %while3A_60 = scf.for %while3A_68 = %while3A to %while3A_58 step %while3A_59 iter_args(%while3A_69 = %while3A_52) -> (i32)  : i32 {
      %mul3A_70 = arith.constant 8 : i32
      %mul3A_71 = arith.muli %while3A_68, %mul3A_70 : i32
      %add3A_72 = arith.addi %select_n3A, %mul3A_71 : i32
      "tpu.region"() ({
        %run_scoped3A_94 = tpu.sem_alloc : memref<!tpu.dma_semaphore, #tpu.memory_space<semaphore_mem>>
        %dma_start3A_95 = arith.constant 0 : i32
        %dma_start3A_96 = tpu.memref_slice %arg3[%add3A_72, %dma_start3A_95] : memref<2560x128xi32, #tpu.memory_space<hbm>> -> memref<8x128xi32, #tpu.memory_space<hbm>>
        %dma_start3A_97 = arith.constant 0 : i32
        %dma_start3A_98 = tpu.memref_slice %arg3[%add3A_72, %dma_start3A_97] : memref<2560x128xi32, #tpu.memory_space<hbm>> -> memref<8x128xi32, #tpu.memory_space<hbm>>
        tpu.enqueue_dma source(%dma_start3A_98 : memref<8x128xi32, #tpu.memory_space<hbm>>) target(%arg8 : memref<8x128xi32, #tpu.memory_space<vmem>>) target_semaphore(%run_scoped3A_94 : memref<!tpu.dma_semaphore, #tpu.memory_space<semaphore_mem>>)
        %dma_wait3A_99 = arith.constant 0 : i32
        %dma_wait3A_100 = tpu.memref_slice %arg3[%add3A_72, %dma_wait3A_99] : memref<2560x128xi32, #tpu.memory_space<hbm>> -> memref<8x128xi32, #tpu.memory_space<hbm>>
        %dma_wait3A_101 = arith.constant 0 : i32
        %dma_wait3A_102 = tpu.memref_slice %arg3[%add3A_72, %dma_wait3A_101] : memref<2560x128xi32, #tpu.memory_space<hbm>> -> memref<8x128xi32, #tpu.memory_space<hbm>>
        tpu.wait_dma2 semaphore(%run_scoped3A_94 : memref<!tpu.dma_semaphore, #tpu.memory_space<semaphore_mem>>) src(%dma_wait3A_102 : memref<8x128xi32, #tpu.memory_space<hbm>>) dst(%arg8 : memref<8x128xi32, #tpu.memory_space<vmem>>)
        tpu.yield
      }) : () -> ()
      "tpu.region"() ({
        %run_scoped3A_94 = tpu.sem_alloc : memref<!tpu.dma_semaphore, #tpu.memory_space<semaphore_mem>>
        %dma_start3A_95 = arith.constant 0 : i32
        %dma_start3A_96 = tpu.memref_slice %arg4[%add3A_72, %dma_start3A_95] : memref<2560x128xi32, #tpu.memory_space<hbm>> -> memref<8x128xi32, #tpu.memory_space<hbm>>
        %dma_start3A_97 = arith.constant 0 : i32
        %dma_start3A_98 = tpu.memref_slice %arg4[%add3A_72, %dma_start3A_97] : memref<2560x128xi32, #tpu.memory_space<hbm>> -> memref<8x128xi32, #tpu.memory_space<hbm>>
        tpu.enqueue_dma source(%dma_start3A_98 : memref<8x128xi32, #tpu.memory_space<hbm>>) target(%arg9 : memref<8x128xi32, #tpu.memory_space<vmem>>) target_semaphore(%run_scoped3A_94 : memref<!tpu.dma_semaphore, #tpu.memory_space<semaphore_mem>>)
        %dma_wait3A_99 = arith.constant 0 : i32
        %dma_wait3A_100 = tpu.memref_slice %arg4[%add3A_72, %dma_wait3A_99] : memref<2560x128xi32, #tpu.memory_space<hbm>> -> memref<8x128xi32, #tpu.memory_space<hbm>>
        %dma_wait3A_101 = arith.constant 0 : i32
        %dma_wait3A_102 = tpu.memref_slice %arg4[%add3A_72, %dma_wait3A_101] : memref<2560x128xi32, #tpu.memory_space<hbm>> -> memref<8x128xi32, #tpu.memory_space<hbm>>
        tpu.wait_dma2 semaphore(%run_scoped3A_94 : memref<!tpu.dma_semaphore, #tpu.memory_space<semaphore_mem>>) src(%dma_wait3A_102 : memref<8x128xi32, #tpu.memory_space<hbm>>) dst(%arg9 : memref<8x128xi32, #tpu.memory_space<vmem>>)
        tpu.yield
      }) : () -> ()
      %run_scoped3A = arith.constant 0 : i32
      "tpu.region"() ({
        %run_scoped3A_94 = tpu.sem_alloc : memref<!tpu.dma_semaphore, #tpu.memory_space<semaphore_mem>>
        %dma_start3A_95 = arith.constant 0 : i32
        %dma_start3A_96 = tpu.memref_slice %arg8[%run_scoped3A, %dma_start3A_95] : memref<8x128xi32, #tpu.memory_space<vmem>> -> memref<1x128xi32, #tpu.memory_space<vmem>>
        %dma_start3A_97 = tpu.memref_squeeze %dma_start3A_96 : memref<1x128xi32, #tpu.memory_space<vmem>> -> memref<128xi32, #tpu.memory_space<vmem>>
        %dma_start3A_98 = arith.constant 0 : i32
        %dma_start3A_99 = arith.constant 0 : i32
        %dma_start3A_100 = tpu.memref_slice %arg2[%dma_start3A_98, %dma_start3A_99] : memref<10240x128xf32, #tpu.memory_space<hbm>> -> memref<10240x128xf32, #tpu.memory_space<hbm>>
        tpu.enqueue_indirect_dma source(%dma_start3A_100 : memref<10240x128xf32, #tpu.memory_space<hbm>>) target(%arg10 : memref<128x128xf32, #tpu.memory_space<vmem>>) offsets(%dma_start3A_97 : memref<128xi32, #tpu.memory_space<vmem>>) semaphore(%run_scoped3A_94 : memref<!tpu.dma_semaphore, #tpu.memory_space<semaphore_mem>>)
        %dma_wait3A_101 = arith.constant 0 : i32
        %dma_wait3A_102 = tpu.memref_slice %arg8[%run_scoped3A, %dma_wait3A_101] : memref<8x128xi32, #tpu.memory_space<vmem>> -> memref<1x128xi32, #tpu.memory_space<vmem>>
        %dma_wait3A_103 = tpu.memref_squeeze %dma_wait3A_102 : memref<1x128xi32, #tpu.memory_space<vmem>> -> memref<128xi32, #tpu.memory_space<vmem>>
        %dma_wait3A_104 = arith.constant 0 : i32
        %dma_wait3A_105 = arith.constant 0 : i32
        %dma_wait3A_106 = tpu.memref_slice %arg2[%dma_wait3A_104, %dma_wait3A_105] : memref<10240x128xf32, #tpu.memory_space<hbm>> -> memref<10240x128xf32, #tpu.memory_space<hbm>>
        tpu.wait_indirect_dma semaphore(%run_scoped3A_94 : memref<!tpu.dma_semaphore, #tpu.memory_space<semaphore_mem>>) src(%dma_wait3A_106 : memref<10240x128xf32, #tpu.memory_space<hbm>>) dst(%arg10 : memref<128x128xf32, #tpu.memory_space<vmem>>)
        tpu.yield
      }) : () -> ()
      %scan3A = arith.constant 0 : i32
      %scan3A_73 = arith.constant 0 : i32
      %scan3A_74 = arith.constant 3 : i32
      %scan3A_75 = arith.addi %scan3A_73, %scan3A_74 : i32
      %scan3A_76 = arith.constant 1 : i32
      %scan3A_77 = scf.for %scan3A_94 = %scan3A_73 to %scan3A_75 step %scan3A_76 iter_args(%scan3A_95 = %scan3A) -> (i32)  : i32 {
        %mul3A_96 = arith.constant 2 : i32
        %mul3A_97 = arith.muli %mul3A_96, %scan3A_94 : i32
        %add3A_98 = arith.constant 1 : i32
        %add3A_99 = arith.addi %mul3A_97, %add3A_98 : i32
        %dma_start3A_100 = arith.constant 0 : i32
        %dma_start3A_101 = tpu.memref_slice %arg8[%add3A_99, %dma_start3A_100] : memref<8x128xi32, #tpu.memory_space<vmem>> -> memref<1x128xi32, #tpu.memory_space<vmem>>
        %dma_start3A_102 = tpu.memref_squeeze %dma_start3A_101 : memref<1x128xi32, #tpu.memory_space<vmem>> -> memref<128xi32, #tpu.memory_space<vmem>>
        %dma_start3A_103 = arith.constant 0 : i32
        %dma_start3A_104 = arith.constant 0 : i32
        %dma_start3A_105 = tpu.memref_slice %arg2[%dma_start3A_103, %dma_start3A_104] : memref<10240x128xf32, #tpu.memory_space<hbm>> -> memref<10240x128xf32, #tpu.memory_space<hbm>>
        tpu.enqueue_indirect_dma source(%dma_start3A_105 : memref<10240x128xf32, #tpu.memory_space<hbm>>) target(%arg11 : memref<128x128xf32, #tpu.memory_space<vmem>>) offsets(%dma_start3A_102 : memref<128xi32, #tpu.memory_space<vmem>>) semaphore(%arg12 : memref<!tpu.dma_semaphore, #tpu.memory_space<semaphore_mem>>)
        "tpu.region"() ({
          %run_scoped3A_129 = tpu.sem_alloc : memref<!tpu.dma_semaphore, #tpu.memory_space<semaphore_mem>>
          %dma_start3A_130 = arith.constant 0 : i32
          %dma_start3A_131 = tpu.memref_slice %arg9[%mul3A_97, %dma_start3A_130] : memref<8x128xi32, #tpu.memory_space<vmem>> -> memref<1x128xi32, #tpu.memory_space<vmem>>
          %dma_start3A_132 = tpu.memref_squeeze %dma_start3A_131 : memref<1x128xi32, #tpu.memory_space<vmem>> -> memref<128xi32, #tpu.memory_space<vmem>>
          %dma_start3A_133 = arith.constant 0 : i32
          %dma_start3A_134 = arith.constant 0 : i32
          %dma_start3A_135 = tpu.memref_slice %arg7[%dma_start3A_133, %dma_start3A_134] : memref<10240x128xf32, #tpu.memory_space<vmem_shared>> -> memref<10240x128xf32, #tpu.memory_space<vmem_shared>>
          tpu.enqueue_indirect_dma source(%arg10 : memref<128x128xf32, #tpu.memory_space<vmem>>) target(%dma_start3A_135 : memref<10240x128xf32, #tpu.memory_space<vmem_shared>>) offsets(%dma_start3A_132 : memref<128xi32, #tpu.memory_space<vmem>>) semaphore(%run_scoped3A_129 : memref<!tpu.dma_semaphore, #tpu.memory_space<semaphore_mem>>) {add = true}
          %dma_wait3A_136 = arith.constant 0 : i32
          %dma_wait3A_137 = tpu.memref_slice %arg9[%mul3A_97, %dma_wait3A_136] : memref<8x128xi32, #tpu.memory_space<vmem>> -> memref<1x128xi32, #tpu.memory_space<vmem>>
          %dma_wait3A_138 = tpu.memref_squeeze %dma_wait3A_137 : memref<1x128xi32, #tpu.memory_space<vmem>> -> memref<128xi32, #tpu.memory_space<vmem>>
          %dma_wait3A_139 = arith.constant 0 : i32
          %dma_wait3A_140 = arith.constant 0 : i32
          %dma_wait3A_141 = tpu.memref_slice %arg7[%dma_wait3A_139, %dma_wait3A_140] : memref<10240x128xf32, #tpu.memory_space<vmem_shared>> -> memref<10240x128xf32, #tpu.memory_space<vmem_shared>>
          tpu.wait_indirect_dma semaphore(%run_scoped3A_129 : memref<!tpu.dma_semaphore, #tpu.memory_space<semaphore_mem>>) src(%arg10 : memref<128x128xf32, #tpu.memory_space<vmem>>) dst(%dma_wait3A_141 : memref<10240x128xf32, #tpu.memory_space<vmem_shared>>)
          tpu.yield
        }) : () -> ()
        %dma_wait3A_106 = arith.constant 0 : i32
        %dma_wait3A_107 = tpu.memref_slice %arg8[%add3A_99, %dma_wait3A_106] : memref<8x128xi32, #tpu.memory_space<vmem>> -> memref<1x128xi32, #tpu.memory_space<vmem>>
        %dma_wait3A_108 = tpu.memref_squeeze %dma_wait3A_107 : memref<1x128xi32, #tpu.memory_space<vmem>> -> memref<128xi32, #tpu.memory_space<vmem>>
        %dma_wait3A_109 = arith.constant 0 : i32
        %dma_wait3A_110 = arith.constant 0 : i32
        %dma_wait3A_111 = tpu.memref_slice %arg2[%dma_wait3A_109, %dma_wait3A_110] : memref<10240x128xf32, #tpu.memory_space<hbm>> -> memref<10240x128xf32, #tpu.memory_space<hbm>>
        tpu.wait_indirect_dma semaphore(%arg12 : memref<!tpu.dma_semaphore, #tpu.memory_space<semaphore_mem>>) src(%dma_wait3A_111 : memref<10240x128xf32, #tpu.memory_space<hbm>>) dst(%arg11 : memref<128x128xf32, #tpu.memory_space<vmem>>)
        %add3A_112 = arith.constant 2 : i32
        %add3A_113 = arith.addi %mul3A_97, %add3A_112 : i32
        %dma_start3A_114 = arith.constant 0 : i32
        %dma_start3A_115 = tpu.memref_slice %arg8[%add3A_113, %dma_start3A_114] : memref<8x128xi32, #tpu.memory_space<vmem>> -> memref<1x128xi32, #tpu.memory_space<vmem>>
        %dma_start3A_116 = tpu.memref_squeeze %dma_start3A_115 : memref<1x128xi32, #tpu.memory_space<vmem>> -> memref<128xi32, #tpu.memory_space<vmem>>
        %dma_start3A_117 = arith.constant 0 : i32
        %dma_start3A_118 = arith.constant 0 : i32
        %dma_start3A_119 = tpu.memref_slice %arg2[%dma_start3A_117, %dma_start3A_118] : memref<10240x128xf32, #tpu.memory_space<hbm>> -> memref<10240x128xf32, #tpu.memory_space<hbm>>
        tpu.enqueue_indirect_dma source(%dma_start3A_119 : memref<10240x128xf32, #tpu.memory_space<hbm>>) target(%arg10 : memref<128x128xf32, #tpu.memory_space<vmem>>) offsets(%dma_start3A_116 : memref<128xi32, #tpu.memory_space<vmem>>) semaphore(%arg12 : memref<!tpu.dma_semaphore, #tpu.memory_space<semaphore_mem>>)
        %add3A_120 = arith.constant 1 : i32
        %add3A_121 = arith.addi %mul3A_97, %add3A_120 : i32
        "tpu.region"() ({
          %run_scoped3A_129 = tpu.sem_alloc : memref<!tpu.dma_semaphore, #tpu.memory_space<semaphore_mem>>
          %dma_start3A_130 = arith.constant 0 : i32
          %dma_start3A_131 = tpu.memref_slice %arg9[%add3A_121, %dma_start3A_130] : memref<8x128xi32, #tpu.memory_space<vmem>> -> memref<1x128xi32, #tpu.memory_space<vmem>>
          %dma_start3A_132 = tpu.memref_squeeze %dma_start3A_131 : memref<1x128xi32, #tpu.memory_space<vmem>> -> memref<128xi32, #tpu.memory_space<vmem>>
          %dma_start3A_133 = arith.constant 0 : i32
          %dma_start3A_134 = arith.constant 0 : i32
          %dma_start3A_135 = tpu.memref_slice %arg7[%dma_start3A_133, %dma_start3A_134] : memref<10240x128xf32, #tpu.memory_space<vmem_shared>> -> memref<10240x128xf32, #tpu.memory_space<vmem_shared>>
          tpu.enqueue_indirect_dma source(%arg11 : memref<128x128xf32, #tpu.memory_space<vmem>>) target(%dma_start3A_135 : memref<10240x128xf32, #tpu.memory_space<vmem_shared>>) offsets(%dma_start3A_132 : memref<128xi32, #tpu.memory_space<vmem>>) semaphore(%run_scoped3A_129 : memref<!tpu.dma_semaphore, #tpu.memory_space<semaphore_mem>>) {add = true}
          %dma_wait3A_136 = arith.constant 0 : i32
          %dma_wait3A_137 = tpu.memref_slice %arg9[%add3A_121, %dma_wait3A_136] : memref<8x128xi32, #tpu.memory_space<vmem>> -> memref<1x128xi32, #tpu.memory_space<vmem>>
          %dma_wait3A_138 = tpu.memref_squeeze %dma_wait3A_137 : memref<1x128xi32, #tpu.memory_space<vmem>> -> memref<128xi32, #tpu.memory_space<vmem>>
          %dma_wait3A_139 = arith.constant 0 : i32
          %dma_wait3A_140 = arith.constant 0 : i32
          %dma_wait3A_141 = tpu.memref_slice %arg7[%dma_wait3A_139, %dma_wait3A_140] : memref<10240x128xf32, #tpu.memory_space<vmem_shared>> -> memref<10240x128xf32, #tpu.memory_space<vmem_shared>>
          tpu.wait_indirect_dma semaphore(%run_scoped3A_129 : memref<!tpu.dma_semaphore, #tpu.memory_space<semaphore_mem>>) src(%arg11 : memref<128x128xf32, #tpu.memory_space<vmem>>) dst(%dma_wait3A_141 : memref<10240x128xf32, #tpu.memory_space<vmem_shared>>)
          tpu.yield
        }) : () -> ()
        %dma_wait3A_122 = arith.constant 0 : i32
        %dma_wait3A_123 = tpu.memref_slice %arg8[%add3A_113, %dma_wait3A_122] : memref<8x128xi32, #tpu.memory_space<vmem>> -> memref<1x128xi32, #tpu.memory_space<vmem>>
        %dma_wait3A_124 = tpu.memref_squeeze %dma_wait3A_123 : memref<1x128xi32, #tpu.memory_space<vmem>> -> memref<128xi32, #tpu.memory_space<vmem>>
        %dma_wait3A_125 = arith.constant 0 : i32
        %dma_wait3A_126 = arith.constant 0 : i32
        %dma_wait3A_127 = tpu.memref_slice %arg2[%dma_wait3A_125, %dma_wait3A_126] : memref<10240x128xf32, #tpu.memory_space<hbm>> -> memref<10240x128xf32, #tpu.memory_space<hbm>>
        tpu.wait_indirect_dma semaphore(%arg12 : memref<!tpu.dma_semaphore, #tpu.memory_space<semaphore_mem>>) src(%dma_wait3A_127 : memref<10240x128xf32, #tpu.memory_space<hbm>>) dst(%arg10 : memref<128x128xf32, #tpu.memory_space<vmem>>)
        %scan3A_128 = arith.constant 0 : i32
        scf.yield %scan3A_128 : i32
      }
      %scan3A_78 = arith.constant 3 : i32
      %dma_start3A = arith.constant 7 : i32
      %dma_start3A_79 = arith.constant 0 : i32
      %dma_start3A_80 = tpu.memref_slice %arg8[%dma_start3A, %dma_start3A_79] : memref<8x128xi32, #tpu.memory_space<vmem>> -> memref<1x128xi32, #tpu.memory_space<vmem>>
      %dma_start3A_81 = tpu.memref_squeeze %dma_start3A_80 : memref<1x128xi32, #tpu.memory_space<vmem>> -> memref<128xi32, #tpu.memory_space<vmem>>
      %dma_start3A_82 = arith.constant 0 : i32
      %dma_start3A_83 = arith.constant 0 : i32
      %dma_start3A_84 = tpu.memref_slice %arg2[%dma_start3A_82, %dma_start3A_83] : memref<10240x128xf32, #tpu.memory_space<hbm>> -> memref<10240x128xf32, #tpu.memory_space<hbm>>
      tpu.enqueue_indirect_dma source(%dma_start3A_84 : memref<10240x128xf32, #tpu.memory_space<hbm>>) target(%arg11 : memref<128x128xf32, #tpu.memory_space<vmem>>) offsets(%dma_start3A_81 : memref<128xi32, #tpu.memory_space<vmem>>) semaphore(%arg12 : memref<!tpu.dma_semaphore, #tpu.memory_space<semaphore_mem>>)
      %run_scoped3A_85 = arith.constant 6 : i32
      "tpu.region"() ({
        %run_scoped3A_94 = tpu.sem_alloc : memref<!tpu.dma_semaphore, #tpu.memory_space<semaphore_mem>>
        %dma_start3A_95 = arith.constant 0 : i32
        %dma_start3A_96 = tpu.memref_slice %arg9[%run_scoped3A_85, %dma_start3A_95] : memref<8x128xi32, #tpu.memory_space<vmem>> -> memref<1x128xi32, #tpu.memory_space<vmem>>
        %dma_start3A_97 = tpu.memref_squeeze %dma_start3A_96 : memref<1x128xi32, #tpu.memory_space<vmem>> -> memref<128xi32, #tpu.memory_space<vmem>>
        %dma_start3A_98 = arith.constant 0 : i32
        %dma_start3A_99 = arith.constant 0 : i32
        %dma_start3A_100 = tpu.memref_slice %arg7[%dma_start3A_98, %dma_start3A_99] : memref<10240x128xf32, #tpu.memory_space<vmem_shared>> -> memref<10240x128xf32, #tpu.memory_space<vmem_shared>>
        tpu.enqueue_indirect_dma source(%arg10 : memref<128x128xf32, #tpu.memory_space<vmem>>) target(%dma_start3A_100 : memref<10240x128xf32, #tpu.memory_space<vmem_shared>>) offsets(%dma_start3A_97 : memref<128xi32, #tpu.memory_space<vmem>>) semaphore(%run_scoped3A_94 : memref<!tpu.dma_semaphore, #tpu.memory_space<semaphore_mem>>) {add = true}
        %dma_wait3A_101 = arith.constant 0 : i32
        %dma_wait3A_102 = tpu.memref_slice %arg9[%run_scoped3A_85, %dma_wait3A_101] : memref<8x128xi32, #tpu.memory_space<vmem>> -> memref<1x128xi32, #tpu.memory_space<vmem>>
        %dma_wait3A_103 = tpu.memref_squeeze %dma_wait3A_102 : memref<1x128xi32, #tpu.memory_space<vmem>> -> memref<128xi32, #tpu.memory_space<vmem>>
        %dma_wait3A_104 = arith.constant 0 : i32
        %dma_wait3A_105 = arith.constant 0 : i32
        %dma_wait3A_106 = tpu.memref_slice %arg7[%dma_wait3A_104, %dma_wait3A_105] : memref<10240x128xf32, #tpu.memory_space<vmem_shared>> -> memref<10240x128xf32, #tpu.memory_space<vmem_shared>>
        tpu.wait_indirect_dma semaphore(%run_scoped3A_94 : memref<!tpu.dma_semaphore, #tpu.memory_space<semaphore_mem>>) src(%arg10 : memref<128x128xf32, #tpu.memory_space<vmem>>) dst(%dma_wait3A_106 : memref<10240x128xf32, #tpu.memory_space<vmem_shared>>)
        tpu.yield
      }) : () -> ()
      %dma_wait3A = arith.constant 7 : i32
      %dma_wait3A_86 = arith.constant 0 : i32
      %dma_wait3A_87 = tpu.memref_slice %arg8[%dma_wait3A, %dma_wait3A_86] : memref<8x128xi32, #tpu.memory_space<vmem>> -> memref<1x128xi32, #tpu.memory_space<vmem>>
      %dma_wait3A_88 = tpu.memref_squeeze %dma_wait3A_87 : memref<1x128xi32, #tpu.memory_space<vmem>> -> memref<128xi32, #tpu.memory_space<vmem>>
      %dma_wait3A_89 = arith.constant 0 : i32
      %dma_wait3A_90 = arith.constant 0 : i32
      %dma_wait3A_91 = tpu.memref_slice %arg2[%dma_wait3A_89, %dma_wait3A_90] : memref<10240x128xf32, #tpu.memory_space<hbm>> -> memref<10240x128xf32, #tpu.memory_space<hbm>>
      tpu.wait_indirect_dma semaphore(%arg12 : memref<!tpu.dma_semaphore, #tpu.memory_space<semaphore_mem>>) src(%dma_wait3A_91 : memref<10240x128xf32, #tpu.memory_space<hbm>>) dst(%arg11 : memref<128x128xf32, #tpu.memory_space<vmem>>)
      %run_scoped3A_92 = arith.constant 7 : i32
      "tpu.region"() ({
        %run_scoped3A_94 = tpu.sem_alloc : memref<!tpu.dma_semaphore, #tpu.memory_space<semaphore_mem>>
        %dma_start3A_95 = arith.constant 0 : i32
        %dma_start3A_96 = tpu.memref_slice %arg9[%run_scoped3A_92, %dma_start3A_95] : memref<8x128xi32, #tpu.memory_space<vmem>> -> memref<1x128xi32, #tpu.memory_space<vmem>>
        %dma_start3A_97 = tpu.memref_squeeze %dma_start3A_96 : memref<1x128xi32, #tpu.memory_space<vmem>> -> memref<128xi32, #tpu.memory_space<vmem>>
        %dma_start3A_98 = arith.constant 0 : i32
        %dma_start3A_99 = arith.constant 0 : i32
        %dma_start3A_100 = tpu.memref_slice %arg7[%dma_start3A_98, %dma_start3A_99] : memref<10240x128xf32, #tpu.memory_space<vmem_shared>> -> memref<10240x128xf32, #tpu.memory_space<vmem_shared>>
        tpu.enqueue_indirect_dma source(%arg11 : memref<128x128xf32, #tpu.memory_space<vmem>>) target(%dma_start3A_100 : memref<10240x128xf32, #tpu.memory_space<vmem_shared>>) offsets(%dma_start3A_97 : memref<128xi32, #tpu.memory_space<vmem>>) semaphore(%run_scoped3A_94 : memref<!tpu.dma_semaphore, #tpu.memory_space<semaphore_mem>>) {add = true}
        %dma_wait3A_101 = arith.constant 0 : i32
        %dma_wait3A_102 = tpu.memref_slice %arg9[%run_scoped3A_92, %dma_wait3A_101] : memref<8x128xi32, #tpu.memory_space<vmem>> -> memref<1x128xi32, #tpu.memory_space<vmem>>
        %dma_wait3A_103 = tpu.memref_squeeze %dma_wait3A_102 : memref<1x128xi32, #tpu.memory_space<vmem>> -> memref<128xi32, #tpu.memory_space<vmem>>
        %dma_wait3A_104 = arith.constant 0 : i32
        %dma_wait3A_105 = arith.constant 0 : i32
        %dma_wait3A_106 = tpu.memref_slice %arg7[%dma_wait3A_104, %dma_wait3A_105] : memref<10240x128xf32, #tpu.memory_space<vmem_shared>> -> memref<10240x128xf32, #tpu.memory_space<vmem_shared>>
        tpu.wait_indirect_dma semaphore(%run_scoped3A_94 : memref<!tpu.dma_semaphore, #tpu.memory_space<semaphore_mem>>) src(%arg11 : memref<128x128xf32, #tpu.memory_space<vmem>>) dst(%dma_wait3A_106 : memref<10240x128xf32, #tpu.memory_space<vmem_shared>>)
        tpu.yield
      }) : () -> ()
      %while3A_93 = arith.constant 0 : i32
      scf.yield %while3A_93 : i32
    }
    %while3A_61 = arith.constant 1 : i32
    %while3A_62 = scf.for %while3A_68 = %while3A_58 to %while3A_54 step %while3A_61 iter_args(%while3A_69 = %while3A_60) -> (i32)  : i32 {
      %mul3A_70 = arith.constant 8 : i32
      %mul3A_71 = arith.muli %while3A_68, %mul3A_70 : i32
      %add3A_72 = arith.addi %select_n3A, %mul3A_71 : i32
      "tpu.region"() ({
        %run_scoped3A_94 = tpu.sem_alloc : memref<!tpu.dma_semaphore, #tpu.memory_space<semaphore_mem>>
        %dma_start3A_95 = arith.constant 0 : i32
        %dma_start3A_96 = tpu.memref_slice %arg3[%add3A_72, %dma_start3A_95] : memref<2560x128xi32, #tpu.memory_space<hbm>> -> memref<8x128xi32, #tpu.memory_space<hbm>>
        %dma_start3A_97 = arith.constant 0 : i32
        %dma_start3A_98 = tpu.memref_slice %arg3[%add3A_72, %dma_start3A_97] : memref<2560x128xi32, #tpu.memory_space<hbm>> -> memref<8x128xi32, #tpu.memory_space<hbm>>
        tpu.enqueue_dma source(%dma_start3A_98 : memref<8x128xi32, #tpu.memory_space<hbm>>) target(%arg8 : memref<8x128xi32, #tpu.memory_space<vmem>>) target_semaphore(%run_scoped3A_94 : memref<!tpu.dma_semaphore, #tpu.memory_space<semaphore_mem>>)
        %dma_wait3A_99 = arith.constant 0 : i32
        %dma_wait3A_100 = tpu.memref_slice %arg3[%add3A_72, %dma_wait3A_99] : memref<2560x128xi32, #tpu.memory_space<hbm>> -> memref<8x128xi32, #tpu.memory_space<hbm>>
        %dma_wait3A_101 = arith.constant 0 : i32
        %dma_wait3A_102 = tpu.memref_slice %arg3[%add3A_72, %dma_wait3A_101] : memref<2560x128xi32, #tpu.memory_space<hbm>> -> memref<8x128xi32, #tpu.memory_space<hbm>>
        tpu.wait_dma2 semaphore(%run_scoped3A_94 : memref<!tpu.dma_semaphore, #tpu.memory_space<semaphore_mem>>) src(%dma_wait3A_102 : memref<8x128xi32, #tpu.memory_space<hbm>>) dst(%arg8 : memref<8x128xi32, #tpu.memory_space<vmem>>)
        tpu.yield
      }) : () -> ()
      "tpu.region"() ({
        %run_scoped3A_94 = tpu.sem_alloc : memref<!tpu.dma_semaphore, #tpu.memory_space<semaphore_mem>>
        %dma_start3A_95 = arith.constant 0 : i32
        %dma_start3A_96 = tpu.memref_slice %arg4[%add3A_72, %dma_start3A_95] : memref<2560x128xi32, #tpu.memory_space<hbm>> -> memref<8x128xi32, #tpu.memory_space<hbm>>
        %dma_start3A_97 = arith.constant 0 : i32
        %dma_start3A_98 = tpu.memref_slice %arg4[%add3A_72, %dma_start3A_97] : memref<2560x128xi32, #tpu.memory_space<hbm>> -> memref<8x128xi32, #tpu.memory_space<hbm>>
        tpu.enqueue_dma source(%dma_start3A_98 : memref<8x128xi32, #tpu.memory_space<hbm>>) target(%arg9 : memref<8x128xi32, #tpu.memory_space<vmem>>) target_semaphore(%run_scoped3A_94 : memref<!tpu.dma_semaphore, #tpu.memory_space<semaphore_mem>>)
        %dma_wait3A_99 = arith.constant 0 : i32
        %dma_wait3A_100 = tpu.memref_slice %arg4[%add3A_72, %dma_wait3A_99] : memref<2560x128xi32, #tpu.memory_space<hbm>> -> memref<8x128xi32, #tpu.memory_space<hbm>>
        %dma_wait3A_101 = arith.constant 0 : i32
        %dma_wait3A_102 = tpu.memref_slice %arg4[%add3A_72, %dma_wait3A_101] : memref<2560x128xi32, #tpu.memory_space<hbm>> -> memref<8x128xi32, #tpu.memory_space<hbm>>
        tpu.wait_dma2 semaphore(%run_scoped3A_94 : memref<!tpu.dma_semaphore, #tpu.memory_space<semaphore_mem>>) src(%dma_wait3A_102 : memref<8x128xi32, #tpu.memory_space<hbm>>) dst(%arg9 : memref<8x128xi32, #tpu.memory_space<vmem>>)
        tpu.yield
      }) : () -> ()
      %run_scoped3A = arith.constant 0 : i32
      "tpu.region"() ({
        %run_scoped3A_94 = tpu.sem_alloc : memref<!tpu.dma_semaphore, #tpu.memory_space<semaphore_mem>>
        %dma_start3A_95 = arith.constant 0 : i32
        %dma_start3A_96 = tpu.memref_slice %arg8[%run_scoped3A, %dma_start3A_95] : memref<8x128xi32, #tpu.memory_space<vmem>> -> memref<1x128xi32, #tpu.memory_space<vmem>>
        %dma_start3A_97 = tpu.memref_squeeze %dma_start3A_96 : memref<1x128xi32, #tpu.memory_space<vmem>> -> memref<128xi32, #tpu.memory_space<vmem>>
        %dma_start3A_98 = arith.constant 0 : i32
        %dma_start3A_99 = arith.constant 0 : i32
        %dma_start3A_100 = tpu.memref_slice %arg2[%dma_start3A_98, %dma_start3A_99] : memref<10240x128xf32, #tpu.memory_space<hbm>> -> memref<10240x128xf32, #tpu.memory_space<hbm>>
        tpu.enqueue_indirect_dma source(%dma_start3A_100 : memref<10240x128xf32, #tpu.memory_space<hbm>>) target(%arg10 : memref<128x128xf32, #tpu.memory_space<vmem>>) offsets(%dma_start3A_97 : memref<128xi32, #tpu.memory_space<vmem>>) semaphore(%run_scoped3A_94 : memref<!tpu.dma_semaphore, #tpu.memory_space<semaphore_mem>>)
        %dma_wait3A_101 = arith.constant 0 : i32
        %dma_wait3A_102 = tpu.memref_slice %arg8[%run_scoped3A, %dma_wait3A_101] : memref<8x128xi32, #tpu.memory_space<vmem>> -> memref<1x128xi32, #tpu.memory_space<vmem>>
        %dma_wait3A_103 = tpu.memref_squeeze %dma_wait3A_102 : memref<1x128xi32, #tpu.memory_space<vmem>> -> memref<128xi32, #tpu.memory_space<vmem>>
        %dma_wait3A_104 = arith.constant 0 : i32
        %dma_wait3A_105 = arith.constant 0 : i32
        %dma_wait3A_106 = tpu.memref_slice %arg2[%dma_wait3A_104, %dma_wait3A_105] : memref<10240x128xf32, #tpu.memory_space<hbm>> -> memref<10240x128xf32, #tpu.memory_space<hbm>>
        tpu.wait_indirect_dma semaphore(%run_scoped3A_94 : memref<!tpu.dma_semaphore, #tpu.memory_space<semaphore_mem>>) src(%dma_wait3A_106 : memref<10240x128xf32, #tpu.memory_space<hbm>>) dst(%arg10 : memref<128x128xf32, #tpu.memory_space<vmem>>)
        tpu.yield
      }) : () -> ()
      %scan3A = arith.constant 0 : i32
      %scan3A_73 = arith.constant 0 : i32
      %scan3A_74 = arith.constant 3 : i32
      %scan3A_75 = arith.addi %scan3A_73, %scan3A_74 : i32
      %scan3A_76 = arith.constant 1 : i32
      %scan3A_77 = scf.for %scan3A_94 = %scan3A_73 to %scan3A_75 step %scan3A_76 iter_args(%scan3A_95 = %scan3A) -> (i32)  : i32 {
        %mul3A_96 = arith.constant 2 : i32
        %mul3A_97 = arith.muli %mul3A_96, %scan3A_94 : i32
        %add3A_98 = arith.constant 1 : i32
        %add3A_99 = arith.addi %mul3A_97, %add3A_98 : i32
        %dma_start3A_100 = arith.constant 0 : i32
        %dma_start3A_101 = tpu.memref_slice %arg8[%add3A_99, %dma_start3A_100] : memref<8x128xi32, #tpu.memory_space<vmem>> -> memref<1x128xi32, #tpu.memory_space<vmem>>
        %dma_start3A_102 = tpu.memref_squeeze %dma_start3A_101 : memref<1x128xi32, #tpu.memory_space<vmem>> -> memref<128xi32, #tpu.memory_space<vmem>>
        %dma_start3A_103 = arith.constant 0 : i32
        %dma_start3A_104 = arith.constant 0 : i32
        %dma_start3A_105 = tpu.memref_slice %arg2[%dma_start3A_103, %dma_start3A_104] : memref<10240x128xf32, #tpu.memory_space<hbm>> -> memref<10240x128xf32, #tpu.memory_space<hbm>>
        tpu.enqueue_indirect_dma source(%dma_start3A_105 : memref<10240x128xf32, #tpu.memory_space<hbm>>) target(%arg11 : memref<128x128xf32, #tpu.memory_space<vmem>>) offsets(%dma_start3A_102 : memref<128xi32, #tpu.memory_space<vmem>>) semaphore(%arg12 : memref<!tpu.dma_semaphore, #tpu.memory_space<semaphore_mem>>)
        "tpu.region"() ({
          %run_scoped3A_129 = tpu.sem_alloc : memref<!tpu.dma_semaphore, #tpu.memory_space<semaphore_mem>>
          %dma_start3A_130 = arith.constant 0 : i32
          %dma_start3A_131 = tpu.memref_slice %arg9[%mul3A_97, %dma_start3A_130] : memref<8x128xi32, #tpu.memory_space<vmem>> -> memref<1x128xi32, #tpu.memory_space<vmem>>
          %dma_start3A_132 = tpu.memref_squeeze %dma_start3A_131 : memref<1x128xi32, #tpu.memory_space<vmem>> -> memref<128xi32, #tpu.memory_space<vmem>>
          %dma_start3A_133 = arith.constant 0 : i32
          %dma_start3A_134 = arith.constant 0 : i32
          %dma_start3A_135 = tpu.memref_slice %arg7[%dma_start3A_133, %dma_start3A_134] : memref<10240x128xf32, #tpu.memory_space<vmem_shared>> -> memref<10240x128xf32, #tpu.memory_space<vmem_shared>>
          tpu.enqueue_indirect_dma source(%arg10 : memref<128x128xf32, #tpu.memory_space<vmem>>) target(%dma_start3A_135 : memref<10240x128xf32, #tpu.memory_space<vmem_shared>>) offsets(%dma_start3A_132 : memref<128xi32, #tpu.memory_space<vmem>>) semaphore(%run_scoped3A_129 : memref<!tpu.dma_semaphore, #tpu.memory_space<semaphore_mem>>) {add = true}
          %dma_wait3A_136 = arith.constant 0 : i32
          %dma_wait3A_137 = tpu.memref_slice %arg9[%mul3A_97, %dma_wait3A_136] : memref<8x128xi32, #tpu.memory_space<vmem>> -> memref<1x128xi32, #tpu.memory_space<vmem>>
          %dma_wait3A_138 = tpu.memref_squeeze %dma_wait3A_137 : memref<1x128xi32, #tpu.memory_space<vmem>> -> memref<128xi32, #tpu.memory_space<vmem>>
          %dma_wait3A_139 = arith.constant 0 : i32
          %dma_wait3A_140 = arith.constant 0 : i32
          %dma_wait3A_141 = tpu.memref_slice %arg7[%dma_wait3A_139, %dma_wait3A_140] : memref<10240x128xf32, #tpu.memory_space<vmem_shared>> -> memref<10240x128xf32, #tpu.memory_space<vmem_shared>>
          tpu.wait_indirect_dma semaphore(%run_scoped3A_129 : memref<!tpu.dma_semaphore, #tpu.memory_space<semaphore_mem>>) src(%arg10 : memref<128x128xf32, #tpu.memory_space<vmem>>) dst(%dma_wait3A_141 : memref<10240x128xf32, #tpu.memory_space<vmem_shared>>)
          tpu.yield
        }) : () -> ()
        %dma_wait3A_106 = arith.constant 0 : i32
        %dma_wait3A_107 = tpu.memref_slice %arg8[%add3A_99, %dma_wait3A_106] : memref<8x128xi32, #tpu.memory_space<vmem>> -> memref<1x128xi32, #tpu.memory_space<vmem>>
        %dma_wait3A_108 = tpu.memref_squeeze %dma_wait3A_107 : memref<1x128xi32, #tpu.memory_space<vmem>> -> memref<128xi32, #tpu.memory_space<vmem>>
        %dma_wait3A_109 = arith.constant 0 : i32
        %dma_wait3A_110 = arith.constant 0 : i32
        %dma_wait3A_111 = tpu.memref_slice %arg2[%dma_wait3A_109, %dma_wait3A_110] : memref<10240x128xf32, #tpu.memory_space<hbm>> -> memref<10240x128xf32, #tpu.memory_space<hbm>>
        tpu.wait_indirect_dma semaphore(%arg12 : memref<!tpu.dma_semaphore, #tpu.memory_space<semaphore_mem>>) src(%dma_wait3A_111 : memref<10240x128xf32, #tpu.memory_space<hbm>>) dst(%arg11 : memref<128x128xf32, #tpu.memory_space<vmem>>)
        %add3A_112 = arith.constant 2 : i32
        %add3A_113 = arith.addi %mul3A_97, %add3A_112 : i32
        %dma_start3A_114 = arith.constant 0 : i32
        %dma_start3A_115 = tpu.memref_slice %arg8[%add3A_113, %dma_start3A_114] : memref<8x128xi32, #tpu.memory_space<vmem>> -> memref<1x128xi32, #tpu.memory_space<vmem>>
        %dma_start3A_116 = tpu.memref_squeeze %dma_start3A_115 : memref<1x128xi32, #tpu.memory_space<vmem>> -> memref<128xi32, #tpu.memory_space<vmem>>
        %dma_start3A_117 = arith.constant 0 : i32
        %dma_start3A_118 = arith.constant 0 : i32
        %dma_start3A_119 = tpu.memref_slice %arg2[%dma_start3A_117, %dma_start3A_118] : memref<10240x128xf32, #tpu.memory_space<hbm>> -> memref<10240x128xf32, #tpu.memory_space<hbm>>
        tpu.enqueue_indirect_dma source(%dma_start3A_119 : memref<10240x128xf32, #tpu.memory_space<hbm>>) target(%arg10 : memref<128x128xf32, #tpu.memory_space<vmem>>) offsets(%dma_start3A_116 : memref<128xi32, #tpu.memory_space<vmem>>) semaphore(%arg12 : memref<!tpu.dma_semaphore, #tpu.memory_space<semaphore_mem>>)
        %add3A_120 = arith.constant 1 : i32
        %add3A_121 = arith.addi %mul3A_97, %add3A_120 : i32
        "tpu.region"() ({
          %run_scoped3A_129 = tpu.sem_alloc : memref<!tpu.dma_semaphore, #tpu.memory_space<semaphore_mem>>
          %dma_start3A_130 = arith.constant 0 : i32
          %dma_start3A_131 = tpu.memref_slice %arg9[%add3A_121, %dma_start3A_130] : memref<8x128xi32, #tpu.memory_space<vmem>> -> memref<1x128xi32, #tpu.memory_space<vmem>>
          %dma_start3A_132 = tpu.memref_squeeze %dma_start3A_131 : memref<1x128xi32, #tpu.memory_space<vmem>> -> memref<128xi32, #tpu.memory_space<vmem>>
          %dma_start3A_133 = arith.constant 0 : i32
          %dma_start3A_134 = arith.constant 0 : i32
          %dma_start3A_135 = tpu.memref_slice %arg7[%dma_start3A_133, %dma_start3A_134] : memref<10240x128xf32, #tpu.memory_space<vmem_shared>> -> memref<10240x128xf32, #tpu.memory_space<vmem_shared>>
          tpu.enqueue_indirect_dma source(%arg11 : memref<128x128xf32, #tpu.memory_space<vmem>>) target(%dma_start3A_135 : memref<10240x128xf32, #tpu.memory_space<vmem_shared>>) offsets(%dma_start3A_132 : memref<128xi32, #tpu.memory_space<vmem>>) semaphore(%run_scoped3A_129 : memref<!tpu.dma_semaphore, #tpu.memory_space<semaphore_mem>>) {add = true}
          %dma_wait3A_136 = arith.constant 0 : i32
          %dma_wait3A_137 = tpu.memref_slice %arg9[%add3A_121, %dma_wait3A_136] : memref<8x128xi32, #tpu.memory_space<vmem>> -> memref<1x128xi32, #tpu.memory_space<vmem>>
          %dma_wait3A_138 = tpu.memref_squeeze %dma_wait3A_137 : memref<1x128xi32, #tpu.memory_space<vmem>> -> memref<128xi32, #tpu.memory_space<vmem>>
          %dma_wait3A_139 = arith.constant 0 : i32
          %dma_wait3A_140 = arith.constant 0 : i32
          %dma_wait3A_141 = tpu.memref_slice %arg7[%dma_wait3A_139, %dma_wait3A_140] : memref<10240x128xf32, #tpu.memory_space<vmem_shared>> -> memref<10240x128xf32, #tpu.memory_space<vmem_shared>>
          tpu.wait_indirect_dma semaphore(%run_scoped3A_129 : memref<!tpu.dma_semaphore, #tpu.memory_space<semaphore_mem>>) src(%arg11 : memref<128x128xf32, #tpu.memory_space<vmem>>) dst(%dma_wait3A_141 : memref<10240x128xf32, #tpu.memory_space<vmem_shared>>)
          tpu.yield
        }) : () -> ()
        %dma_wait3A_122 = arith.constant 0 : i32
        %dma_wait3A_123 = tpu.memref_slice %arg8[%add3A_113, %dma_wait3A_122] : memref<8x128xi32, #tpu.memory_space<vmem>> -> memref<1x128xi32, #tpu.memory_space<vmem>>
        %dma_wait3A_124 = tpu.memref_squeeze %dma_wait3A_123 : memref<1x128xi32, #tpu.memory_space<vmem>> -> memref<128xi32, #tpu.memory_space<vmem>>
        %dma_wait3A_125 = arith.constant 0 : i32
        %dma_wait3A_126 = arith.constant 0 : i32
        %dma_wait3A_127 = tpu.memref_slice %arg2[%dma_wait3A_125, %dma_wait3A_126] : memref<10240x128xf32, #tpu.memory_space<hbm>> -> memref<10240x128xf32, #tpu.memory_space<hbm>>
        tpu.wait_indirect_dma semaphore(%arg12 : memref<!tpu.dma_semaphore, #tpu.memory_space<semaphore_mem>>) src(%dma_wait3A_127 : memref<10240x128xf32, #tpu.memory_space<hbm>>) dst(%arg10 : memref<128x128xf32, #tpu.memory_space<vmem>>)
        %scan3A_128 = arith.constant 0 : i32
        scf.yield %scan3A_128 : i32
      }
      %scan3A_78 = arith.constant 3 : i32
      %dma_start3A = arith.constant 7 : i32
      %dma_start3A_79 = arith.constant 0 : i32
      %dma_start3A_80 = tpu.memref_slice %arg8[%dma_start3A, %dma_start3A_79] : memref<8x128xi32, #tpu.memory_space<vmem>> -> memref<1x128xi32, #tpu.memory_space<vmem>>
      %dma_start3A_81 = tpu.memref_squeeze %dma_start3A_80 : memref<1x128xi32, #tpu.memory_space<vmem>> -> memref<128xi32, #tpu.memory_space<vmem>>
      %dma_start3A_82 = arith.constant 0 : i32
      %dma_start3A_83 = arith.constant 0 : i32
      %dma_start3A_84 = tpu.memref_slice %arg2[%dma_start3A_82, %dma_start3A_83] : memref<10240x128xf32, #tpu.memory_space<hbm>> -> memref<10240x128xf32, #tpu.memory_space<hbm>>
      tpu.enqueue_indirect_dma source(%dma_start3A_84 : memref<10240x128xf32, #tpu.memory_space<hbm>>) target(%arg11 : memref<128x128xf32, #tpu.memory_space<vmem>>) offsets(%dma_start3A_81 : memref<128xi32, #tpu.memory_space<vmem>>) semaphore(%arg12 : memref<!tpu.dma_semaphore, #tpu.memory_space<semaphore_mem>>)
      %run_scoped3A_85 = arith.constant 6 : i32
      "tpu.region"() ({
        %run_scoped3A_94 = tpu.sem_alloc : memref<!tpu.dma_semaphore, #tpu.memory_space<semaphore_mem>>
        %dma_start3A_95 = arith.constant 0 : i32
        %dma_start3A_96 = tpu.memref_slice %arg9[%run_scoped3A_85, %dma_start3A_95] : memref<8x128xi32, #tpu.memory_space<vmem>> -> memref<1x128xi32, #tpu.memory_space<vmem>>
        %dma_start3A_97 = tpu.memref_squeeze %dma_start3A_96 : memref<1x128xi32, #tpu.memory_space<vmem>> -> memref<128xi32, #tpu.memory_space<vmem>>
        %dma_start3A_98 = arith.constant 0 : i32
        %dma_start3A_99 = arith.constant 0 : i32
        %dma_start3A_100 = tpu.memref_slice %arg7[%dma_start3A_98, %dma_start3A_99] : memref<10240x128xf32, #tpu.memory_space<vmem_shared>> -> memref<10240x128xf32, #tpu.memory_space<vmem_shared>>
        tpu.enqueue_indirect_dma source(%arg10 : memref<128x128xf32, #tpu.memory_space<vmem>>) target(%dma_start3A_100 : memref<10240x128xf32, #tpu.memory_space<vmem_shared>>) offsets(%dma_start3A_97 : memref<128xi32, #tpu.memory_space<vmem>>) semaphore(%run_scoped3A_94 : memref<!tpu.dma_semaphore, #tpu.memory_space<semaphore_mem>>) {add = true}
        %dma_wait3A_101 = arith.constant 0 : i32
        %dma_wait3A_102 = tpu.memref_slice %arg9[%run_scoped3A_85, %dma_wait3A_101] : memref<8x128xi32, #tpu.memory_space<vmem>> -> memref<1x128xi32, #tpu.memory_space<vmem>>
        %dma_wait3A_103 = tpu.memref_squeeze %dma_wait3A_102 : memref<1x128xi32, #tpu.memory_space<vmem>> -> memref<128xi32, #tpu.memory_space<vmem>>
        %dma_wait3A_104 = arith.constant 0 : i32
        %dma_wait3A_105 = arith.constant 0 : i32
        %dma_wait3A_106 = tpu.memref_slice %arg7[%dma_wait3A_104, %dma_wait3A_105] : memref<10240x128xf32, #tpu.memory_space<vmem_shared>> -> memref<10240x128xf32, #tpu.memory_space<vmem_shared>>
        tpu.wait_indirect_dma semaphore(%run_scoped3A_94 : memref<!tpu.dma_semaphore, #tpu.memory_space<semaphore_mem>>) src(%arg10 : memref<128x128xf32, #tpu.memory_space<vmem>>) dst(%dma_wait3A_106 : memref<10240x128xf32, #tpu.memory_space<vmem_shared>>)
        tpu.yield
      }) : () -> ()
      %dma_wait3A = arith.constant 7 : i32
      %dma_wait3A_86 = arith.constant 0 : i32
      %dma_wait3A_87 = tpu.memref_slice %arg8[%dma_wait3A, %dma_wait3A_86] : memref<8x128xi32, #tpu.memory_space<vmem>> -> memref<1x128xi32, #tpu.memory_space<vmem>>
      %dma_wait3A_88 = tpu.memref_squeeze %dma_wait3A_87 : memref<1x128xi32, #tpu.memory_space<vmem>> -> memref<128xi32, #tpu.memory_space<vmem>>
      %dma_wait3A_89 = arith.constant 0 : i32
      %dma_wait3A_90 = arith.constant 0 : i32
      %dma_wait3A_91 = tpu.memref_slice %arg2[%dma_wait3A_89, %dma_wait3A_90] : memref<10240x128xf32, #tpu.memory_space<hbm>> -> memref<10240x128xf32, #tpu.memory_space<hbm>>
      tpu.wait_indirect_dma semaphore(%arg12 : memref<!tpu.dma_semaphore, #tpu.memory_space<semaphore_mem>>) src(%dma_wait3A_91 : memref<10240x128xf32, #tpu.memory_space<hbm>>) dst(%arg11 : memref<128x128xf32, #tpu.memory_space<vmem>>)
      %run_scoped3A_92 = arith.constant 7 : i32
      "tpu.region"() ({
        %run_scoped3A_94 = tpu.sem_alloc : memref<!tpu.dma_semaphore, #tpu.memory_space<semaphore_mem>>
        %dma_start3A_95 = arith.constant 0 : i32
        %dma_start3A_96 = tpu.memref_slice %arg9[%run_scoped3A_92, %dma_start3A_95] : memref<8x128xi32, #tpu.memory_space<vmem>> -> memref<1x128xi32, #tpu.memory_space<vmem>>
        %dma_start3A_97 = tpu.memref_squeeze %dma_start3A_96 : memref<1x128xi32, #tpu.memory_space<vmem>> -> memref<128xi32, #tpu.memory_space<vmem>>
        %dma_start3A_98 = arith.constant 0 : i32
        %dma_start3A_99 = arith.constant 0 : i32
        %dma_start3A_100 = tpu.memref_slice %arg7[%dma_start3A_98, %dma_start3A_99] : memref<10240x128xf32, #tpu.memory_space<vmem_shared>> -> memref<10240x128xf32, #tpu.memory_space<vmem_shared>>
        tpu.enqueue_indirect_dma source(%arg11 : memref<128x128xf32, #tpu.memory_space<vmem>>) target(%dma_start3A_100 : memref<10240x128xf32, #tpu.memory_space<vmem_shared>>) offsets(%dma_start3A_97 : memref<128xi32, #tpu.memory_space<vmem>>) semaphore(%run_scoped3A_94 : memref<!tpu.dma_semaphore, #tpu.memory_space<semaphore_mem>>) {add = true}
        %dma_wait3A_101 = arith.constant 0 : i32
        %dma_wait3A_102 = tpu.memref_slice %arg9[%run_scoped3A_92, %dma_wait3A_101] : memref<8x128xi32, #tpu.memory_space<vmem>> -> memref<1x128xi32, #tpu.memory_space<vmem>>
        %dma_wait3A_103 = tpu.memref_squeeze %dma_wait3A_102 : memref<1x128xi32, #tpu.memory_space<vmem>> -> memref<128xi32, #tpu.memory_space<vmem>>
        %dma_wait3A_104 = arith.constant 0 : i32
        %dma_wait3A_105 = arith.constant 0 : i32
        %dma_wait3A_106 = tpu.memref_slice %arg7[%dma_wait3A_104, %dma_wait3A_105] : memref<10240x128xf32, #tpu.memory_space<vmem_shared>> -> memref<10240x128xf32, #tpu.memory_space<vmem_shared>>
        tpu.wait_indirect_dma semaphore(%run_scoped3A_94 : memref<!tpu.dma_semaphore, #tpu.memory_space<semaphore_mem>>) src(%arg11 : memref<128x128xf32, #tpu.memory_space<vmem>>) dst(%dma_wait3A_106 : memref<10240x128xf32, #tpu.memory_space<vmem_shared>>)
        tpu.yield
      }) : () -> ()
      %while3A_93 = arith.constant 0 : i32
      scf.yield %while3A_93 : i32
    }
    %barrier3A_63 = arith.constant 0 : index
    tpu.barrier barrier_id(%barrier3A_63)
    %mul3A_64 = arith.constant 640 : i32
    %mul3A_65 = arith.muli %arg1, %mul3A_64 : i32
    %mul3A_66 = arith.constant 640 : i32
    %mul3A_67 = arith.muli %arg1, %mul3A_66 : i32
    "tpu.region"() ({
      %run_scoped3A = tpu.sem_alloc : memref<!tpu.dma_semaphore, #tpu.memory_space<semaphore_mem>>
      %dma_start3A = arith.constant 0 : i32
      %dma_start3A_68 = tpu.memref_slice %arg6[%arg0, %mul3A_67, %dma_start3A] : memref<2x10240x128xf32, #tpu.memory_space<hbm>> -> memref<1x640x128xf32, #tpu.memory_space<hbm>>
      %dma_start3A_69 = tpu.memref_squeeze %dma_start3A_68 : memref<1x640x128xf32, #tpu.memory_space<hbm>> -> memref<640x128xf32, #tpu.memory_space<hbm>>
      %dma_start3A_70 = arith.constant 0 : i32
      %dma_start3A_71 = tpu.memref_slice %arg7[%mul3A_65, %dma_start3A_70] : memref<10240x128xf32, #tpu.memory_space<vmem_shared>> -> memref<640x128xf32, #tpu.memory_space<vmem_shared>>
      tpu.enqueue_dma source(%dma_start3A_71 : memref<640x128xf32, #tpu.memory_space<vmem_shared>>) target(%dma_start3A_69 : memref<640x128xf32, #tpu.memory_space<hbm>>) target_semaphore(%run_scoped3A : memref<!tpu.dma_semaphore, #tpu.memory_space<semaphore_mem>>)
      %dma_wait3A = arith.constant 0 : i32
      %dma_wait3A_72 = tpu.memref_slice %arg6[%arg0, %mul3A_67, %dma_wait3A] : memref<2x10240x128xf32, #tpu.memory_space<hbm>> -> memref<1x640x128xf32, #tpu.memory_space<hbm>>
      %dma_wait3A_73 = tpu.memref_squeeze %dma_wait3A_72 : memref<1x640x128xf32, #tpu.memory_space<hbm>> -> memref<640x128xf32, #tpu.memory_space<hbm>>
      %dma_wait3A_74 = arith.constant 0 : i32
      %dma_wait3A_75 = tpu.memref_slice %arg7[%mul3A_65, %dma_wait3A_74] : memref<10240x128xf32, #tpu.memory_space<vmem_shared>> -> memref<640x128xf32, #tpu.memory_space<vmem_shared>>
      tpu.wait_dma2 semaphore(%run_scoped3A : memref<!tpu.dma_semaphore, #tpu.memory_space<semaphore_mem>>) src(%dma_wait3A_75 : memref<640x128xf32, #tpu.memory_space<vmem_shared>>) dst(%dma_wait3A_73 : memref<640x128xf32, #tpu.memory_space<hbm>>)
      tpu.yield
    }) : () -> ()
    return
  }
}

module attributes {stable_mosaic.version = 14 : i64} {
  func.func @_g1_body(%arg0: i32, %arg1: memref<1024x128xf32, #tpu.memory_space<vmem>>, %arg2: memref<1024x1xf32, #tpu.memory_space<vmem>>, %arg3: memref<1024x1xf32, #tpu.memory_space<vmem>>, %arg4: memref<128x128xf32, #tpu.memory_space<vmem>>, %arg5: memref<1024x128xf32, #tpu.memory_space<vmem>>) attributes {dimension_semantics = [#tpu.dimension_semantics<arbitrary>], iteration_bounds = array<i64: 10>, scalar_prefetch = 0 : i64, scratch_operands = 0 : i64, tpu.core_type = #tpu.core_type<tc>, window_params = [{transform_indices = @transform_0, window_bounds = array<i64: 1024, 128>}, {transform_indices = @transform_1, window_bounds = array<i64: 1024, 1>}, {transform_indices = @transform_2, window_bounds = array<i64: 1024, 1>}, {pipeline_mode = #tpu.pipeline_mode<synchronous>, transform_indices = @transform_3, window_bounds = array<i64: 128, 128>}, {transform_indices = @transform_4, window_bounds = array<i64: 1024, 128>}]} {
    %get3A = arith.constant 0 : index
    %get3A_0 = arith.constant 0 : index
    %get3A_1 = vector.load %arg2[%get3A, %get3A_0] : memref<1024x1xf32, #tpu.memory_space<vmem>>, vector<1024x1xf32>
    %get3A_2 = arith.constant 0 : index
    %get3A_3 = arith.constant 0 : index
    %get3A_4 = vector.load %arg3[%get3A_2, %get3A_3] : memref<1024x1xf32, #tpu.memory_space<vmem>>, vector<1024x1xf32>
    %add3A = arith.addf %get3A_1, %get3A_4 : vector<1024x1xf32>
    %add3A_5 = arith.constant 1.000000e+00 : f32
    %add3A_6 = vector.broadcast %add3A_5 : f32 to vector<1024x1xf32>
    %add3A_7 = arith.addf %add3A, %add3A_6 : vector<1024x1xf32>
    %rsqrt3A = math.rsqrt %add3A_7 : vector<1024x1xf32>
    %get3A_8 = arith.constant 0 : index
    %get3A_9 = arith.constant 0 : index
    %get3A_10 = vector.load %arg1[%get3A_8, %get3A_9] : memref<1024x128xf32, #tpu.memory_space<vmem>>, vector<1024x128xf32>
    %get3A_11 = arith.constant 0 : index
    %get3A_12 = arith.constant 0 : index
    %get3A_13 = vector.load %arg4[%get3A_11, %get3A_12] : memref<128x128xf32, #tpu.memory_space<vmem>>, vector<128x128xf32>
    %dot_general3A = arith.constant dense<0.000000e+00> : vector<1024x128xf32>
    %dot_general3A_14 = tpu.matmul %get3A_10, %get3A_13, %dot_general3A {dimension_numbers = #tpu.dot_dimension_numbers<[1], [0], [0], [1], [0, 0, 1, 1], [], []>, transpose_lhs_hint = false} : vector<1024x128xf32>, vector<128x128xf32>, vector<1024x128xf32> -> vector<1024x128xf32>
    %mul3A = vector.broadcast %rsqrt3A : vector<1024x1xf32> to vector<1024x128xf32>
    %mul3A_15 = arith.mulf %mul3A, %dot_general3A_14 : vector<1024x128xf32>
    %swap3A = arith.constant 0 : index
    %swap3A_16 = arith.constant 0 : index
    %swap3A_17 = vector.load %arg5[%swap3A, %swap3A_16] : memref<1024x128xf32, #tpu.memory_space<vmem>>, vector<1024x128xf32>
    tpu.vector_store %arg5[%swap3A, %swap3A_16], %mul3A_15 {strides = array<i32>} : memref<1024x128xf32, #tpu.memory_space<vmem>>, vector<1024x128xf32>,
    return
  }
  func.func @transform_0(%arg0: i32) -> (i32, i32) {
    %c0_i32 = arith.constant 0 : i32
    %c0_i32_0 = arith.constant 0 : i32
    return %arg0, %c0_i32 : i32, i32
  }
  func.func @transform_1(%arg0: i32) -> (i32, i32) {
    %c0_i32 = arith.constant 0 : i32
    %c0_i32_0 = arith.constant 0 : i32
    return %arg0, %c0_i32 : i32, i32
  }
  func.func @transform_2(%arg0: i32) -> (i32, i32) {
    %c0_i32 = arith.constant 0 : i32
    %c0_i32_0 = arith.constant 0 : i32
    return %arg0, %c0_i32 : i32, i32
  }
  func.func @transform_3(%arg0: i32) -> (i32, i32) {
    %c0_i32 = arith.constant 0 : i32
    %c0_i32_0 = arith.constant 0 : i32
    %c0_i32_1 = arith.constant 0 : i32
    return %c0_i32, %c0_i32_0 : i32, i32
  }
  func.func @transform_4(%arg0: i32) -> (i32, i32) {
    %c0_i32 = arith.constant 0 : i32
    %c0_i32_0 = arith.constant 0 : i32
    return %arg0, %c0_i32 : i32, i32
  }
}

module attributes {stable_mosaic.version = 14 : i64} {
  func.func @_mid_body(%arg0: i32, %arg1: memref<1024x128xf32, #tpu.memory_space<vmem>>, %arg2: memref<1024x128xf32, #tpu.memory_space<vmem>>, %arg3: memref<1024x128xf32, #tpu.memory_space<vmem>>, %arg4: memref<1024x1xf32, #tpu.memory_space<vmem>>, %arg5: memref<1024x1xf32, #tpu.memory_space<vmem>>, %arg6: memref<1x128xf32, #tpu.memory_space<vmem>>, %arg7: memref<128x128xf32, #tpu.memory_space<vmem>>, %arg8: memref<1024x128xf32, #tpu.memory_space<vmem>>) attributes {dimension_semantics = [#tpu.dimension_semantics<arbitrary>], iteration_bounds = array<i64: 10>, scalar_prefetch = 0 : i64, scratch_operands = 0 : i64, tpu.core_type = #tpu.core_type<tc>, window_params = [{transform_indices = @transform_0, window_bounds = array<i64: 1024, 128>}, {transform_indices = @transform_1, window_bounds = array<i64: 1024, 128>}, {transform_indices = @transform_2, window_bounds = array<i64: 1024, 128>}, {transform_indices = @transform_3, window_bounds = array<i64: 1024, 1>}, {transform_indices = @transform_4, window_bounds = array<i64: 1024, 1>}, {pipeline_mode = #tpu.pipeline_mode<synchronous>, transform_indices = @transform_5, window_bounds = array<i64: 1, 128>}, {pipeline_mode = #tpu.pipeline_mode<synchronous>, transform_indices = @transform_6, window_bounds = array<i64: 128, 128>}, {transform_indices = @transform_7, window_bounds = array<i64: 1024, 128>}]} {
    %get3A = arith.constant 0 : index
    %get3A_0 = arith.constant 0 : index
    %get3A_1 = vector.load %arg4[%get3A, %get3A_0] : memref<1024x1xf32, #tpu.memory_space<vmem>>, vector<1024x1xf32>
    %get3A_2 = arith.constant 0 : index
    %get3A_3 = arith.constant 0 : index
    %get3A_4 = vector.load %arg5[%get3A_2, %get3A_3] : memref<1024x1xf32, #tpu.memory_space<vmem>>, vector<1024x1xf32>
    %add3A = arith.addf %get3A_1, %get3A_4 : vector<1024x1xf32>
    %add3A_5 = arith.constant 1.000000e+00 : f32
    %add3A_6 = vector.broadcast %add3A_5 : f32 to vector<1024x1xf32>
    %add3A_7 = arith.addf %add3A, %add3A_6 : vector<1024x1xf32>
    %rsqrt3A = math.rsqrt %add3A_7 : vector<1024x1xf32>
    %get3A_8 = arith.constant 0 : index
    %get3A_9 = arith.constant 0 : index
    %get3A_10 = vector.load %arg1[%get3A_8, %get3A_9] : memref<1024x128xf32, #tpu.memory_space<vmem>>, vector<1024x128xf32>
    %get3A_11 = arith.constant 0 : index
    %get3A_12 = arith.constant 0 : index
    %get3A_13 = vector.load %arg2[%get3A_11, %get3A_12] : memref<1024x128xf32, #tpu.memory_space<vmem>>, vector<1024x128xf32>
    %add3A_14 = arith.addf %get3A_10, %get3A_13 : vector<1024x128xf32>
    %get3A_15 = arith.constant 0 : index
    %get3A_16 = arith.constant 0 : index
    %get3A_17 = vector.load %arg3[%get3A_15, %get3A_16] : memref<1024x128xf32, #tpu.memory_space<vmem>>, vector<1024x128xf32>
    %add3A_18 = arith.addf %add3A_14, %get3A_17 : vector<1024x128xf32>
    %mul3A = vector.broadcast %rsqrt3A : vector<1024x1xf32> to vector<1024x128xf32>
    %mul3A_19 = arith.mulf %mul3A, %add3A_18 : vector<1024x128xf32>
    %get3A_20 = arith.constant 0 : index
    %get3A_21 = arith.constant 0 : index
    %get3A_22 = vector.load %arg6[%get3A_20, %get3A_21] : memref<1x128xf32, #tpu.memory_space<vmem>>, vector<1x128xf32>
    %add3A_23 = vector.broadcast %get3A_22 : vector<1x128xf32> to vector<1024x128xf32>
    %add3A_24 = arith.addf %mul3A_19, %add3A_23 : vector<1024x128xf32>
    %max3A = arith.constant 0.000000e+00 : f32
    %max3A_25 = vector.broadcast %max3A : f32 to vector<1024x128xf32>
    %max3A_26 = arith.maximumf %add3A_24, %max3A_25 : vector<1024x128xf32>
    %get3A_27 = arith.constant 0 : index
    %get3A_28 = arith.constant 0 : index
    %get3A_29 = vector.load %arg7[%get3A_27, %get3A_28] : memref<128x128xf32, #tpu.memory_space<vmem>>, vector<128x128xf32>
    %dot_general3A = arith.constant dense<0.000000e+00> : vector<1024x128xf32>
    %dot_general3A_30 = tpu.matmul %max3A_26, %get3A_29, %dot_general3A {dimension_numbers = #tpu.dot_dimension_numbers<[1], [0], [0], [1], [0, 0, 1, 1], [], []>, transpose_lhs_hint = false} : vector<1024x128xf32>, vector<128x128xf32>, vector<1024x128xf32> -> vector<1024x128xf32>
    %mul3A_31 = vector.broadcast %rsqrt3A : vector<1024x1xf32> to vector<1024x128xf32>
    %mul3A_32 = arith.mulf %mul3A_31, %dot_general3A_30 : vector<1024x128xf32>
    %swap3A = arith.constant 0 : index
    %swap3A_33 = arith.constant 0 : index
    %swap3A_34 = vector.load %arg8[%swap3A, %swap3A_33] : memref<1024x128xf32, #tpu.memory_space<vmem>>, vector<1024x128xf32>
    tpu.vector_store %arg8[%swap3A, %swap3A_33], %mul3A_32 {strides = array<i32>} : memref<1024x128xf32, #tpu.memory_space<vmem>>, vector<1024x128xf32>,
    return
  }
  func.func @transform_0(%arg0: i32) -> (i32, i32) {
    %c0_i32 = arith.constant 0 : i32
    %c0_i32_0 = arith.constant 0 : i32
    return %arg0, %c0_i32 : i32, i32
  }
  func.func @transform_1(%arg0: i32) -> (i32, i32) {
    %c0_i32 = arith.constant 0 : i32
    %c0_i32_0 = arith.constant 0 : i32
    return %arg0, %c0_i32 : i32, i32
  }
  func.func @transform_2(%arg0: i32) -> (i32, i32) {
    %c0_i32 = arith.constant 0 : i32
    %c0_i32_0 = arith.constant 0 : i32
    return %arg0, %c0_i32 : i32, i32
  }
  func.func @transform_3(%arg0: i32) -> (i32, i32) {
    %c0_i32 = arith.constant 0 : i32
    %c0_i32_0 = arith.constant 0 : i32
    return %arg0, %c0_i32 : i32, i32
  }
  func.func @transform_4(%arg0: i32) -> (i32, i32) {
    %c0_i32 = arith.constant 0 : i32
    %c0_i32_0 = arith.constant 0 : i32
    return %arg0, %c0_i32 : i32, i32
  }
  func.func @transform_5(%arg0: i32) -> (i32, i32) {
    %c0_i32 = arith.constant 0 : i32
    %c0_i32_0 = arith.constant 0 : i32
    %c0_i32_1 = arith.constant 0 : i32
    return %c0_i32, %c0_i32_0 : i32, i32
  }
  func.func @transform_6(%arg0: i32) -> (i32, i32) {
    %c0_i32 = arith.constant 0 : i32
    %c0_i32_0 = arith.constant 0 : i32
    %c0_i32_1 = arith.constant 0 : i32
    return %c0_i32, %c0_i32_0 : i32, i32
  }
  func.func @transform_7(%arg0: i32) -> (i32, i32) {
    %c0_i32 = arith.constant 0 : i32
    %c0_i32_0 = arith.constant 0 : i32
    return %arg0, %c0_i32 : i32, i32
  }
}

module attributes {stable_mosaic.version = 14 : i64} {
  func.func @_head_body(%arg0: i32, %arg1: memref<1024x128xf32, #tpu.memory_space<vmem>>, %arg2: memref<1024x128xf32, #tpu.memory_space<vmem>>, %arg3: memref<1024x128xf32, #tpu.memory_space<vmem>>, %arg4: memref<1024x1xf32, #tpu.memory_space<vmem>>, %arg5: memref<1024x1xf32, #tpu.memory_space<vmem>>, %arg6: memref<1x128xf32, #tpu.memory_space<vmem>>, %arg7: memref<128x256xf32, #tpu.memory_space<vmem>>, %arg8: memref<1x256xf32, #tpu.memory_space<vmem>>, %arg9: memref<256x64xf32, #tpu.memory_space<vmem>>, %arg10: memref<1x64xf32, #tpu.memory_space<vmem>>, %arg11: memref<1024x64xf32, #tpu.memory_space<vmem>>) attributes {dimension_semantics = [#tpu.dimension_semantics<arbitrary>], iteration_bounds = array<i64: 10>, scalar_prefetch = 0 : i64, scratch_operands = 0 : i64, tpu.core_type = #tpu.core_type<tc>, window_params = [{transform_indices = @transform_0, window_bounds = array<i64: 1024, 128>}, {transform_indices = @transform_1, window_bounds = array<i64: 1024, 128>}, {transform_indices = @transform_2, window_bounds = array<i64: 1024, 128>}, {transform_indices = @transform_3, window_bounds = array<i64: 1024, 1>}, {transform_indices = @transform_4, window_bounds = array<i64: 1024, 1>}, {pipeline_mode = #tpu.pipeline_mode<synchronous>, transform_indices = @transform_5, window_bounds = array<i64: 1, 128>}, {pipeline_mode = #tpu.pipeline_mode<synchronous>, transform_indices = @transform_6, window_bounds = array<i64: 128, 256>}, {pipeline_mode = #tpu.pipeline_mode<synchronous>, transform_indices = @transform_7, window_bounds = array<i64: 1, 256>}, {pipeline_mode = #tpu.pipeline_mode<synchronous>, transform_indices = @transform_8, window_bounds = array<i64: 256, 64>}, {pipeline_mode = #tpu.pipeline_mode<synchronous>, transform_indices = @transform_9, window_bounds = array<i64: 1, 64>}, {transform_indices = @transform_10, window_bounds = array<i64: 1024, 64>}]} {
    %get3A = arith.constant 0 : index
    %get3A_0 = arith.constant 0 : index
    %get3A_1 = vector.load %arg4[%get3A, %get3A_0] : memref<1024x1xf32, #tpu.memory_space<vmem>>, vector<1024x1xf32>
    %get3A_2 = arith.constant 0 : index
    %get3A_3 = arith.constant 0 : index
    %get3A_4 = vector.load %arg5[%get3A_2, %get3A_3] : memref<1024x1xf32, #tpu.memory_space<vmem>>, vector<1024x1xf32>
    %add3A = arith.addf %get3A_1, %get3A_4 : vector<1024x1xf32>
    %add3A_5 = arith.constant 1.000000e+00 : f32
    %add3A_6 = vector.broadcast %add3A_5 : f32 to vector<1024x1xf32>
    %add3A_7 = arith.addf %add3A, %add3A_6 : vector<1024x1xf32>
    %rsqrt3A = math.rsqrt %add3A_7 : vector<1024x1xf32>
    %get3A_8 = arith.constant 0 : index
    %get3A_9 = arith.constant 0 : index
    %get3A_10 = vector.load %arg1[%get3A_8, %get3A_9] : memref<1024x128xf32, #tpu.memory_space<vmem>>, vector<1024x128xf32>
    %get3A_11 = arith.constant 0 : index
    %get3A_12 = arith.constant 0 : index
    %get3A_13 = vector.load %arg2[%get3A_11, %get3A_12] : memref<1024x128xf32, #tpu.memory_space<vmem>>, vector<1024x128xf32>
    %add3A_14 = arith.addf %get3A_10, %get3A_13 : vector<1024x128xf32>
    %get3A_15 = arith.constant 0 : index
    %get3A_16 = arith.constant 0 : index
    %get3A_17 = vector.load %arg3[%get3A_15, %get3A_16] : memref<1024x128xf32, #tpu.memory_space<vmem>>, vector<1024x128xf32>
    %add3A_18 = arith.addf %add3A_14, %get3A_17 : vector<1024x128xf32>
    %mul3A = vector.broadcast %rsqrt3A : vector<1024x1xf32> to vector<1024x128xf32>
    %mul3A_19 = arith.mulf %mul3A, %add3A_18 : vector<1024x128xf32>
    %get3A_20 = arith.constant 0 : index
    %get3A_21 = arith.constant 0 : index
    %get3A_22 = vector.load %arg6[%get3A_20, %get3A_21] : memref<1x128xf32, #tpu.memory_space<vmem>>, vector<1x128xf32>
    %add3A_23 = vector.broadcast %get3A_22 : vector<1x128xf32> to vector<1024x128xf32>
    %add3A_24 = arith.addf %mul3A_19, %add3A_23 : vector<1024x128xf32>
    %max3A = arith.constant 0.000000e+00 : f32
    %max3A_25 = vector.broadcast %max3A : f32 to vector<1024x128xf32>
    %max3A_26 = arith.maximumf %add3A_24, %max3A_25 : vector<1024x128xf32>
    %get3A_27 = arith.constant 0 : index
    %get3A_28 = arith.constant 0 : index
    %get3A_29 = vector.load %arg7[%get3A_27, %get3A_28] : memref<128x256xf32, #tpu.memory_space<vmem>>, vector<128x256xf32>
    %dot_general3A = arith.constant dense<0.000000e+00> : vector<1024x256xf32>
    %dot_general3A_30 = tpu.matmul %max3A_26, %get3A_29, %dot_general3A {dimension_numbers = #tpu.dot_dimension_numbers<[1], [0], [0], [1], [0, 0, 1, 1], [], []>, transpose_lhs_hint = false} : vector<1024x128xf32>, vector<128x256xf32>, vector<1024x256xf32> -> vector<1024x256xf32>
    %get3A_31 = arith.constant 0 : index
    %get3A_32 = arith.constant 0 : index
    %get3A_33 = vector.load %arg8[%get3A_31, %get3A_32] : memref<1x256xf32, #tpu.memory_space<vmem>>, vector<1x256xf32>
    %add3A_34 = vector.broadcast %get3A_33 : vector<1x256xf32> to vector<1024x256xf32>
    %add3A_35 = arith.addf %dot_general3A_30, %add3A_34 : vector<1024x256xf32>
    %max3A_36 = arith.constant 0.000000e+00 : f32
    %max3A_37 = vector.broadcast %max3A_36 : f32 to vector<1024x256xf32>
    %max3A_38 = arith.maximumf %add3A_35, %max3A_37 : vector<1024x256xf32>
    %get3A_39 = arith.constant 0 : index
    %get3A_40 = arith.constant 0 : index
    %get3A_41 = vector.load %arg9[%get3A_39, %get3A_40] : memref<256x64xf32, #tpu.memory_space<vmem>>, vector<256x64xf32>
    %dot_general3A_42 = arith.constant dense<0.000000e+00> : vector<1024x64xf32>
    %dot_general3A_43 = tpu.matmul %max3A_38, %get3A_41, %dot_general3A_42 {dimension_numbers = #tpu.dot_dimension_numbers<[1], [0], [0], [1], [0, 0, 1, 1], [], []>, transpose_lhs_hint = false} : vector<1024x256xf32>, vector<256x64xf32>, vector<1024x64xf32> -> vector<1024x64xf32>
    %get3A_44 = arith.constant 0 : index
    %get3A_45 = arith.constant 0 : index
    %get3A_46 = vector.load %arg10[%get3A_44, %get3A_45] : memref<1x64xf32, #tpu.memory_space<vmem>>, vector<1x64xf32>
    %add3A_47 = vector.broadcast %get3A_46 : vector<1x64xf32> to vector<1024x64xf32>
    %add3A_48 = arith.addf %dot_general3A_43, %add3A_47 : vector<1024x64xf32>
    %swap3A = arith.constant 0 : index
    %swap3A_49 = arith.constant 0 : index
    %swap3A_50 = vector.load %arg11[%swap3A, %swap3A_49] : memref<1024x64xf32, #tpu.memory_space<vmem>>, vector<1024x64xf32>
    tpu.vector_store %arg11[%swap3A, %swap3A_49], %add3A_48 {strides = array<i32>} : memref<1024x64xf32, #tpu.memory_space<vmem>>, vector<1024x64xf32>,
    return
  }
  func.func @transform_0(%arg0: i32) -> (i32, i32) {
    %c0_i32 = arith.constant 0 : i32
    %c0_i32_0 = arith.constant 0 : i32
    return %arg0, %c0_i32 : i32, i32
  }
  func.func @transform_1(%arg0: i32) -> (i32, i32) {
    %c0_i32 = arith.constant 0 : i32
    %c0_i32_0 = arith.constant 0 : i32
    return %arg0, %c0_i32 : i32, i32
  }
  func.func @transform_2(%arg0: i32) -> (i32, i32) {
    %c0_i32 = arith.constant 0 : i32
    %c0_i32_0 = arith.constant 0 : i32
    return %arg0, %c0_i32 : i32, i32
  }
  func.func @transform_3(%arg0: i32) -> (i32, i32) {
    %c0_i32 = arith.constant 0 : i32
    %c0_i32_0 = arith.constant 0 : i32
    return %arg0, %c0_i32 : i32, i32
  }
  func.func @transform_4(%arg0: i32) -> (i32, i32) {
    %c0_i32 = arith.constant 0 : i32
    %c0_i32_0 = arith.constant 0 : i32
    return %arg0, %c0_i32 : i32, i32
  }
  func.func @transform_5(%arg0: i32) -> (i32, i32) {
    %c0_i32 = arith.constant 0 : i32
    %c0_i32_0 = arith.constant 0 : i32
    %c0_i32_1 = arith.constant 0 : i32
    return %c0_i32, %c0_i32_0 : i32, i32
  }
  func.func @transform_6(%arg0: i32) -> (i32, i32) {
    %c0_i32 = arith.constant 0 : i32
    %c0_i32_0 = arith.constant 0 : i32
    %c0_i32_1 = arith.constant 0 : i32
    return %c0_i32, %c0_i32_0 : i32, i32
  }
  func.func @transform_7(%arg0: i32) -> (i32, i32) {
    %c0_i32 = arith.constant 0 : i32
    %c0_i32_0 = arith.constant 0 : i32
    %c0_i32_1 = arith.constant 0 : i32
    return %c0_i32, %c0_i32_0 : i32, i32
  }
  func.func @transform_8(%arg0: i32) -> (i32, i32) {
    %c0_i32 = arith.constant 0 : i32
    %c0_i32_0 = arith.constant 0 : i32
    %c0_i32_1 = arith.constant 0 : i32
    return %c0_i32, %c0_i32_0 : i32, i32
  }
  func.func @transform_9(%arg0: i32) -> (i32, i32) {
    %c0_i32 = arith.constant 0 : i32
    %c0_i32_0 = arith.constant 0 : i32
    %c0_i32_1 = arith.constant 0 : i32
    return %c0_i32, %c0_i32_0 : i32, i32
  }
  func.func @transform_10(%arg0: i32) -> (i32, i32) {
    %c0_i32 = arith.constant 0 : i32
    %c0_i32_0 = arith.constant 0 : i32
    return %arg0, %c0_i32 : i32, i32
  }
}

</mosaic_0001>

<sc_bundles>
// kernel: kernel.11.cloned.1.call-start
scs
__scs_entry_jumppad:
0x0: {  	(pc) =	sbr.rel $0x88, $3  }
0x1: {  	(tag) =	ssettag $0x0;
	lr =	simm.s32 $0x1  }
0x2: {  	[smem:$0x3F97] =	sst lr;
	_ =	strace $0xD0000000  }
0x3: {  	_ = 	snop  }
0x4: {  	_ = 	snop  }
0x5: {  	_ = 	snop  }
0x6: {  	_ = 	snop  }
0x7: {  	_ = 	snop  }
__scs_overlays_trampoline_lowered:
0x8: {  	[smem:$0x3FA6] =	sst s0  }
0x9: {  	[smem:$0x3FA7] =	sst s1  }
0xa: {  	[smem:$0x3FA8] =	sst s2  }
0xb: {  	[smem:$0x3FA9] =	sst s3  }
0xc: {  	[smem:$0x3FAA] =	sst s4  }
0xd: {  	[smem:$0x3FAB] =	sst s5  }
0xe: {  	[smem:$0x3FAC] =	sst s6  }
0xf: {  	[smem:$0x3FAD] =	sst s7  }
0x10: {  	[smem:$0x3FAE] =	sst s8  }
0x11: {  	[smem:$0x3FAF] =	sst s9;
	s0 =	simm.s32 @!p0 $0x0  }
0x12: {  	s1 =	sld [smem:$0x3F95];
	s0 =	simm.s32 @p0 $0x1  }
0x13: {  	[smem:$0x3FB0] =	sst s0;
	s0 =	simm.s32 @!p1 $0x0  }
0x14: {  	s2 =	sld [smem:$0x3F94];
	s0 =	simm.s32 @p1 $0x1  }
0x15: {  	[smem:$0x3FB1] =	sst s0;
	s0 =	simm.s32 @!p2 $0x0  }
0x16: {  	s3 =	sld [smem:$0x3FDB];
	s0 =	simm.s32 @p2 $0x1  }
0x17: {  	s4 =	simm.s32 $0x1BF5;
	[smem:$0x3FB3] =	sst s0  }
0x18: {  	s0 =	sld [smem:$0x3F96];
	_ =	swait.ge [sflag:s4], $0x0  }
0x19: {  	s7 =	sld [smem:$0x3F97]  }
0x1a: {  	s8 =	sadd.s32 $0xFFFFE003, lr  }
0x1b: {  	s9 =	sadd.s32 $0xFFFFFEF7, lr;
	s5 =	simm.s32 $0xFFFFFFFF;
	p2 =	slt.u32 s8, $0xFFFFF086  }
0x1c: {  	p1 =	slt.u32 s9, $0xF7A;
	s5 =	simm.s32 @!p2 $0x0  }
0x1d: {  	s5 =	simm.s32 @p1 $0x1;
	p0 =	seq.s32 s7, s2  }
0x1e: {  	s7 =	smul.u32 @!p0 $0xF7A, s2;
	p2 =	seq.s32 @!p0 s5, $0x0  }
0x1f: {  	s9 =	smul.u32 $0xF7A, s1;
	s8 =	simm.s32 @!p0 $0x1BF5;
	p2 =	por !p2, p0  }
0x20: {  	[sflag:s8] =	ssyncset.s32 @!p0 $0xFFFFF086;
	s6 =	sadd.s32 @!p0 s3, s7;
	s7 =	simm.s32 @!p0 $0x108  }
0x21: {  	s3 =	sadd.s32 s3, s9;
	s6 =	sadd.s32 @!p0 $0x88, s6;
	s7 =	simm.s32 @p2 $0x1082  }
0x22: {  	[simem:s7], [sflag:s8] =	dma.local @!p0 [hbm:s6], $0xF7A  }
0x23: {  	s9 =	sor.u32 $0xD0000000, s2;
	s6 =	simm.s32 $0x108;
	_ =	swait.ge @!p0 [sflag:s8], $0x0  }
0x24: {  	s3 =	sadd.s32 $0x88, s3;
	s6 =	simm.s32 @!p1 $0x1082;
	[sflag:s4] =	ssyncset.s32 $0xFFFFF086  }
0x25: {  	[simem:s6], [sflag:s4] =	dma.local [hbm:s3], $0xF7A  }
0x26: {  	[smem:$0x3F97] =	sst s1;
	(tag) =	ssettag s2;
	_ =	strace s9  }
0x27: {  	s1 =	sld [smem:$0x3FA7]  }
0x28: {  	s2 =	sld [smem:$0x3FA8]  }
0x29: {  	s4 =	sld [smem:$0x3FAA]  }
0x2a: {  	p0 =	seq.s32 s5, $0x0;
	s5 =	sld [smem:$0x3FAB]  }
0x2b: {  	s6 =	sld [smem:$0x3FAC]  }
0x2c: {  	s7 =	sld [smem:$0x3FAD]  }
0x2d: {  	s3 =	simm.s32 $0x108;
	s8 =	sld [smem:$0x3FAE]  }
0x2e: {  	s3 =	simm.s32 @!p0 $0x1082;
	s9 =	sld [smem:$0x3FAF]  }
0x2f: {  	lr =	sadd.s32 s0, s3;
	s0 =	sld [smem:$0x3FA6]  }
0x30: {  	s3 =	sld [smem:$0x3FA9]  }
0x31: {  	[smem:$0x3FB2] =	sst s10  }
0x32: {  	s10 =	sld [smem:$0x3FB0];
	_ =	sdelay $0x3  }
0x33: {  	p0 =	seq.s32 s10, $0x1;
	s10 =	sld [smem:$0x3FB2];
	_ =	sdelay $0x3  }
0x34: {  	[smem:$0x3FB2] =	sst s10  }
0x35: {  	s10 =	sld [smem:$0x3FB1];
	_ =	sdelay $0x3  }
0x36: {  	p1 =	seq.s32 s10, $0x1;
	s10 =	sld [smem:$0x3FB2];
	_ =	sdelay $0x3  }
0x37: {  	[smem:$0x3FB2] =	sst s10  }
0x38: {  	s10 =	sld [smem:$0x3FB3]  }
0x39: {  	_ = 	snop;
	(pc) =	sbr.ind lr, $3  }
0x3a: {  	_ = 	snop  }
0x3b: {  	_ = 	snop  }
0x3c: {  	p2 =	seq.s32 s10, $0x1;
	s10 =	sld [smem:$0x3FB2]  }
0x3d: {  	_ =	shalt  }
0x3e: {  	_ =	shalt  }
0x3f: {  	_ =	shalt  }
0x40: {  	_ =	shalt  }
0x41: {  	_ =	shalt  }
0x42: {  	_ =	shalt  }
0x43: {  	_ =	shalt  }
0x44: {  	_ =	shalt  }
0x45: {  	_ =	shalt  }
0x46: {  	_ =	shalt  }
0x47: {  	_ =	shalt  }
0x48: {  	_ =	shalt  }
0x49: {  	_ =	shalt  }
0x4a: {  	_ =	shalt  }
0x4b: {  	_ =	shalt  }
0x4c: {  	_ =	shalt  }
0x4d: {  	_ =	shalt  }
0x4e: {  	_ =	shalt  }
0x4f: {  	_ =	shalt  }
0x50: {  	_ =	shalt  }
0x51: {  	_ =	shalt  }
0x52: {  	_ =	shalt  }
0x53: {  	_ =	shalt  }
0x54: {  	_ =	shalt  }
0x55: {  	_ =	shalt  }
0x56: {  	_ =	shalt  }
0x57: {  	_ =	shalt  }
0x58: {  	_ =	shalt  }
0x59: {  	_ =	shalt  }
0x5a: {  	_ =	shalt  }
0x5b: {  	_ =	shalt  }
0x5c: {  	_ =	shalt  }
0x5d: {  	_ =	shalt  }
0x5e: {  	_ =	shalt  }
0x5f: {  	_ =	shalt  }
0x60: {  	_ =	shalt  }
0x61: {  	_ =	shalt  }
0x62: {  	_ =	shalt  }
0x63: {  	_ =	shalt  }
0x64: {  	_ =	shalt  }
0x65: {  	_ =	shalt  }
0x66: {  	_ =	shalt  }
0x67: {  	_ =	shalt  }
0x68: {  	_ =	shalt  }
0x69: {  	_ =	shalt  }
0x6a: {  	_ =	shalt  }
0x6b: {  	_ =	shalt  }
0x6c: {  	_ =	shalt  }
0x6d: {  	_ =	shalt  }
0x6e: {  	_ =	shalt  }
0x6f: {  	_ =	shalt  }
0x70: {  	_ =	shalt  }
0x71: {  	_ =	shalt  }
0x72: {  	_ =	shalt  }
0x73: {  	_ =	shalt  }
0x74: {  	_ =	shalt  }
0x75: {  	_ =	shalt  }
0x76: {  	_ =	shalt  }
0x77: {  	_ =	shalt  }
0x78: {  	_ =	shalt  }
0x79: {  	_ =	shalt  }
0x7a: {  	_ =	shalt  }
0x7b: {  	_ =	shalt  }
0x7c: {  	_ =	shalt  }
0x7d: {  	_ =	shalt  }
0x7e: {  	_ =	shalt  }
0x7f: {  	_ =	shalt  }
0x80: {  	_ =	shalt  }
0x81: {  	_ =	shalt  }
0x82: {  	_ =	shalt  }
0x83: {  	_ =	shalt  }
0x84: {  	_ =	shalt  }
0x85: {  	_ =	shalt  }
0x86: {  	_ =	shalt  }
0x87: {  	_ =	shalt  }
.Lfunc_end0:
.L_simem_size_0:
called_computation.1_lowered:
.L_overlay_start_0:
0x88: {  	s2 =	sld [smem:$0x3FD9]  }
0x89: {  	s3 =	sld [smem:$0x3FFE];
	_ =	sdelay $0x1  }
0x8a: {  	s1 =	srdreg.scid  }
0x8b: {  	s0 =	sand.u32 $0x1, s1  }
0x8c: {  	s17 =	sshll.u32 s0, $0xA;
	s2 =	sadd.s32 s3, s2  }
0x8d: {  	s2 =	sadd.s32 s2, s17  }
0x8e: {  	[smem:$0x3FBE] =	sst s2  }
0x8f: {  	_ = 	snop  }
0x90: {  	s2 =	sld [smem:$0x3FD0];
	(tm) =	ssettm $0x1  }
0x91: {  	s18 =	sld [smem:$0x3FFB];
	_ =	sdelay $0x3  }
0x92: {  	_ =	strace s18  }
0x93: {  	s3 =	sld [smem:$0x3FFC];
	_ =	sdelay $0x3  }
0x94: {  	_ =	strace s3  }
0x95: {  	s3 =	sld [smem:$0x3FFD];
	_ =	sdelay $0x3  }
0x96: {  	_ =	strace s3  }
0x97: {  	_ =	strace $0x8FFFFFFF  }
0x98: {  	s19 =	sld [smem:$0x3FDB];
	_ =	sdelay $0x1  }
0x99: {  	s4 =	simm.s32 $_scs_section_size  }
0x9a: {  	s5 =	simm.s32 $_size__tile_overlayer_lowered;
	s6 =	simm.s32 $_tile_overlayer_lowered  }
0x9b: {  	s22 =	simm.s32 $0x1BFF;
	s21 =	sshll.u32 s6, $0x1;
	s3 =	sadd.s32 s4, s19  }
0x9c: {  	s7 =	simm.s32 $0x0;
	s20 =	sshll.u32 s5, $0x1;
	s5 =	sadd.s32 s21, s3  }
0x9d: {  	[timem:s7], [sflag:s22] =	dma.local [hbm:s5], s20  }
0x9e: {  	_ =	swait.ge [sflag:s22], s20  }
0x9f: {  	s4 =	ssub.s32 $0x0, s20;
	[sflag:s22] =	ssyncset.done $0x0  }
0xa0: {  	[sflag:s22] =	ssyncadd.s32 s4;
	_ =	sdelay $0x1  }
0xa1: {  	s23 =	simm.s32 $0x1B8B  }
0xa2: {  	_ =	swait.ge [sflag:s23], $0x1  }
0xa3: {  	[sflag:s23] =	ssyncset.done $0x0  }
0xa4: {  	s25 =	simm.s32 $0x1B8E;
	s24 =	sld [smem:$0x3FFE];
	[sflag:s23] =	ssyncadd.s32 $0xFFFFFFFF  }
0xa5: {  	s26 =	simm.s32 $execute0_lowered;
	[smem:$0x3FD2] =	sst s25  }
0xa6: {  	s5 =	sshll.u32 s26, $0x1;
	_ =	strace $0x80000049;
	[dreg:$0x1] =	wrdreg $0xFFFFFFFF  }
0xa7: {  	s28 =	simm.s32 $_size_execute0_lowered;
	s3 =	sadd.s32 s3, s5;
	[dreg:$0x0] =	wrdreg $0x0  }
0xa8: {  	s5 =	sshll.u32 s28, $0x1;
	[dreg:$0x2] =	wrdreg s3  }
0xa9: {  	[dreg:$0x3] =	wrdreg s5  }
0xaa: {  	[dreg:$0x4] =	wrdreg $0xC0  }
0xab: {  	_ =	task [dreg:s7], $0x5FFFF  }
0xac: {  	[dreg:$0x1] =	wrdreg $0xFFFFFFFF  }
0xad: {  	[dreg:$0x0] =	wrdreg $0x60  }
0xae: {  	[dreg:$0x2] =	wrdreg s24  }
0xaf: {  	[dreg:$0x3] =	wrdreg s2  }
0xb0: {  	[dreg:$0x4] =	wrdreg $0x0  }
0xb1: {  	[dreg:$0x5] =	wrdreg $0x9  }
0xb2: {  	_ =	task.clear_ibuf [dreg:s7], $0x6FFFF;
	_ =	strace $0x90000049  }
0xb3: {  	s29 =	simm.s32 $0x9;
	_ =	strace $0x8000004B  }
0xb4: {  	_ =	swait.ge [sflag:s29], $0x1  }
0xb5: {  	[sflag:s29] =	ssyncadd.s32 $0xFFFFFFFF  }
0xb6: {  	_ =	strace $0x9000004B  }
0xb7: {  	_ =	sfence  }
0xb8: {  	s30 =	sld [smem:$0x0];
	_ =	sdelay $0x2  }
0xb9: {  	s31 =	sshll.u32 s1, $0xD;
	s1 =	sshrl.u32 s1, $0x2  }
0xba: {  	s3 =	sand.u32 $0x4000, s31;
	s1 =	sadd.s32 s1, s30  }
0xbb: {  	s0 =	sor.u32 s3, s0;
	s1 =	sshll.u32 s1, $0x11  }
0xbc: {  	s0 =	sor.u32 s1, s0  }
0xbd: {  	s0 =	sadd.s32 $0x8F2B, s0  }
0xbe: {  	[sflag:s0] =	ssyncadd.remote.s32 $0x1  }
0xbf: {  	_ =	sfence.sel $0xFFFF  }
0xc0: {  	[dreg:$0x0] =	wrdreg $0xFFFFFFFF;
	(pc) =	sbr.abs _section_cstart, $3  }
0xc1: {  	[dreg:$0x1] =	wrdreg $0xFFFFFFFF  }
0xc2: {  	_ =	task.clear_ibuf [dreg:s7], $0x2FFFF;
	_ =	strace $0x9FFFFFFF  }
0xc3: {  	(tm) =	ssettm $0x7FFFFFFF  }
tec
execute0_lowered:
.L_overlay_start_1:
0x0: {  	(tag) =	ssettag $0x1  }
0x1: {  	s0 =	rddreg [dreg:$0x0]  }
0x2: {  	s1 =	rddreg [dreg:$0x1]  }
0x3: {  	s2 =	rddreg [dreg:$0x2]  }
0x4: {  	s11 =	stileid.u32;
	s4 =	srdreg.scid  }
0x5: {  	s3 =	simm.s32 $0x0;
	s28 =	simm.s32 $0x14700;
	s29 =	simm.s32 $0x14780  }
0x6: {  	s30 =	simm.s32 $0x0;
	s5 =	smul.u32 $0x78, s11;
	s6 =	sand.u32 $0x1, s4  }
0x7: {  	s14 =	smul.u32 $0x28, s11;
	[smem:$0x7FF] =	sst s3;
	s10 =	sadd.s32 $0x85C00, s0  }
0x8: {  	s20 =	sadd.s32 $0x86000, s0;
	_ =	strace $0x8000004A;
	[dreg:$0x4] =	wrdreg s10  }
0x9: {  	s9 =	smul.u32 $0x14000, s11;
	s12 =	sadd.s32 $0x86400, s0;
	[dreg:$0x6] =	wrdreg s20  }
0xa: {  	s4 =	sadd.s32 $0x5DC00, s0;
	s13 =	sadd.s32 $0x86800, s0;
	[dreg:$0x7] =	wrdreg s12  }
0xb: {  	s15 =	smul.u32 $0x50000, s11;
	s24 =	sadd.s32 $0x87000, s0;
	[dreg:$0x8] =	wrdreg s13  }
0xc: {  	s18 =	sshll.u32 s11, $0x6;
	s25 =	sadd.s32 $0x87400, s0;
	[dreg:$0xa] =	wrdreg s24  }
0xd: {  	s26 =	sadd.s32 $0x87800, s0;
	s31 =	sadd.s32 $0x87C00, s0;
	[dreg:$0xb] =	wrdreg s25  }
0xe: {  	s11 =	simm.s32 $0x18800;
	s7 =	smul.u32 $0x140000, s6;
	[dreg:$0xc] =	wrdreg s26  }
0xf: {  	p0 =	seq.s32 s6, $0x0;
	s6 =	ssub.s32 $0x2, s6;
	[dreg:$0xe] =	wrdreg s31  }
0x10: {  	s12 =	simm.s32 $0x1;
	s13 =	simm.s32 $0x14100;
	s8 =	sadd.s32 $0x780, s14  }
0x11: {  	s16 =	sshrl.u32 s15, $0x2;
	s17 =	sshrl.u32 s6, $0x1;
	s15 =	sadd.s32 $0x86C00, s0  }
0x12: {  	s8 =	smov.u32 @p0 s5;
	s7 =	sadd.s32 s9, s7;
	s14 =	sadd.s32 s16, s2  }
0x13: {  	s6 =	ssub.s32 s6, s17;
	[dreg:$0x9] =	wrdreg s15;
	s15 =	simm.s32 $0xF  }
0x14: {  	s5 =	sshll.u32 s8, $0x4;
	s7 =	sshrl.u32 s7, $0x3;
	s19 =	sadd.s32 $0x2000, s14  }
0x15: {  	s21 =	sadd.s32 $0x4000, s14;
	s22 =	sadd.s32 $0x6000, s14;
	s23 =	sadd.s32 $0x8000, s14  }
0x16: {  	s15 =	simm.s32 @!p0 $0x5;
	s24 =	sadd.s32 $0xE000, s14;
	s25 =	sadd.s32 $0x10000, s14  }
0x17: {  	[dreg:$0x5] =	wrdreg s14;
	s26 =	sadd.s32 $0x12000, s14;
	s8 =	simm.s32 $0x80  }
0x18: {  	s9 =	sadd.s32 s5, s0;
	s10 =	sadd.s32 s7, s0;
	s1 =	sadd.s32 s5, s1  }
0x19: {  	s7 =	sor.u32 $0x1C02, s18;
	s0 =	sadd.s32 $0x88000, s0;
	[dreg:$0xd] =	wrdreg s1  }
0x1a: {  	s17 =	sshrl.u32 s19, $0x3;
	s18 =	sshrl.u32 s21, $0x3;
	[dreg:$0xf] =	wrdreg s0  }
0x1b: {  	s19 =	sshrl.u32 s22, $0x3;
	s20 =	sshrl.u32 s23, $0x3;
	[dreg:$0x13] =	wrdreg s17  }
0x1c: {  	s21 =	sadd.s32 $0xA000, s14;
	s22 =	sadd.s32 $0xC000, s14;
	[dreg:$0x14] =	wrdreg s18  }
0x1d: {  	s31 =	sshrl.u32 s26, $0x3;
	s14 =	simm.s32 $0x14480;
	[dreg:$0x15] =	wrdreg s19  }
0x1e: {  	s26 =	simm.s32 $0x14380;
	s5 =	sadd.s32 $0x88400, s10;
	[dreg:$0x16] =	wrdreg s20  }
0x1f: {  	s10 =	smax.u32 s6, $0x1;
	s16 =	sadd.s32 $0x3C00, s9;
	[dreg:$0x1b] =	wrdreg s31  }
0x20: {  	s0 =	sshrl.u32 s21, $0x3;
	s23 =	sshrl.u32 s22, $0x3;
	[dreg:$0x10] =	wrdreg s5  }
0x21: {  	s1 =	simm.s32 $0x14000;
	s9 =	simm.s32 $0x14800;
	[dreg:$0x11] =	wrdreg s10  }
0x22: {  	s17 =	simm.s32 $0x14180;
	s18 =	simm.s32 $0x14500;
	[dreg:$0x12] =	wrdreg s16  }
0x23: {  	s19 =	simm.s32 $0x14200;
	s20 =	simm.s32 $0x14580;
	[dreg:$0x17] =	wrdreg s0  }
0x24: {  	s22 =	simm.s32 $0x14280;
	[dreg:$0x18] =	wrdreg s23;
	s0 =	sshrl.u32 s24, $0x3  }
0x25: {  	s5 =	simm.s32 $0x14400;
	s10 =	simm.s32 $0x14080;
	s23 =	simm.s32 $0x14600  }
0x26: {  	s24 =	simm.s32 $0x14300;
	[dreg:$0x19] =	wrdreg s0;
	s0 =	sshrl.u32 s25, $0x3  }
0x27: {  	s25 =	simm.s32 $0x14680;
	[dreg:$0x1a] =	wrdreg s0;
	s0 =	simm.s32 $0x2  }
.LBB2_1:
0x28: {  	s6 =	rddreg [dreg:$0x5]  }
0x29: {  	s16 =	rddreg [dreg:$0x4];
	s31 =	sshrl.u32 s6, $0x3  }
0x2a: {  	[spmem:s31], [sflag:s7] =	dma.local [hbm:s16], $0x400  }
0x2b: {  	_ =	swait.ge [sflag:s0], $0x400  }
0x2c: {  	[sflag:s0] =	ssyncset.done $0x0;
	s21 =	rddreg [dreg:$0x6]  }
0x2d: {  	s16 =	rddreg [dreg:$0x13];
	[sflag:s0] =	ssyncadd.s32 $0xFFFFFC00  }
0x2e: {  	[spmem:s16], [sflag:s7] =	dma.local [hbm:s21], $0x400  }
0x2f: {  	_ =	swait.ge [sflag:s0], $0x400  }
0x30: {  	[sflag:s0] =	ssyncset.done $0x0;
	s16 =	rddreg [dreg:$0x7]  }
0x31: {  	s21 =	rddreg [dreg:$0x14];
	[sflag:s0] =	ssyncadd.s32 $0xFFFFFC00  }
0x32: {  	[spmem:s21], [sflag:s7] =	dma.local [hbm:s16], $0x400  }
0x33: {  	_ =	swait.ge [sflag:s0], $0x400  }
0x34: {  	[sflag:s0] =	ssyncset.done $0x0;
	s16 =	rddreg [dreg:$0x8]  }
0x35: {  	s21 =	rddreg [dreg:$0x15];
	[sflag:s0] =	ssyncadd.s32 $0xFFFFFC00  }
0x36: {  	[spmem:s21], [sflag:s7] =	dma.local [hbm:s16], $0x400  }
0x37: {  	_ =	swait.ge [sflag:s0], $0x400  }
0x38: {  	[sflag:s0] =	ssyncset.done $0x0;
	s16 =	rddreg [dreg:$0x9]  }
0x39: {  	s21 =	rddreg [dreg:$0x16];
	[sflag:s0] =	ssyncadd.s32 $0xFFFFFC00  }
0x3a: {  	[spmem:s21], [sflag:s7] =	dma.local [hbm:s16], $0x400  }
0x3b: {  	_ =	swait.ge [sflag:s0], $0x400  }
0x3c: {  	[sflag:s0] =	ssyncset.done $0x0;
	s16 =	rddreg [dreg:$0xa]  }
0x3d: {  	s21 =	rddreg [dreg:$0x17];
	[sflag:s0] =	ssyncadd.s32 $0xFFFFFC00  }
0x3e: {  	[spmem:s21], [sflag:s7] =	dma.local [hbm:s16], $0x400  }
0x3f: {  	_ =	swait.ge [sflag:s0], $0x400  }
0x40: {  	[sflag:s0] =	ssyncset.done $0x0;
	s16 =	rddreg [dreg:$0xb]  }
0x41: {  	s21 =	rddreg [dreg:$0x18];
	[sflag:s0] =	ssyncadd.s32 $0xFFFFFC00  }
0x42: {  	[spmem:s21], [sflag:s7] =	dma.local [hbm:s16], $0x400  }
0x43: {  	_ =	swait.ge [sflag:s0], $0x400  }
0x44: {  	[sflag:s0] =	ssyncset.done $0x0;
	s16 =	rddreg [dreg:$0xc]  }
0x45: {  	s21 =	rddreg [dreg:$0x19];
	[sflag:s0] =	ssyncadd.s32 $0xFFFFFC00  }
0x46: {  	[spmem:s21], [sflag:s7] =	dma.local [hbm:s16], $0x400  }
0x47: {  	_ =	swait.ge [sflag:s0], $0x400  }
0x48: {  	[sflag:s0] =	ssyncset.done $0x0;
	s16 =	rddreg [dreg:$0xe]  }
0x49: {  	s21 =	rddreg [dreg:$0x1a];
	[sflag:s0] =	ssyncadd.s32 $0xFFFFFC00  }
0x4a: {  	[spmem:s21], [sflag:s7] =	dma.local [hbm:s16], $0x400  }
0x4b: {  	_ =	swait.ge [sflag:s0], $0x400  }
0x4c: {  	[sflag:s0] =	ssyncset.done $0x0;
	s16 =	rddreg [dreg:$0xf]  }
0x4d: {  	s21 =	rddreg [dreg:$0x1b];
	[sflag:s0] =	ssyncadd.s32 $0xFFFFFC00  }
0x4e: {  	[spmem:s21], [sflag:s7] =	dma.local [hbm:s16], $0x400  }
0x4f: {  	_ =	swait.ge [sflag:s0], $0x400  }
0x50: {  	[sflag:s0] =	ssyncset.done $0x0  }
0x51: {  	[sflag:s0] =	ssyncadd.s32 $0xFFFFFC00  }
0x52: {  	[bflag:$0x0] =	sbarrier.arrive $0xFFFF  }
0x53: {  	s21 =	rddreg [dreg:$0x12]  }
0x54: {  	[tilespmem:s1], [sflag:$0x2] =	stream.linear.gather [hbm4b:s21+s3], $0x400, $0x38;
	[tilespmem:$0x1C800] =	vst v63  }
0x55: {  	_ =	swait.ge [sflag:s0], $0x400  }
0x56: {  	[sflag:s0] =	ssyncset.done $0x0  }
0x57: {  	s16 =	rddreg [dreg:$0xd];
	[sflag:s0] =	ssyncadd.s32 $0xFFFFFC00  }
0x58: {  	[tilespmem:s5], [sflag:$0x2] =	stream.linear.gather [hbm4b:s16+s3], $0x400, $0x38;
	[tilespmem:$0x1C800] =	vst v63  }
0x59: {  	_ =	swait.ge [sflag:s0], $0x400  }
0x5a: {  	[sflag:s0] =	ssyncset.done $0x0  }
0x5b: {  	[sflag:s0] =	ssyncadd.s32 $0xFFFFFC00  }
0x5c: {  	[tilespmem:s9], [sflag:$0x2] =	stream.indirect.gather [hbm4b:s4+s8], $0x80, s1, s8, $0xb8;
	[tilespmem:$0x1C800] =	vst v63  }
0x5d: {  	_ =	swait.ge [sflag:s0], $0x4000  }
0x5e: {  	[sflag:s0] =	ssyncset.done $0x0  }
0x5f: {  	[sflag:s0] =	ssyncadd.s32 $0xFFFFC000  }
0x60: {  	[tilespmem:s11], [sflag:$0x1] =	stream.indirect.gather [hbm4b:s4+s8], $0x80, s10, s8, $0xb8;
	[tilespmem:$0x1C800] =	vst v63  }
0x61: {  	_ = 	snop  }
0x62: {  	[spmem:s2] =	stream.indirect.scatter.add.f32 [tilespmem:s9], [sflag:$0x2], $0x80, s5, s8, $0xb8;
	[tilespmem:$0x1C800] =	vst v63  }
0x63: {  	_ =	swait.ge [sflag:s0], $0x4000  }
0x64: {  	[sflag:s0] =	ssyncset.done $0x0  }
0x65: {  	[sflag:s0] =	ssyncadd.s32 $0xFFFFC000  }
0x66: {  	_ =	swait.ge [sflag:s12], $0x4000  }
0x67: {  	[sflag:s12] =	ssyncset.done $0x0  }
0x68: {  	[sflag:s12] =	ssyncadd.s32 $0xFFFFC000  }
0x69: {  	[tilespmem:s9], [sflag:$0x1] =	stream.indirect.gather [hbm4b:s4+s8], $0x80, s13, s8, $0xb8;
	[tilespmem:$0x1C800] =	vst v63  }
0x6a: {  	_ = 	snop  }
0x6b: {  	[spmem:s2] =	stream.indirect.scatter.add.f32 [tilespmem:s11], [sflag:$0x2], $0x80, s14, s8, $0xb8;
	[tilespmem:$0x1C800] =	vst v63  }
0x6c: {  	_ =	swait.ge [sflag:s0], $0x4000  }
0x6d: {  	[sflag:s0] =	ssyncset.done $0x0  }
0x6e: {  	[sflag:s0] =	ssyncadd.s32 $0xFFFFC000  }
0x6f: {  	_ =	swait.ge [sflag:s12], $0x4000  }
0x70: {  	[sflag:s12] =	ssyncset.done $0x0  }
0x71: {  	[sflag:s12] =	ssyncadd.s32 $0xFFFFC000  }
0x72: {  	[tilespmem:s11], [sflag:$0x1] =	stream.indirect.gather [hbm4b:s4+s8], $0x80, s17, s8, $0xb8;
	[tilespmem:$0x1C800] =	vst v63  }
0x73: {  	_ = 	snop  }
0x74: {  	[spmem:s2] =	stream.indirect.scatter.add.f32 [tilespmem:s9], [sflag:$0x2], $0x80, s18, s8, $0xb8;
	[tilespmem:$0x1C800] =	vst v63  }
0x75: {  	_ =	swait.ge [sflag:s0], $0x4000  }
0x76: {  	[sflag:s0] =	ssyncset.done $0x0  }
0x77: {  	[sflag:s0] =	ssyncadd.s32 $0xFFFFC000  }
0x78: {  	_ =	swait.ge [sflag:s12], $0x4000  }
0x79: {  	[sflag:s12] =	ssyncset.done $0x0  }
0x7a: {  	[sflag:s12] =	ssyncadd.s32 $0xFFFFC000  }
0x7b: {  	[tilespmem:s9], [sflag:$0x1] =	stream.indirect.gather [hbm4b:s4+s8], $0x80, s19, s8, $0xb8;
	[tilespmem:$0x1C800] =	vst v63  }
0x7c: {  	_ = 	snop  }
0x7d: {  	[spmem:s2] =	stream.indirect.scatter.add.f32 [tilespmem:s11], [sflag:$0x2], $0x80, s20, s8, $0xb8;
	[tilespmem:$0x1C800] =	vst v63  }
0x7e: {  	_ =	swait.ge [sflag:s0], $0x4000  }
0x7f: {  	[sflag:s0] =	ssyncset.done $0x0  }
0x80: {  	[sflag:s0] =	ssyncadd.s32 $0xFFFFC000  }
0x81: {  	_ =	swait.ge [sflag:s12], $0x4000  }
0x82: {  	[sflag:s12] =	ssyncset.done $0x0  }
0x83: {  	[sflag:s12] =	ssyncadd.s32 $0xFFFFC000  }
0x84: {  	[tilespmem:s11], [sflag:$0x1] =	stream.indirect.gather [hbm4b:s4+s8], $0x80, s22, s8, $0xb8;
	[tilespmem:$0x1C800] =	vst v63  }
0x85: {  	_ = 	snop  }
0x86: {  	[spmem:s2] =	stream.indirect.scatter.add.f32 [tilespmem:s9], [sflag:$0x2], $0x80, s23, s8, $0xb8;
	[tilespmem:$0x1C800] =	vst v63  }
0x87: {  	_ =	swait.ge [sflag:s0], $0x4000  }
0x88: {  	[sflag:s0] =	ssyncset.done $0x0  }
0x89: {  	[sflag:s0] =	ssyncadd.s32 $0xFFFFC000  }
0x8a: {  	_ =	swait.ge [sflag:s12], $0x4000  }
0x8b: {  	[sflag:s12] =	ssyncset.done $0x0  }
0x8c: {  	[sflag:s12] =	ssyncadd.s32 $0xFFFFC000  }
0x8d: {  	[tilespmem:s9], [sflag:$0x1] =	stream.indirect.gather [hbm4b:s4+s8], $0x80, s24, s8, $0xb8;
	[tilespmem:$0x1C800] =	vst v63  }
0x8e: {  	_ = 	snop  }
0x8f: {  	[spmem:s2] =	stream.indirect.scatter.add.f32 [tilespmem:s11], [sflag:$0x2], $0x80, s25, s8, $0xb8;
	[tilespmem:$0x1C800] =	vst v63  }
0x90: {  	_ =	swait.ge [sflag:s0], $0x4000  }
0x91: {  	[sflag:s0] =	ssyncset.done $0x0  }
0x92: {  	[sflag:s0] =	ssyncadd.s32 $0xFFFFC000  }
0x93: {  	_ =	swait.ge [sflag:s12], $0x4000  }
0x94: {  	[sflag:s12] =	ssyncset.done $0x0  }
0x95: {  	[sflag:s12] =	ssyncadd.s32 $0xFFFFC000  }
0x96: {  	[tilespmem:s11], [sflag:$0x1] =	stream.indirect.gather [hbm4b:s4+s8], $0x80, s26, s8, $0xb8;
	[tilespmem:$0x1C800] =	vst v63  }
0x97: {  	_ = 	snop  }
0x98: {  	[spmem:s2] =	stream.indirect.scatter.add.f32 [tilespmem:s9], [sflag:$0x2], $0x80, s28, s8, $0xb8;
	[tilespmem:$0x1C800] =	vst v63  }
0x99: {  	_ =	swait.ge [sflag:s0], $0x4000  }
0x9a: {  	[sflag:s0] =	ssyncset.done $0x0  }
0x9b: {  	[sflag:s0] =	ssyncadd.s32 $0xFFFFC000  }
0x9c: {  	p0 =	sne.s32 s15, $0x1;
	_ =	swait.ge [sflag:s12], $0x4000  }
.Ltmp0:
0x9d: {  	[sflag:s12] =	ssyncset.done $0x0;
	(pc) =	sbr.rel @!p0 .LBB2_3-.Ltmp0, $4  }
0x9e: {  	[sflag:s12] =	ssyncadd.s32 $0xFFFFC000  }
0x9f: {  	[spmem:s2] =	stream.indirect.scatter.add.f32 [tilespmem:s11], [sflag:$0x2], $0x80, s29, s8, $0xb8;
	[tilespmem:$0x1C800] =	vst v63  }
0xa0: {  	_ =	swait.ge [sflag:s0], $0x4000  }
0xa1: {  	s6 =	sadd.s32 $0xFFFFFFFF, s15;
	[sflag:s0] =	ssyncset.done $0x0  }
.LBB2_2:
0xa2: {  	[sflag:s0] =	ssyncadd.s32 $0xFFFFC000;
	s16 =	sadd.s32 $0x80, s16;
	s21 =	sadd.s32 $0x80, s21  }
0xa3: {  	[tilespmem:s1], [sflag:$0x2] =	stream.linear.gather [hbm4b:s21+s3], $0x400, $0x38;
	[tilespmem:$0x1C800] =	vst v63  }
0xa4: {  	p0 =	sne.s32 s6, $0x1;
	s6 =	sadd.s32 $0xFFFFFFFF, s6;
	_ =	swait.ge [sflag:s0], $0x400  }
0xa5: {  	[sflag:s0] =	ssyncset.done $0x0  }
0xa6: {  	[sflag:s0] =	ssyncadd.s32 $0xFFFFFC00  }
0xa7: {  	[tilespmem:s5], [sflag:$0x2] =	stream.linear.gather [hbm4b:s16+s3], $0x400, $0x38;
	[tilespmem:$0x1C800] =	vst v63  }
0xa8: {  	_ =	swait.ge [sflag:s0], $0x400  }
0xa9: {  	[sflag:s0] =	ssyncset.done $0x0  }
0xaa: {  	[sflag:s0] =	ssyncadd.s32 $0xFFFFFC00  }
0xab: {  	[tilespmem:s9], [sflag:$0x2] =	stream.indirect.gather [hbm4b:s4+s8], $0x80, s1, s8, $0xb8;
	[tilespmem:$0x1C800] =	vst v63  }
0xac: {  	_ =	swait.ge [sflag:s0], $0x4000  }
0xad: {  	[sflag:s0] =	ssyncset.done $0x0  }
0xae: {  	[sflag:s0] =	ssyncadd.s32 $0xFFFFC000  }
0xaf: {  	[tilespmem:s11], [sflag:$0x1] =	stream.indirect.gather [hbm4b:s4+s8], $0x80, s10, s8, $0xb8;
	[tilespmem:$0x1C800] =	vst v63  }
0xb0: {  	_ = 	snop  }
0xb1: {  	[spmem:s2] =	stream.indirect.scatter.add.f32 [tilespmem:s9], [sflag:$0x2], $0x80, s5, s8, $0xb8;
	[tilespmem:$0x1C800] =	vst v63  }
0xb2: {  	_ =	swait.ge [sflag:s0], $0x4000  }
0xb3: {  	[sflag:s0] =	ssyncset.done $0x0  }
0xb4: {  	[sflag:s0] =	ssyncadd.s32 $0xFFFFC000  }
0xb5: {  	_ =	swait.ge [sflag:s12], $0x4000  }
0xb6: {  	[sflag:s12] =	ssyncset.done $0x0  }
0xb7: {  	[sflag:s12] =	ssyncadd.s32 $0xFFFFC000  }
0xb8: {  	[tilespmem:s9], [sflag:$0x1] =	stream.indirect.gather [hbm4b:s4+s8], $0x80, s13, s8, $0xb8;
	[tilespmem:$0x1C800] =	vst v63  }
0xb9: {  	_ = 	snop  }
0xba: {  	[spmem:s2] =	stream.indirect.scatter.add.f32 [tilespmem:s11], [sflag:$0x2], $0x80, s14, s8, $0xb8;
	[tilespmem:$0x1C800] =	vst v63  }
0xbb: {  	_ =	swait.ge [sflag:s0], $0x4000  }
0xbc: {  	[sflag:s0] =	ssyncset.done $0x0  }
0xbd: {  	[sflag:s0] =	ssyncadd.s32 $0xFFFFC000  }
0xbe: {  	_ =	swait.ge [sflag:s12], $0x4000  }
0xbf: {  	[sflag:s12] =	ssyncset.done $0x0  }
0xc0: {  	[sflag:s12] =	ssyncadd.s32 $0xFFFFC000  }
0xc1: {  	[tilespmem:s11], [sflag:$0x1] =	stream.indirect.gather [hbm4b:s4+s8], $0x80, s17, s8, $0xb8;
	[tilespmem:$0x1C800] =	vst v63  }
0xc2: {  	_ = 	snop  }
0xc3: {  	[spmem:s2] =	stream.indirect.scatter.add.f32 [tilespmem:s9], [sflag:$0x2], $0x80, s18, s8, $0xb8;
	[tilespmem:$0x1C800] =	vst v63  }
0xc4: {  	_ =	swait.ge [sflag:s0], $0x4000  }
0xc5: {  	[sflag:s0] =	ssyncset.done $0x0  }
0xc6: {  	[sflag:s0] =	ssyncadd.s32 $0xFFFFC000  }
0xc7: {  	_ =	swait.ge [sflag:s12], $0x4000  }
0xc8: {  	[sflag:s12] =	ssyncset.done $0x0  }
0xc9: {  	[sflag:s12] =	ssyncadd.s32 $0xFFFFC000  }
0xca: {  	[tilespmem:s9], [sflag:$0x1] =	stream.indirect.gather [hbm4b:s4+s8], $0x80, s19, s8, $0xb8;
	[tilespmem:$0x1C800] =	vst v63  }
0xcb: {  	_ = 	snop  }
0xcc: {  	[spmem:s2] =	stream.indirect.scatter.add.f32 [tilespmem:s11], [sflag:$0x2], $0x80, s20, s8, $0xb8;
	[tilespmem:$0x1C800] =	vst v63  }
0xcd: {  	_ =	swait.ge [sflag:s0], $0x4000  }
0xce: {  	[sflag:s0] =	ssyncset.done $0x0  }
0xcf: {  	[sflag:s0] =	ssyncadd.s32 $0xFFFFC000  }
0xd0: {  	_ =	swait.ge [sflag:s12], $0x4000  }
0xd1: {  	[sflag:s12] =	ssyncset.done $0x0  }
0xd2: {  	[sflag:s12] =	ssyncadd.s32 $0xFFFFC000  }
0xd3: {  	[tilespmem:s11], [sflag:$0x1] =	stream.indirect.gather [hbm4b:s4+s8], $0x80, s22, s8, $0xb8;
	[tilespmem:$0x1C800] =	vst v63  }
0xd4: {  	_ = 	snop  }
0xd5: {  	[spmem:s2] =	stream.indirect.scatter.add.f32 [tilespmem:s9], [sflag:$0x2], $0x80, s23, s8, $0xb8;
	[tilespmem:$0x1C800] =	vst v63  }
0xd6: {  	_ =	swait.ge [sflag:s0], $0x4000  }
0xd7: {  	[sflag:s0] =	ssyncset.done $0x0  }
0xd8: {  	[sflag:s0] =	ssyncadd.s32 $0xFFFFC000  }
0xd9: {  	_ =	swait.ge [sflag:s12], $0x4000  }
0xda: {  	[sflag:s12] =	ssyncset.done $0x0  }
0xdb: {  	[sflag:s12] =	ssyncadd.s32 $0xFFFFC000  }
0xdc: {  	[tilespmem:s9], [sflag:$0x1] =	stream.indirect.gather [hbm4b:s4+s8], $0x80, s24, s8, $0xb8;
	[tilespmem:$0x1C800] =	vst v63  }
0xdd: {  	_ = 	snop  }
0xde: {  	[spmem:s2] =	stream.indirect.scatter.add.f32 [tilespmem:s11], [sflag:$0x2], $0x80, s25, s8, $0xb8;
	[tilespmem:$0x1C800] =	vst v63  }
0xdf: {  	_ =	swait.ge [sflag:s0], $0x4000  }
0xe0: {  	[sflag:s0] =	ssyncset.done $0x0  }
0xe1: {  	[sflag:s0] =	ssyncadd.s32 $0xFFFFC000  }
0xe2: {  	_ =	swait.ge [sflag:s12], $0x4000  }
0xe3: {  	[sflag:s12] =	ssyncset.done $0x0  }
0xe4: {  	[sflag:s12] =	ssyncadd.s32 $0xFFFFC000  }
0xe5: {  	[tilespmem:s11], [sflag:$0x1] =	stream.indirect.gather [hbm4b:s4+s8], $0x80, s26, s8, $0xb8;
	[tilespmem:$0x1C800] =	vst v63  }
0xe6: {  	_ = 	snop  }
0xe7: {  	[spmem:s2] =	stream.indirect.scatter.add.f32 [tilespmem:s9], [sflag:$0x2], $0x80, s28, s8, $0xb8;
	[tilespmem:$0x1C800] =	vst v63  }
0xe8: {  	_ =	swait.ge [sflag:s0], $0x4000  }
0xe9: {  	[sflag:s0] =	ssyncset.done $0x0  }
0xea: {  	[sflag:s0] =	ssyncadd.s32 $0xFFFFC000  }
0xeb: {  	_ =	swait.ge [sflag:s12], $0x4000  }
.Ltmp1:
0xec: {  	[sflag:s12] =	ssyncset.done $0x0;
	(pc) =	sbr.rel @p0 .LBB2_2-.Ltmp1, $4  }
0xed: {  	[sflag:s12] =	ssyncadd.s32 $0xFFFFC000  }
0xee: {  	[spmem:s2] =	stream.indirect.scatter.add.f32 [tilespmem:s11], [sflag:$0x2], $0x80, s29, s8, $0xb8;
	[tilespmem:$0x1C800] =	vst v63  }
0xef: {  	_ =	swait.ge [sflag:s0], $0x4000  }
0xf0: {  	[sflag:s0] =	ssyncset.done $0x0  }
.LBB2_3:
0xf1: {  	[sflag:s0] =	ssyncadd.s32 $0xFFFFC000  }
0xf2: {  	[bflag:$0x0] =	sbarrier.arrive $0xFFFF  }
0xf3: {  	s6 =	rddreg [dreg:$0x10]  }
0xf4: {  	[hbm:s6], [sflag:s7] =	dma.local [spmem:s31], $0x2800  }
0xf5: {  	_ =	swait.ge [sflag:s0], $0x2800  }
0xf6: {  	s30 =	sadd.s32 $0x1, s30;
	s31 =	rddreg [dreg:$0x11]  }
0xf7: {  	p0 =	sne.s32 s30, s31  }
.Ltmp2:
0xf8: {  	_ = 	snop;
	(pc) =	sbr.rel @p0 .LBB2_1-.Ltmp2, $3  }
0xf9: {  	_ =	sdelay $0x1  }
0xfa: {  	[sflag:s0] =	ssyncset.done $0x0  }
0xfb: {  	[sflag:s0] =	ssyncadd.s32 $0xFFFFD800  }
0xfc: {  	_ =	sfence.sel $0x180000  }
0xfd: {  	[bflag:$0x0] =	sbarrier.arrive $0xFFFF  }
0xfe: {  	_ =	strace $0x9000004A  }
0xff: {  	s0 =	stileid.u32;
	[bflag:$0x2] =	sbarrier.arrive $0xFFFF  }
0x100: {  	p0 =	sne.s32 s0, $0x0;
	s0 =	rddreg [dreg:$0x3]  }
0x101: {  	s0 =	sadd.s32 @!p0 $0x100000, s0  }
0x102: {  	[sflag:s0] =	ssyncadd.tile.s32 @!p0 $0x1;
	_ =	shalt  }
.Lfunc_end2:
_tile_overlayer_lowered:
.L_overlay_start_2:
0x103: {  	(tag) =	ssettag $0x2  }
0x104: {  	s0 =	rddreg [dreg:$0x0];
	s2 =	stileid.u32  }
0x105: {  	s1 =	rddreg [dreg:$0x1];
	p0 =	sne.s32 s2, $0x0  }
0x106: {  	s3 =	rddreg [dreg:$0x2];
	[bflag:$0x3] =	sbarrier.arrive $0xFFFF;
	s2 =	simm.s32 @!p0 $0x1C02  }
0x107: {  	[timem:s3], [sflag:s2] =	dma.local @!p0 [hbm:s0], s1  }
0x108: {  	s0 =	simm.s32 @!p0 $0x2  }
0x109: {  	_ =	swait.ge @!p0 [sflag:s0], s1  }
0x10a: {  	s1 =	ssub.s32 @!p0 $0x0, s1;
	[sflag:s0] =	ssyncset.done @!p0 $0x0  }
0x10b: {  	[sflag:s0] =	ssyncadd.s32 @!p0 s1  }
0x10c: {  	[bflag:$0x3] =	sbarrier.arrive $0xFFFF  }
0x10d: {  	_ =	shalt  }

// kernel: kernel.14.cloned.1.call-start
scs
__scs_entry_jumppad:
0x0: {  	(pc) =	sbr.rel $0x88, $3  }
0x1: {  	(tag) =	ssettag $0x0;
	lr =	simm.s32 $0x1  }
0x2: {  	[smem:$0x3F97] =	sst lr;
	_ =	strace $0xD0000000  }
0x3: {  	_ = 	snop  }
0x4: {  	_ = 	snop  }
0x5: {  	_ = 	snop  }
0x6: {  	_ = 	snop  }
0x7: {  	_ = 	snop  }
__scs_overlays_trampoline_lowered:
0x8: {  	[smem:$0x3FA6] =	sst s0  }
0x9: {  	[smem:$0x3FA7] =	sst s1  }
0xa: {  	[smem:$0x3FA8] =	sst s2  }
0xb: {  	[smem:$0x3FA9] =	sst s3  }
0xc: {  	[smem:$0x3FAA] =	sst s4  }
0xd: {  	[smem:$0x3FAB] =	sst s5  }
0xe: {  	[smem:$0x3FAC] =	sst s6  }
0xf: {  	[smem:$0x3FAD] =	sst s7  }
0x10: {  	[smem:$0x3FAE] =	sst s8  }
0x11: {  	[smem:$0x3FAF] =	sst s9;
	s0 =	simm.s32 @!p0 $0x0  }
0x12: {  	s1 =	sld [smem:$0x3F95];
	s0 =	simm.s32 @p0 $0x1  }
0x13: {  	[smem:$0x3FB0] =	sst s0;
	s0 =	simm.s32 @!p1 $0x0  }
0x14: {  	s2 =	sld [smem:$0x3F94];
	s0 =	simm.s32 @p1 $0x1  }
0x15: {  	[smem:$0x3FB1] =	sst s0;
	s0 =	simm.s32 @!p2 $0x0  }
0x16: {  	s3 =	sld [smem:$0x3FDB];
	s0 =	simm.s32 @p2 $0x1  }
0x17: {  	s4 =	simm.s32 $0x1BF5;
	[smem:$0x3FB3] =	sst s0  }
0x18: {  	s0 =	sld [smem:$0x3F96];
	_ =	swait.ge [sflag:s4], $0x0  }
0x19: {  	s7 =	sld [smem:$0x3F97]  }
0x1a: {  	s8 =	sadd.s32 $0xFFFFE003, lr  }
0x1b: {  	s9 =	sadd.s32 $0xFFFFFEF7, lr;
	s5 =	simm.s32 $0xFFFFFFFF;
	p2 =	slt.u32 s8, $0xFFFFF086  }
0x1c: {  	p1 =	slt.u32 s9, $0xF7A;
	s5 =	simm.s32 @!p2 $0x0  }
0x1d: {  	s5 =	simm.s32 @p1 $0x1;
	p0 =	seq.s32 s7, s2  }
0x1e: {  	s7 =	smul.u32 @!p0 $0xF7A, s2;
	p2 =	seq.s32 @!p0 s5, $0x0  }
0x1f: {  	s9 =	smul.u32 $0xF7A, s1;
	s8 =	simm.s32 @!p0 $0x1BF5;
	p2 =	por !p2, p0  }
0x20: {  	[sflag:s8] =	ssyncset.s32 @!p0 $0xFFFFF086;
	s6 =	sadd.s32 @!p0 s3, s7;
	s7 =	simm.s32 @!p0 $0x108  }
0x21: {  	s3 =	sadd.s32 s3, s9;
	s6 =	sadd.s32 @!p0 $0x88, s6;
	s7 =	simm.s32 @p2 $0x1082  }
0x22: {  	[simem:s7], [sflag:s8] =	dma.local @!p0 [hbm:s6], $0xF7A  }
0x23: {  	s9 =	sor.u32 $0xD0000000, s2;
	s6 =	simm.s32 $0x108;
	_ =	swait.ge @!p0 [sflag:s8], $0x0  }
0x24: {  	s3 =	sadd.s32 $0x88, s3;
	s6 =	simm.s32 @!p1 $0x1082;
	[sflag:s4] =	ssyncset.s32 $0xFFFFF086  }
0x25: {  	[simem:s6], [sflag:s4] =	dma.local [hbm:s3], $0xF7A  }
0x26: {  	[smem:$0x3F97] =	sst s1;
	(tag) =	ssettag s2;
	_ =	strace s9  }
0x27: {  	s1 =	sld [smem:$0x3FA7]  }
0x28: {  	s2 =	sld [smem:$0x3FA8]  }
0x29: {  	s4 =	sld [smem:$0x3FAA]  }
0x2a: {  	p0 =	seq.s32 s5, $0x0;
	s5 =	sld [smem:$0x3FAB]  }
0x2b: {  	s6 =	sld [smem:$0x3FAC]  }
0x2c: {  	s7 =	sld [smem:$0x3FAD]  }
0x2d: {  	s3 =	simm.s32 $0x108;
	s8 =	sld [smem:$0x3FAE]  }
0x2e: {  	s3 =	simm.s32 @!p0 $0x1082;
	s9 =	sld [smem:$0x3FAF]  }
0x2f: {  	lr =	sadd.s32 s0, s3;
	s0 =	sld [smem:$0x3FA6]  }
0x30: {  	s3 =	sld [smem:$0x3FA9]  }
0x31: {  	[smem:$0x3FB2] =	sst s10  }
0x32: {  	s10 =	sld [smem:$0x3FB0];
	_ =	sdelay $0x3  }
0x33: {  	p0 =	seq.s32 s10, $0x1;
	s10 =	sld [smem:$0x3FB2];
	_ =	sdelay $0x3  }
0x34: {  	[smem:$0x3FB2] =	sst s10  }
0x35: {  	s10 =	sld [smem:$0x3FB1];
	_ =	sdelay $0x3  }
0x36: {  	p1 =	seq.s32 s10, $0x1;
	s10 =	sld [smem:$0x3FB2];
	_ =	sdelay $0x3  }
0x37: {  	[smem:$0x3FB2] =	sst s10  }
0x38: {  	s10 =	sld [smem:$0x3FB3]  }
0x39: {  	_ = 	snop;
	(pc) =	sbr.ind lr, $3  }
0x3a: {  	_ = 	snop  }
0x3b: {  	_ = 	snop  }
0x3c: {  	p2 =	seq.s32 s10, $0x1;
	s10 =	sld [smem:$0x3FB2]  }
0x3d: {  	_ =	shalt  }
0x3e: {  	_ =	shalt  }
0x3f: {  	_ =	shalt  }
0x40: {  	_ =	shalt  }
0x41: {  	_ =	shalt  }
0x42: {  	_ =	shalt  }
0x43: {  	_ =	shalt  }
0x44: {  	_ =	shalt  }
0x45: {  	_ =	shalt  }
0x46: {  	_ =	shalt  }
0x47: {  	_ =	shalt  }
0x48: {  	_ =	shalt  }
0x49: {  	_ =	shalt  }
0x4a: {  	_ =	shalt  }
0x4b: {  	_ =	shalt  }
0x4c: {  	_ =	shalt  }
0x4d: {  	_ =	shalt  }
0x4e: {  	_ =	shalt  }
0x4f: {  	_ =	shalt  }
0x50: {  	_ =	shalt  }
0x51: {  	_ =	shalt  }
0x52: {  	_ =	shalt  }
0x53: {  	_ =	shalt  }
0x54: {  	_ =	shalt  }
0x55: {  	_ =	shalt  }
0x56: {  	_ =	shalt  }
0x57: {  	_ =	shalt  }
0x58: {  	_ =	shalt  }
0x59: {  	_ =	shalt  }
0x5a: {  	_ =	shalt  }
0x5b: {  	_ =	shalt  }
0x5c: {  	_ =	shalt  }
0x5d: {  	_ =	shalt  }
0x5e: {  	_ =	shalt  }
0x5f: {  	_ =	shalt  }
0x60: {  	_ =	shalt  }
0x61: {  	_ =	shalt  }
0x62: {  	_ =	shalt  }
0x63: {  	_ =	shalt  }
0x64: {  	_ =	shalt  }
0x65: {  	_ =	shalt  }
0x66: {  	_ =	shalt  }
0x67: {  	_ =	shalt  }
0x68: {  	_ =	shalt  }
0x69: {  	_ =	shalt  }
0x6a: {  	_ =	shalt  }
0x6b: {  	_ =	shalt  }
0x6c: {  	_ =	shalt  }
0x6d: {  	_ =	shalt  }
0x6e: {  	_ =	shalt  }
0x6f: {  	_ =	shalt  }
0x70: {  	_ =	shalt  }
0x71: {  	_ =	shalt  }
0x72: {  	_ =	shalt  }
0x73: {  	_ =	shalt  }
0x74: {  	_ =	shalt  }
0x75: {  	_ =	shalt  }
0x76: {  	_ =	shalt  }
0x77: {  	_ =	shalt  }
0x78: {  	_ =	shalt  }
0x79: {  	_ =	shalt  }
0x7a: {  	_ =	shalt  }
0x7b: {  	_ =	shalt  }
0x7c: {  	_ =	shalt  }
0x7d: {  	_ =	shalt  }
0x7e: {  	_ =	shalt  }
0x7f: {  	_ =	shalt  }
0x80: {  	_ =	shalt  }
0x81: {  	_ =	shalt  }
0x82: {  	_ =	shalt  }
0x83: {  	_ =	shalt  }
0x84: {  	_ =	shalt  }
0x85: {  	_ =	shalt  }
0x86: {  	_ =	shalt  }
0x87: {  	_ =	shalt  }
.Lfunc_end0:
.L_simem_size_0:
called_computation.2_lowered:
.L_overlay_start_0:
0x88: {  	s2 =	sld [smem:$0x3FD9]  }
0x89: {  	s3 =	sld [smem:$0x3FFE];
	_ =	sdelay $0x1  }
0x8a: {  	s1 =	srdreg.scid  }
0x8b: {  	s0 =	sand.u32 $0x1, s1  }
0x8c: {  	s17 =	sshll.u32 s0, $0xA;
	s2 =	sadd.s32 s3, s2  }
0x8d: {  	s2 =	sadd.s32 s2, s17  }
0x8e: {  	[smem:$0x3FBE] =	sst s2  }
0x8f: {  	_ = 	snop  }
0x90: {  	s2 =	sld [smem:$0x3FD0];
	(tm) =	ssettm $0x1  }
0x91: {  	s18 =	sld [smem:$0x3FFB];
	_ =	sdelay $0x3  }
0x92: {  	_ =	strace s18  }
0x93: {  	s3 =	sld [smem:$0x3FFC];
	_ =	sdelay $0x3  }
0x94: {  	_ =	strace s3  }
0x95: {  	s3 =	sld [smem:$0x3FFD];
	_ =	sdelay $0x3  }
0x96: {  	_ =	strace s3  }
0x97: {  	_ =	strace $0x8FFFFFFF  }
0x98: {  	s19 =	sld [smem:$0x3FDB];
	_ =	sdelay $0x1  }
0x99: {  	s4 =	simm.s32 $_scs_section_size  }
0x9a: {  	s5 =	simm.s32 $_size__tile_overlayer_lowered;
	s6 =	simm.s32 $_tile_overlayer_lowered  }
0x9b: {  	s22 =	simm.s32 $0x1BFF;
	s21 =	sshll.u32 s6, $0x1;
	s3 =	sadd.s32 s4, s19  }
0x9c: {  	s7 =	simm.s32 $0x0;
	s20 =	sshll.u32 s5, $0x1;
	s5 =	sadd.s32 s21, s3  }
0x9d: {  	[timem:s7], [sflag:s22] =	dma.local [hbm:s5], s20  }
0x9e: {  	_ =	swait.ge [sflag:s22], s20  }
0x9f: {  	s4 =	ssub.s32 $0x0, s20;
	[sflag:s22] =	ssyncset.done $0x0  }
0xa0: {  	[sflag:s22] =	ssyncadd.s32 s4;
	_ =	sdelay $0x1  }
0xa1: {  	s23 =	simm.s32 $0x1B8B  }
0xa2: {  	_ =	swait.ge [sflag:s23], $0x1  }
0xa3: {  	[sflag:s23] =	ssyncset.done $0x0  }
0xa4: {  	s25 =	simm.s32 $0x1B8E;
	s24 =	sld [smem:$0x3FFE];
	[sflag:s23] =	ssyncadd.s32 $0xFFFFFFFF  }
0xa5: {  	s26 =	simm.s32 $execute0_lowered;
	[smem:$0x3FD2] =	sst s25  }
0xa6: {  	s5 =	sshll.u32 s26, $0x1;
	_ =	strace $0x8000004C;
	[dreg:$0x1] =	wrdreg $0xFFFFFFFF  }
0xa7: {  	s28 =	simm.s32 $_size_execute0_lowered;
	s3 =	sadd.s32 s3, s5;
	[dreg:$0x0] =	wrdreg $0x0  }
0xa8: {  	s5 =	sshll.u32 s28, $0x1;
	[dreg:$0x2] =	wrdreg s3  }
0xa9: {  	[dreg:$0x3] =	wrdreg s5  }
0xaa: {  	[dreg:$0x4] =	wrdreg $0xC0  }
0xab: {  	_ =	task [dreg:s7], $0x5FFFF  }
0xac: {  	[dreg:$0x1] =	wrdreg $0xFFFFFFFF  }
0xad: {  	[dreg:$0x0] =	wrdreg $0x60  }
0xae: {  	[dreg:$0x2] =	wrdreg s24  }
0xaf: {  	[dreg:$0x3] =	wrdreg s2  }
0xb0: {  	[dreg:$0x4] =	wrdreg $0x0  }
0xb1: {  	[dreg:$0x5] =	wrdreg $0x9  }
0xb2: {  	_ =	task.clear_ibuf [dreg:s7], $0x6FFFF;
	_ =	strace $0x9000004C  }
0xb3: {  	s29 =	simm.s32 $0x9;
	_ =	strace $0x8000004E  }
0xb4: {  	_ =	swait.ge [sflag:s29], $0x1  }
0xb5: {  	[sflag:s29] =	ssyncadd.s32 $0xFFFFFFFF  }
0xb6: {  	_ =	strace $0x9000004E  }
0xb7: {  	_ =	sfence  }
0xb8: {  	s30 =	sld [smem:$0x0];
	_ =	sdelay $0x2  }
0xb9: {  	s31 =	sshll.u32 s1, $0xD;
	s1 =	sshrl.u32 s1, $0x2  }
0xba: {  	s3 =	sand.u32 $0x4000, s31;
	s1 =	sadd.s32 s1, s30  }
0xbb: {  	s0 =	sor.u32 s3, s0;
	s1 =	sshll.u32 s1, $0x11  }
0xbc: {  	s0 =	sor.u32 s1, s0  }
0xbd: {  	s0 =	sadd.s32 $0x8F2B, s0  }
0xbe: {  	[sflag:s0] =	ssyncadd.remote.s32 $0x1  }
0xbf: {  	_ =	sfence.sel $0xFFFF  }
0xc0: {  	[dreg:$0x0] =	wrdreg $0xFFFFFFFF;
	(pc) =	sbr.abs _section_cstart, $3  }
0xc1: {  	[dreg:$0x1] =	wrdreg $0xFFFFFFFF  }
0xc2: {  	_ =	task.clear_ibuf [dreg:s7], $0x2FFFF;
	_ =	strace $0x9FFFFFFF  }
0xc3: {  	(tm) =	ssettm $0x7FFFFFFF  }
tec
execute0_lowered:
.L_overlay_start_1:
0x0: {  	(tag) =	ssettag $0x1  }
0x1: {  	s0 =	rddreg [dreg:$0x0]  }
0x2: {  	s1 =	rddreg [dreg:$0x1]  }
0x3: {  	s2 =	rddreg [dreg:$0x2]  }
0x4: {  	s11 =	stileid.u32;
	s4 =	srdreg.scid  }
0x5: {  	s3 =	simm.s32 $0x0;
	s28 =	simm.s32 $0x14700;
	s29 =	simm.s32 $0x14780  }
0x6: {  	s30 =	simm.s32 $0x0;
	s5 =	smul.u32 $0x78, s11;
	s6 =	sand.u32 $0x1, s4  }
0x7: {  	s14 =	smul.u32 $0x28, s11;
	[smem:$0x7FF] =	sst s3;
	s10 =	sadd.s32 $0x85C00, s0  }
0x8: {  	s20 =	sadd.s32 $0x86000, s0;
	_ =	strace $0x8000004D;
	[dreg:$0x4] =	wrdreg s10  }
0x9: {  	s9 =	smul.u32 $0x14000, s11;
	s12 =	sadd.s32 $0x86400, s0;
	[dreg:$0x6] =	wrdreg s20  }
0xa: {  	s4 =	sadd.s32 $0x5DC00, s0;
	s13 =	sadd.s32 $0x86800, s0;
	[dreg:$0x7] =	wrdreg s12  }
0xb: {  	s15 =	smul.u32 $0x50000, s11;
	s24 =	sadd.s32 $0x87000, s0;
	[dreg:$0x8] =	wrdreg s13  }
0xc: {  	s18 =	sshll.u32 s11, $0x6;
	s25 =	sadd.s32 $0x87400, s0;
	[dreg:$0xa] =	wrdreg s24  }
0xd: {  	s26 =	sadd.s32 $0x87800, s0;
	s31 =	sadd.s32 $0x87C00, s0;
	[dreg:$0xb] =	wrdreg s25  }
0xe: {  	s11 =	simm.s32 $0x18800;
	s7 =	smul.u32 $0x140000, s6;
	[dreg:$0xc] =	wrdreg s26  }
0xf: {  	p0 =	seq.s32 s6, $0x0;
	s6 =	ssub.s32 $0x2, s6;
	[dreg:$0xe] =	wrdreg s31  }
0x10: {  	s12 =	simm.s32 $0x1;
	s13 =	simm.s32 $0x14100;
	s8 =	sadd.s32 $0x780, s14  }
0x11: {  	s16 =	sshrl.u32 s15, $0x2;
	s17 =	sshrl.u32 s6, $0x1;
	s15 =	sadd.s32 $0x86C00, s0  }
0x12: {  	s8 =	smov.u32 @p0 s5;
	s7 =	sadd.s32 s9, s7;
	s14 =	sadd.s32 s16, s2  }
0x13: {  	s6 =	ssub.s32 s6, s17;
	[dreg:$0x9] =	wrdreg s15;
	s15 =	simm.s32 $0xF  }
0x14: {  	s5 =	sshll.u32 s8, $0x4;
	s7 =	sshrl.u32 s7, $0x3;
	s19 =	sadd.s32 $0x2000, s14  }
0x15: {  	s21 =	sadd.s32 $0x4000, s14;
	s22 =	sadd.s32 $0x6000, s14;
	s23 =	sadd.s32 $0x8000, s14  }
0x16: {  	s15 =	simm.s32 @!p0 $0x5;
	s24 =	sadd.s32 $0xE000, s14;
	s25 =	sadd.s32 $0x10000, s14  }
0x17: {  	[dreg:$0x5] =	wrdreg s14;
	s26 =	sadd.s32 $0x12000, s14;
	s8 =	simm.s32 $0x80  }
0x18: {  	s9 =	sadd.s32 s5, s0;
	s10 =	sadd.s32 s7, s0;
	s1 =	sadd.s32 s5, s1  }
0x19: {  	s7 =	sor.u32 $0x1C02, s18;
	s0 =	sadd.s32 $0x88000, s0;
	[dreg:$0xd] =	wrdreg s1  }
0x1a: {  	s17 =	sshrl.u32 s19, $0x3;
	s18 =	sshrl.u32 s21, $0x3;
	[dreg:$0xf] =	wrdreg s0  }
0x1b: {  	s19 =	sshrl.u32 s22, $0x3;
	s20 =	sshrl.u32 s23, $0x3;
	[dreg:$0x13] =	wrdreg s17  }
0x1c: {  	s21 =	sadd.s32 $0xA000, s14;
	s22 =	sadd.s32 $0xC000, s14;
	[dreg:$0x14] =	wrdreg s18  }
0x1d: {  	s31 =	sshrl.u32 s26, $0x3;
	s14 =	simm.s32 $0x14480;
	[dreg:$0x15] =	wrdreg s19  }
0x1e: {  	s26 =	simm.s32 $0x14380;
	s5 =	sadd.s32 $0x88400, s10;
	[dreg:$0x16] =	wrdreg s20  }
0x1f: {  	s10 =	smax.u32 s6, $0x1;
	s16 =	sadd.s32 $0x3C00, s9;
	[dreg:$0x1b] =	wrdreg s31  }
0x20: {  	s0 =	sshrl.u32 s21, $0x3;
	s23 =	sshrl.u32 s22, $0x3;
	[dreg:$0x10] =	wrdreg s5  }
0x21: {  	s1 =	simm.s32 $0x14000;
	s9 =	simm.s32 $0x14800;
	[dreg:$0x11] =	wrdreg s10  }
0x22: {  	s17 =	simm.s32 $0x14180;
	s18 =	simm.s32 $0x14500;
	[dreg:$0x12] =	wrdreg s16  }
0x23: {  	s19 =	simm.s32 $0x14200;
	s20 =	simm.s32 $0x14580;
	[dreg:$0x17] =	wrdreg s0  }
0x24: {  	s22 =	simm.s32 $0x14280;
	[dreg:$0x18] =	wrdreg s23;
	s0 =	sshrl.u32 s24, $0x3  }
0x25: {  	s5 =	simm.s32 $0x14400;
	s10 =	simm.s32 $0x14080;
	s23 =	simm.s32 $0x14600  }
0x26: {  	s24 =	simm.s32 $0x14300;
	[dreg:$0x19] =	wrdreg s0;
	s0 =	sshrl.u32 s25, $0x3  }
0x27: {  	s25 =	simm.s32 $0x14680;
	[dreg:$0x1a] =	wrdreg s0;
	s0 =	simm.s32 $0x2  }
.LBB2_1:
0x28: {  	s6 =	rddreg [dreg:$0x5]  }
0x29: {  	s16 =	rddreg [dreg:$0x4];
	s31 =	sshrl.u32 s6, $0x3  }
0x2a: {  	[spmem:s31], [sflag:s7] =	dma.local [hbm:s16], $0x400  }
0x2b: {  	_ =	swait.ge [sflag:s0], $0x400  }
0x2c: {  	[sflag:s0] =	ssyncset.done $0x0;
	s21 =	rddreg [dreg:$0x6]  }
0x2d: {  	s16 =	rddreg [dreg:$0x13];
	[sflag:s0] =	ssyncadd.s32 $0xFFFFFC00  }
0x2e: {  	[spmem:s16], [sflag:s7] =	dma.local [hbm:s21], $0x400  }
0x2f: {  	_ =	swait.ge [sflag:s0], $0x400  }
0x30: {  	[sflag:s0] =	ssyncset.done $0x0;
	s16 =	rddreg [dreg:$0x7]  }
0x31: {  	s21 =	rddreg [dreg:$0x14];
	[sflag:s0] =	ssyncadd.s32 $0xFFFFFC00  }
0x32: {  	[spmem:s21], [sflag:s7] =	dma.local [hbm:s16], $0x400  }
0x33: {  	_ =	swait.ge [sflag:s0], $0x400  }
0x34: {  	[sflag:s0] =	ssyncset.done $0x0;
	s16 =	rddreg [dreg:$0x8]  }
0x35: {  	s21 =	rddreg [dreg:$0x15];
	[sflag:s0] =	ssyncadd.s32 $0xFFFFFC00  }
0x36: {  	[spmem:s21], [sflag:s7] =	dma.local [hbm:s16], $0x400  }
0x37: {  	_ =	swait.ge [sflag:s0], $0x400  }
0x38: {  	[sflag:s0] =	ssyncset.done $0x0;
	s16 =	rddreg [dreg:$0x9]  }
0x39: {  	s21 =	rddreg [dreg:$0x16];
	[sflag:s0] =	ssyncadd.s32 $0xFFFFFC00  }
0x3a: {  	[spmem:s21], [sflag:s7] =	dma.local [hbm:s16], $0x400  }
0x3b: {  	_ =	swait.ge [sflag:s0], $0x400  }
0x3c: {  	[sflag:s0] =	ssyncset.done $0x0;
	s16 =	rddreg [dreg:$0xa]  }
0x3d: {  	s21 =	rddreg [dreg:$0x17];
	[sflag:s0] =	ssyncadd.s32 $0xFFFFFC00  }
0x3e: {  	[spmem:s21], [sflag:s7] =	dma.local [hbm:s16], $0x400  }
0x3f: {  	_ =	swait.ge [sflag:s0], $0x400  }
0x40: {  	[sflag:s0] =	ssyncset.done $0x0;
	s16 =	rddreg [dreg:$0xb]  }
0x41: {  	s21 =	rddreg [dreg:$0x18];
	[sflag:s0] =	ssyncadd.s32 $0xFFFFFC00  }
0x42: {  	[spmem:s21], [sflag:s7] =	dma.local [hbm:s16], $0x400  }
0x43: {  	_ =	swait.ge [sflag:s0], $0x400  }
0x44: {  	[sflag:s0] =	ssyncset.done $0x0;
	s16 =	rddreg [dreg:$0xc]  }
0x45: {  	s21 =	rddreg [dreg:$0x19];
	[sflag:s0] =	ssyncadd.s32 $0xFFFFFC00  }
0x46: {  	[spmem:s21], [sflag:s7] =	dma.local [hbm:s16], $0x400  }
0x47: {  	_ =	swait.ge [sflag:s0], $0x400  }
0x48: {  	[sflag:s0] =	ssyncset.done $0x0;
	s16 =	rddreg [dreg:$0xe]  }
0x49: {  	s21 =	rddreg [dreg:$0x1a];
	[sflag:s0] =	ssyncadd.s32 $0xFFFFFC00  }
0x4a: {  	[spmem:s21], [sflag:s7] =	dma.local [hbm:s16], $0x400  }
0x4b: {  	_ =	swait.ge [sflag:s0], $0x400  }
0x4c: {  	[sflag:s0] =	ssyncset.done $0x0;
	s16 =	rddreg [dreg:$0xf]  }
0x4d: {  	s21 =	rddreg [dreg:$0x1b];
	[sflag:s0] =	ssyncadd.s32 $0xFFFFFC00  }
0x4e: {  	[spmem:s21], [sflag:s7] =	dma.local [hbm:s16], $0x400  }
0x4f: {  	_ =	swait.ge [sflag:s0], $0x400  }
0x50: {  	[sflag:s0] =	ssyncset.done $0x0  }
0x51: {  	[sflag:s0] =	ssyncadd.s32 $0xFFFFFC00  }
0x52: {  	[bflag:$0x0] =	sbarrier.arrive $0xFFFF  }
0x53: {  	s21 =	rddreg [dreg:$0x12]  }
0x54: {  	[tilespmem:s1], [sflag:$0x2] =	stream.linear.gather [hbm4b:s21+s3], $0x400, $0x38;
	[tilespmem:$0x1C800] =	vst v63  }
0x55: {  	_ =	swait.ge [sflag:s0], $0x400  }
0x56: {  	[sflag:s0] =	ssyncset.done $0x0  }
0x57: {  	s16 =	rddreg [dreg:$0xd];
	[sflag:s0] =	ssyncadd.s32 $0xFFFFFC00  }
0x58: {  	[tilespmem:s5], [sflag:$0x2] =	stream.linear.gather [hbm4b:s16+s3], $0x400, $0x38;
	[tilespmem:$0x1C800] =	vst v63  }
0x59: {  	_ =	swait.ge [sflag:s0], $0x400  }
0x5a: {  	[sflag:s0] =	ssyncset.done $0x0  }
0x5b: {  	[sflag:s0] =	ssyncadd.s32 $0xFFFFFC00  }
0x5c: {  	[tilespmem:s9], [sflag:$0x2] =	stream.indirect.gather [hbm4b:s4+s8], $0x80, s1, s8, $0xb8;
	[tilespmem:$0x1C800] =	vst v63  }
0x5d: {  	_ =	swait.ge [sflag:s0], $0x4000  }
0x5e: {  	[sflag:s0] =	ssyncset.done $0x0  }
0x5f: {  	[sflag:s0] =	ssyncadd.s32 $0xFFFFC000  }
0x60: {  	[tilespmem:s11], [sflag:$0x1] =	stream.indirect.gather [hbm4b:s4+s8], $0x80, s10, s8, $0xb8;
	[tilespmem:$0x1C800] =	vst v63  }
0x61: {  	_ = 	snop  }
0x62: {  	[spmem:s2] =	stream.indirect.scatter.add.f32 [tilespmem:s9], [sflag:$0x2], $0x80, s5, s8, $0xb8;
	[tilespmem:$0x1C800] =	vst v63  }
0x63: {  	_ =	swait.ge [sflag:s0], $0x4000  }
0x64: {  	[sflag:s0] =	ssyncset.done $0x0  }
0x65: {  	[sflag:s0] =	ssyncadd.s32 $0xFFFFC000  }
0x66: {  	_ =	swait.ge [sflag:s12], $0x4000  }
0x67: {  	[sflag:s12] =	ssyncset.done $0x0  }
0x68: {  	[sflag:s12] =	ssyncadd.s32 $0xFFFFC000  }
0x69: {  	[tilespmem:s9], [sflag:$0x1] =	stream.indirect.gather [hbm4b:s4+s8], $0x80, s13, s8, $0xb8;
	[tilespmem:$0x1C800] =	vst v63  }
0x6a: {  	_ = 	snop  }
0x6b: {  	[spmem:s2] =	stream.indirect.scatter.add.f32 [tilespmem:s11], [sflag:$0x2], $0x80, s14, s8, $0xb8;
	[tilespmem:$0x1C800] =	vst v63  }
0x6c: {  	_ =	swait.ge [sflag:s0], $0x4000  }
0x6d: {  	[sflag:s0] =	ssyncset.done $0x0  }
0x6e: {  	[sflag:s0] =	ssyncadd.s32 $0xFFFFC000  }
0x6f: {  	_ =	swait.ge [sflag:s12], $0x4000  }
0x70: {  	[sflag:s12] =	ssyncset.done $0x0  }
0x71: {  	[sflag:s12] =	ssyncadd.s32 $0xFFFFC000  }
0x72: {  	[tilespmem:s11], [sflag:$0x1] =	stream.indirect.gather [hbm4b:s4+s8], $0x80, s17, s8, $0xb8;
	[tilespmem:$0x1C800] =	vst v63  }
0x73: {  	_ = 	snop  }
0x74: {  	[spmem:s2] =	stream.indirect.scatter.add.f32 [tilespmem:s9], [sflag:$0x2], $0x80, s18, s8, $0xb8;
	[tilespmem:$0x1C800] =	vst v63  }
0x75: {  	_ =	swait.ge [sflag:s0], $0x4000  }
0x76: {  	[sflag:s0] =	ssyncset.done $0x0  }
0x77: {  	[sflag:s0] =	ssyncadd.s32 $0xFFFFC000  }
0x78: {  	_ =	swait.ge [sflag:s12], $0x4000  }
0x79: {  	[sflag:s12] =	ssyncset.done $0x0  }
0x7a: {  	[sflag:s12] =	ssyncadd.s32 $0xFFFFC000  }
0x7b: {  	[tilespmem:s9], [sflag:$0x1] =	stream.indirect.gather [hbm4b:s4+s8], $0x80, s19, s8, $0xb8;
	[tilespmem:$0x1C800] =	vst v63  }
0x7c: {  	_ = 	snop  }
0x7d: {  	[spmem:s2] =	stream.indirect.scatter.add.f32 [tilespmem:s11], [sflag:$0x2], $0x80, s20, s8, $0xb8;
	[tilespmem:$0x1C800] =	vst v63  }
0x7e: {  	_ =	swait.ge [sflag:s0], $0x4000  }
0x7f: {  	[sflag:s0] =	ssyncset.done $0x0  }
0x80: {  	[sflag:s0] =	ssyncadd.s32 $0xFFFFC000  }
0x81: {  	_ =	swait.ge [sflag:s12], $0x4000  }
0x82: {  	[sflag:s12] =	ssyncset.done $0x0  }
0x83: {  	[sflag:s12] =	ssyncadd.s32 $0xFFFFC000  }
0x84: {  	[tilespmem:s11], [sflag:$0x1] =	stream.indirect.gather [hbm4b:s4+s8], $0x80, s22, s8, $0xb8;
	[tilespmem:$0x1C800] =	vst v63  }
0x85: {  	_ = 	snop  }
0x86: {  	[spmem:s2] =	stream.indirect.scatter.add.f32 [tilespmem:s9], [sflag:$0x2], $0x80, s23, s8, $0xb8;
	[tilespmem:$0x1C800] =	vst v63  }
0x87: {  	_ =	swait.ge [sflag:s0], $0x4000  }
0x88: {  	[sflag:s0] =	ssyncset.done $0x0  }
0x89: {  	[sflag:s0] =	ssyncadd.s32 $0xFFFFC000  }
0x8a: {  	_ =	swait.ge [sflag:s12], $0x4000  }
0x8b: {  	[sflag:s12] =	ssyncset.done $0x0  }
0x8c: {  	[sflag:s12] =	ssyncadd.s32 $0xFFFFC000  }
0x8d: {  	[tilespmem:s9], [sflag:$0x1] =	stream.indirect.gather [hbm4b:s4+s8], $0x80, s24, s8, $0xb8;
	[tilespmem:$0x1C800] =	vst v63  }
0x8e: {  	_ = 	snop  }
0x8f: {  	[spmem:s2] =	stream.indirect.scatter.add.f32 [tilespmem:s11], [sflag:$0x2], $0x80, s25, s8, $0xb8;
	[tilespmem:$0x1C800] =	vst v63  }
0x90: {  	_ =	swait.ge [sflag:s0], $0x4000  }
0x91: {  	[sflag:s0] =	ssyncset.done $0x0  }
0x92: {  	[sflag:s0] =	ssyncadd.s32 $0xFFFFC000  }
0x93: {  	_ =	swait.ge [sflag:s12], $0x4000  }
0x94: {  	[sflag:s12] =	ssyncset.done $0x0  }
0x95: {  	[sflag:s12] =	ssyncadd.s32 $0xFFFFC000  }
0x96: {  	[tilespmem:s11], [sflag:$0x1] =	stream.indirect.gather [hbm4b:s4+s8], $0x80, s26, s8, $0xb8;
	[tilespmem:$0x1C800] =	vst v63  }
0x97: {  	_ = 	snop  }
0x98: {  	[spmem:s2] =	stream.indirect.scatter.add.f32 [tilespmem:s9], [sflag:$0x2], $0x80, s28, s8, $0xb8;
	[tilespmem:$0x1C800] =	vst v63  }
0x99: {  	_ =	swait.ge [sflag:s0], $0x4000  }
0x9a: {  	[sflag:s0] =	ssyncset.done $0x0  }
0x9b: {  	[sflag:s0] =	ssyncadd.s32 $0xFFFFC000  }
0x9c: {  	p0 =	sne.s32 s15, $0x1;
	_ =	swait.ge [sflag:s12], $0x4000  }
.Ltmp0:
0x9d: {  	[sflag:s12] =	ssyncset.done $0x0;
	(pc) =	sbr.rel @!p0 .LBB2_3-.Ltmp0, $4  }
0x9e: {  	[sflag:s12] =	ssyncadd.s32 $0xFFFFC000  }
0x9f: {  	[spmem:s2] =	stream.indirect.scatter.add.f32 [tilespmem:s11], [sflag:$0x2], $0x80, s29, s8, $0xb8;
	[tilespmem:$0x1C800] =	vst v63  }
0xa0: {  	_ =	swait.ge [sflag:s0], $0x4000  }
0xa1: {  	s6 =	sadd.s32 $0xFFFFFFFF, s15;
	[sflag:s0] =	ssyncset.done $0x0  }
.LBB2_2:
0xa2: {  	[sflag:s0] =	ssyncadd.s32 $0xFFFFC000;
	s16 =	sadd.s32 $0x80, s16;
	s21 =	sadd.s32 $0x80, s21  }
0xa3: {  	[tilespmem:s1], [sflag:$0x2] =	stream.linear.gather [hbm4b:s21+s3], $0x400, $0x38;
	[tilespmem:$0x1C800] =	vst v63  }
0xa4: {  	p0 =	sne.s32 s6, $0x1;
	s6 =	sadd.s32 $0xFFFFFFFF, s6;
	_ =	swait.ge [sflag:s0], $0x400  }
0xa5: {  	[sflag:s0] =	ssyncset.done $0x0  }
0xa6: {  	[sflag:s0] =	ssyncadd.s32 $0xFFFFFC00  }
0xa7: {  	[tilespmem:s5], [sflag:$0x2] =	stream.linear.gather [hbm4b:s16+s3], $0x400, $0x38;
	[tilespmem:$0x1C800] =	vst v63  }
0xa8: {  	_ =	swait.ge [sflag:s0], $0x400  }
0xa9: {  	[sflag:s0] =	ssyncset.done $0x0  }
0xaa: {  	[sflag:s0] =	ssyncadd.s32 $0xFFFFFC00  }
0xab: {  	[tilespmem:s9], [sflag:$0x2] =	stream.indirect.gather [hbm4b:s4+s8], $0x80, s1, s8, $0xb8;
	[tilespmem:$0x1C800] =	vst v63  }
0xac: {  	_ =	swait.ge [sflag:s0], $0x4000  }
0xad: {  	[sflag:s0] =	ssyncset.done $0x0  }
0xae: {  	[sflag:s0] =	ssyncadd.s32 $0xFFFFC000  }
0xaf: {  	[tilespmem:s11], [sflag:$0x1] =	stream.indirect.gather [hbm4b:s4+s8], $0x80, s10, s8, $0xb8;
	[tilespmem:$0x1C800] =	vst v63  }
0xb0: {  	_ = 	snop  }
0xb1: {  	[spmem:s2] =	stream.indirect.scatter.add.f32 [tilespmem:s9], [sflag:$0x2], $0x80, s5, s8, $0xb8;
	[tilespmem:$0x1C800] =	vst v63  }
0xb2: {  	_ =	swait.ge [sflag:s0], $0x4000  }
0xb3: {  	[sflag:s0] =	ssyncset.done $0x0  }
0xb4: {  	[sflag:s0] =	ssyncadd.s32 $0xFFFFC000  }
0xb5: {  	_ =	swait.ge [sflag:s12], $0x4000  }
0xb6: {  	[sflag:s12] =	ssyncset.done $0x0  }
0xb7: {  	[sflag:s12] =	ssyncadd.s32 $0xFFFFC000  }
0xb8: {  	[tilespmem:s9], [sflag:$0x1] =	stream.indirect.gather [hbm4b:s4+s8], $0x80, s13, s8, $0xb8;
	[tilespmem:$0x1C800] =	vst v63  }
0xb9: {  	_ = 	snop  }
0xba: {  	[spmem:s2] =	stream.indirect.scatter.add.f32 [tilespmem:s11], [sflag:$0x2], $0x80, s14, s8, $0xb8;
	[tilespmem:$0x1C800] =	vst v63  }
0xbb: {  	_ =	swait.ge [sflag:s0], $0x4000  }
0xbc: {  	[sflag:s0] =	ssyncset.done $0x0  }
0xbd: {  	[sflag:s0] =	ssyncadd.s32 $0xFFFFC000  }
0xbe: {  	_ =	swait.ge [sflag:s12], $0x4000  }
0xbf: {  	[sflag:s12] =	ssyncset.done $0x0  }
0xc0: {  	[sflag:s12] =	ssyncadd.s32 $0xFFFFC000  }
0xc1: {  	[tilespmem:s11], [sflag:$0x1] =	stream.indirect.gather [hbm4b:s4+s8], $0x80, s17, s8, $0xb8;
	[tilespmem:$0x1C800] =	vst v63  }
0xc2: {  	_ = 	snop  }
0xc3: {  	[spmem:s2] =	stream.indirect.scatter.add.f32 [tilespmem:s9], [sflag:$0x2], $0x80, s18, s8, $0xb8;
	[tilespmem:$0x1C800] =	vst v63  }
0xc4: {  	_ =	swait.ge [sflag:s0], $0x4000  }
0xc5: {  	[sflag:s0] =	ssyncset.done $0x0  }
0xc6: {  	[sflag:s0] =	ssyncadd.s32 $0xFFFFC000  }
0xc7: {  	_ =	swait.ge [sflag:s12], $0x4000  }
0xc8: {  	[sflag:s12] =	ssyncset.done $0x0  }
0xc9: {  	[sflag:s12] =	ssyncadd.s32 $0xFFFFC000  }
0xca: {  	[tilespmem:s9], [sflag:$0x1] =	stream.indirect.gather [hbm4b:s4+s8], $0x80, s19, s8, $0xb8;
	[tilespmem:$0x1C800] =	vst v63  }
0xcb: {  	_ = 	snop  }
0xcc: {  	[spmem:s2] =	stream.indirect.scatter.add.f32 [tilespmem:s11], [sflag:$0x2], $0x80, s20, s8, $0xb8;
	[tilespmem:$0x1C800] =	vst v63  }
0xcd: {  	_ =	swait.ge [sflag:s0], $0x4000  }
0xce: {  	[sflag:s0] =	ssyncset.done $0x0  }
0xcf: {  	[sflag:s0] =	ssyncadd.s32 $0xFFFFC000  }
0xd0: {  	_ =	swait.ge [sflag:s12], $0x4000  }
0xd1: {  	[sflag:s12] =	ssyncset.done $0x0  }
0xd2: {  	[sflag:s12] =	ssyncadd.s32 $0xFFFFC000  }
0xd3: {  	[tilespmem:s11], [sflag:$0x1] =	stream.indirect.gather [hbm4b:s4+s8], $0x80, s22, s8, $0xb8;
	[tilespmem:$0x1C800] =	vst v63  }
0xd4: {  	_ = 	snop  }
0xd5: {  	[spmem:s2] =	stream.indirect.scatter.add.f32 [tilespmem:s9], [sflag:$0x2], $0x80, s23, s8, $0xb8;
	[tilespmem:$0x1C800] =	vst v63  }
0xd6: {  	_ =	swait.ge [sflag:s0], $0x4000  }
0xd7: {  	[sflag:s0] =	ssyncset.done $0x0  }
0xd8: {  	[sflag:s0] =	ssyncadd.s32 $0xFFFFC000  }
0xd9: {  	_ =	swait.ge [sflag:s12], $0x4000  }
0xda: {  	[sflag:s12] =	ssyncset.done $0x0  }
0xdb: {  	[sflag:s12] =	ssyncadd.s32 $0xFFFFC000  }
0xdc: {  	[tilespmem:s9], [sflag:$0x1] =	stream.indirect.gather [hbm4b:s4+s8], $0x80, s24, s8, $0xb8;
	[tilespmem:$0x1C800] =	vst v63  }
0xdd: {  	_ = 	snop  }
0xde: {  	[spmem:s2] =	stream.indirect.scatter.add.f32 [tilespmem:s11], [sflag:$0x2], $0x80, s25, s8, $0xb8;
	[tilespmem:$0x1C800] =	vst v63  }
0xdf: {  	_ =	swait.ge [sflag:s0], $0x4000  }
0xe0: {  	[sflag:s0] =	ssyncset.done $0x0  }
0xe1: {  	[sflag:s0] =	ssyncadd.s32 $0xFFFFC000  }
0xe2: {  	_ =	swait.ge [sflag:s12], $0x4000  }
0xe3: {  	[sflag:s12] =	ssyncset.done $0x0  }
0xe4: {  	[sflag:s12] =	ssyncadd.s32 $0xFFFFC000  }
0xe5: {  	[tilespmem:s11], [sflag:$0x1] =	stream.indirect.gather [hbm4b:s4+s8], $0x80, s26, s8, $0xb8;
	[tilespmem:$0x1C800] =	vst v63  }
0xe6: {  	_ = 	snop  }
0xe7: {  	[spmem:s2] =	stream.indirect.scatter.add.f32 [tilespmem:s9], [sflag:$0x2], $0x80, s28, s8, $0xb8;
	[tilespmem:$0x1C800] =	vst v63  }
0xe8: {  	_ =	swait.ge [sflag:s0], $0x4000  }
0xe9: {  	[sflag:s0] =	ssyncset.done $0x0  }
0xea: {  	[sflag:s0] =	ssyncadd.s32 $0xFFFFC000  }
0xeb: {  	_ =	swait.ge [sflag:s12], $0x4000  }
.Ltmp1:
0xec: {  	[sflag:s12] =	ssyncset.done $0x0;
	(pc) =	sbr.rel @p0 .LBB2_2-.Ltmp1, $4  }
0xed: {  	[sflag:s12] =	ssyncadd.s32 $0xFFFFC000  }
0xee: {  	[spmem:s2] =	stream.indirect.scatter.add.f32 [tilespmem:s11], [sflag:$0x2], $0x80, s29, s8, $0xb8;
	[tilespmem:$0x1C800] =	vst v63  }
0xef: {  	_ =	swait.ge [sflag:s0], $0x4000  }
0xf0: {  	[sflag:s0] =	ssyncset.done $0x0  }
.LBB2_3:
0xf1: {  	[sflag:s0] =	ssyncadd.s32 $0xFFFFC000  }
0xf2: {  	[bflag:$0x0] =	sbarrier.arrive $0xFFFF  }
0xf3: {  	s6 =	rddreg [dreg:$0x10]  }
0xf4: {  	[hbm:s6], [sflag:s7] =	dma.local [spmem:s31], $0x2800  }
0xf5: {  	_ =	swait.ge [sflag:s0], $0x2800  }
0xf6: {  	s30 =	sadd.s32 $0x1, s30;
	s31 =	rddreg [dreg:$0x11]  }
0xf7: {  	p0 =	sne.s32 s30, s31  }
.Ltmp2:
0xf8: {  	_ = 	snop;
	(pc) =	sbr.rel @p0 .LBB2_1-.Ltmp2, $3  }
0xf9: {  	_ =	sdelay $0x1  }
0xfa: {  	[sflag:s0] =	ssyncset.done $0x0  }
0xfb: {  	[sflag:s0] =	ssyncadd.s32 $0xFFFFD800  }
0xfc: {  	_ =	sfence.sel $0x180000  }
0xfd: {  	[bflag:$0x0] =	sbarrier.arrive $0xFFFF  }
0xfe: {  	_ =	strace $0x9000004D  }
0xff: {  	s0 =	stileid.u32;
	[bflag:$0x2] =	sbarrier.arrive $0xFFFF  }
0x100: {  	p0 =	sne.s32 s0, $0x0;
	s0 =	rddreg [dreg:$0x3]  }
0x101: {  	s0 =	sadd.s32 @!p0 $0x100000, s0  }
0x102: {  	[sflag:s0] =	ssyncadd.tile.s32 @!p0 $0x1;
	_ =	shalt  }
.Lfunc_end2:
_tile_overlayer_lowered:
.L_overlay_start_2:
0x103: {  	(tag) =	ssettag $0x2  }
0x104: {  	s0 =	rddreg [dreg:$0x0];
	s2 =	stileid.u32  }
0x105: {  	s1 =	rddreg [dreg:$0x1];
	p0 =	sne.s32 s2, $0x0  }
0x106: {  	s3 =	rddreg [dreg:$0x2];
	[bflag:$0x3] =	sbarrier.arrive $0xFFFF;
	s2 =	simm.s32 @!p0 $0x1C02  }
0x107: {  	[timem:s3], [sflag:s2] =	dma.local @!p0 [hbm:s0], s1  }
0x108: {  	s0 =	simm.s32 @!p0 $0x2  }
0x109: {  	_ =	swait.ge @!p0 [sflag:s0], s1  }
0x10a: {  	s1 =	ssub.s32 @!p0 $0x0, s1;
	[sflag:s0] =	ssyncset.done @!p0 $0x0  }
0x10b: {  	[sflag:s0] =	ssyncadd.s32 @!p0 s1  }
0x10c: {  	[bflag:$0x3] =	sbarrier.arrive $0xFFFF  }
0x10d: {  	_ =	shalt  }

// kernel: kernel.8.cloned.1.call-start
scs
__scs_entry_jumppad:
0x0: {  	(pc) =	sbr.rel $0x88, $3  }
0x1: {  	(tag) =	ssettag $0x0;
	lr =	simm.s32 $0x1  }
0x2: {  	[smem:$0x3F97] =	sst lr;
	_ =	strace $0xD0000000  }
0x3: {  	_ = 	snop  }
0x4: {  	_ = 	snop  }
0x5: {  	_ = 	snop  }
0x6: {  	_ = 	snop  }
0x7: {  	_ = 	snop  }
__scs_overlays_trampoline_lowered:
0x8: {  	[smem:$0x3FA6] =	sst s0  }
0x9: {  	[smem:$0x3FA7] =	sst s1  }
0xa: {  	[smem:$0x3FA8] =	sst s2  }
0xb: {  	[smem:$0x3FA9] =	sst s3  }
0xc: {  	[smem:$0x3FAA] =	sst s4  }
0xd: {  	[smem:$0x3FAB] =	sst s5  }
0xe: {  	[smem:$0x3FAC] =	sst s6  }
0xf: {  	[smem:$0x3FAD] =	sst s7  }
0x10: {  	[smem:$0x3FAE] =	sst s8  }
0x11: {  	[smem:$0x3FAF] =	sst s9;
	s0 =	simm.s32 @!p0 $0x0  }
0x12: {  	s1 =	sld [smem:$0x3F95];
	s0 =	simm.s32 @p0 $0x1  }
0x13: {  	[smem:$0x3FB0] =	sst s0;
	s0 =	simm.s32 @!p1 $0x0  }
0x14: {  	s2 =	sld [smem:$0x3F94];
	s0 =	simm.s32 @p1 $0x1  }
0x15: {  	[smem:$0x3FB1] =	sst s0;
	s0 =	simm.s32 @!p2 $0x0  }
0x16: {  	s3 =	sld [smem:$0x3FDB];
	s0 =	simm.s32 @p2 $0x1  }
0x17: {  	s4 =	simm.s32 $0x1BF5;
	[smem:$0x3FB3] =	sst s0  }
0x18: {  	s0 =	sld [smem:$0x3F96];
	_ =	swait.ge [sflag:s4], $0x0  }
0x19: {  	s7 =	sld [smem:$0x3F97]  }
0x1a: {  	s8 =	sadd.s32 $0xFFFFE003, lr  }
0x1b: {  	s9 =	sadd.s32 $0xFFFFFEF7, lr;
	s5 =	simm.s32 $0xFFFFFFFF;
	p2 =	slt.u32 s8, $0xFFFFF086  }
0x1c: {  	p1 =	slt.u32 s9, $0xF7A;
	s5 =	simm.s32 @!p2 $0x0  }
0x1d: {  	s5 =	simm.s32 @p1 $0x1;
	p0 =	seq.s32 s7, s2  }
0x1e: {  	s7 =	smul.u32 @!p0 $0xF7A, s2;
	p2 =	seq.s32 @!p0 s5, $0x0  }
0x1f: {  	s9 =	smul.u32 $0xF7A, s1;
	s8 =	simm.s32 @!p0 $0x1BF5;
	p2 =	por !p2, p0  }
0x20: {  	[sflag:s8] =	ssyncset.s32 @!p0 $0xFFFFF086;
	s6 =	sadd.s32 @!p0 s3, s7;
	s7 =	simm.s32 @!p0 $0x108  }
0x21: {  	s3 =	sadd.s32 s3, s9;
	s6 =	sadd.s32 @!p0 $0x88, s6;
	s7 =	simm.s32 @p2 $0x1082  }
0x22: {  	[simem:s7], [sflag:s8] =	dma.local @!p0 [hbm:s6], $0xF7A  }
0x23: {  	s9 =	sor.u32 $0xD0000000, s2;
	s6 =	simm.s32 $0x108;
	_ =	swait.ge @!p0 [sflag:s8], $0x0  }
0x24: {  	s3 =	sadd.s32 $0x88, s3;
	s6 =	simm.s32 @!p1 $0x1082;
	[sflag:s4] =	ssyncset.s32 $0xFFFFF086  }
0x25: {  	[simem:s6], [sflag:s4] =	dma.local [hbm:s3], $0xF7A  }
0x26: {  	[smem:$0x3F97] =	sst s1;
	(tag) =	ssettag s2;
	_ =	strace s9  }
0x27: {  	s1 =	sld [smem:$0x3FA7]  }
0x28: {  	s2 =	sld [smem:$0x3FA8]  }
0x29: {  	s4 =	sld [smem:$0x3FAA]  }
0x2a: {  	p0 =	seq.s32 s5, $0x0;
	s5 =	sld [smem:$0x3FAB]  }
0x2b: {  	s6 =	sld [smem:$0x3FAC]  }
0x2c: {  	s7 =	sld [smem:$0x3FAD]  }
0x2d: {  	s3 =	simm.s32 $0x108;
	s8 =	sld [smem:$0x3FAE]  }
0x2e: {  	s3 =	simm.s32 @!p0 $0x1082;
	s9 =	sld [smem:$0x3FAF]  }
0x2f: {  	lr =	sadd.s32 s0, s3;
	s0 =	sld [smem:$0x3FA6]  }
0x30: {  	s3 =	sld [smem:$0x3FA9]  }
0x31: {  	[smem:$0x3FB2] =	sst s10  }
0x32: {  	s10 =	sld [smem:$0x3FB0];
	_ =	sdelay $0x3  }
0x33: {  	p0 =	seq.s32 s10, $0x1;
	s10 =	sld [smem:$0x3FB2];
	_ =	sdelay $0x3  }
0x34: {  	[smem:$0x3FB2] =	sst s10  }
0x35: {  	s10 =	sld [smem:$0x3FB1];
	_ =	sdelay $0x3  }
0x36: {  	p1 =	seq.s32 s10, $0x1;
	s10 =	sld [smem:$0x3FB2];
	_ =	sdelay $0x3  }
0x37: {  	[smem:$0x3FB2] =	sst s10  }
0x38: {  	s10 =	sld [smem:$0x3FB3]  }
0x39: {  	_ = 	snop;
	(pc) =	sbr.ind lr, $3  }
0x3a: {  	_ = 	snop  }
0x3b: {  	_ = 	snop  }
0x3c: {  	p2 =	seq.s32 s10, $0x1;
	s10 =	sld [smem:$0x3FB2]  }
0x3d: {  	_ =	shalt  }
0x3e: {  	_ =	shalt  }
0x3f: {  	_ =	shalt  }
0x40: {  	_ =	shalt  }
0x41: {  	_ =	shalt  }
0x42: {  	_ =	shalt  }
0x43: {  	_ =	shalt  }
0x44: {  	_ =	shalt  }
0x45: {  	_ =	shalt  }
0x46: {  	_ =	shalt  }
0x47: {  	_ =	shalt  }
0x48: {  	_ =	shalt  }
0x49: {  	_ =	shalt  }
0x4a: {  	_ =	shalt  }
0x4b: {  	_ =	shalt  }
0x4c: {  	_ =	shalt  }
0x4d: {  	_ =	shalt  }
0x4e: {  	_ =	shalt  }
0x4f: {  	_ =	shalt  }
0x50: {  	_ =	shalt  }
0x51: {  	_ =	shalt  }
0x52: {  	_ =	shalt  }
0x53: {  	_ =	shalt  }
0x54: {  	_ =	shalt  }
0x55: {  	_ =	shalt  }
0x56: {  	_ =	shalt  }
0x57: {  	_ =	shalt  }
0x58: {  	_ =	shalt  }
0x59: {  	_ =	shalt  }
0x5a: {  	_ =	shalt  }
0x5b: {  	_ =	shalt  }
0x5c: {  	_ =	shalt  }
0x5d: {  	_ =	shalt  }
0x5e: {  	_ =	shalt  }
0x5f: {  	_ =	shalt  }
0x60: {  	_ =	shalt  }
0x61: {  	_ =	shalt  }
0x62: {  	_ =	shalt  }
0x63: {  	_ =	shalt  }
0x64: {  	_ =	shalt  }
0x65: {  	_ =	shalt  }
0x66: {  	_ =	shalt  }
0x67: {  	_ =	shalt  }
0x68: {  	_ =	shalt  }
0x69: {  	_ =	shalt  }
0x6a: {  	_ =	shalt  }
0x6b: {  	_ =	shalt  }
0x6c: {  	_ =	shalt  }
0x6d: {  	_ =	shalt  }
0x6e: {  	_ =	shalt  }
0x6f: {  	_ =	shalt  }
0x70: {  	_ =	shalt  }
0x71: {  	_ =	shalt  }
0x72: {  	_ =	shalt  }
0x73: {  	_ =	shalt  }
0x74: {  	_ =	shalt  }
0x75: {  	_ =	shalt  }
0x76: {  	_ =	shalt  }
0x77: {  	_ =	shalt  }
0x78: {  	_ =	shalt  }
0x79: {  	_ =	shalt  }
0x7a: {  	_ =	shalt  }
0x7b: {  	_ =	shalt  }
0x7c: {  	_ =	shalt  }
0x7d: {  	_ =	shalt  }
0x7e: {  	_ =	shalt  }
0x7f: {  	_ =	shalt  }
0x80: {  	_ =	shalt  }
0x81: {  	_ =	shalt  }
0x82: {  	_ =	shalt  }
0x83: {  	_ =	shalt  }
0x84: {  	_ =	shalt  }
0x85: {  	_ =	shalt  }
0x86: {  	_ =	shalt  }
0x87: {  	_ =	shalt  }
.Lfunc_end0:
.L_simem_size_0:
called_computation_lowered:
.L_overlay_start_0:
0x88: {  	s2 =	sld [smem:$0x3FD9]  }
0x89: {  	s3 =	sld [smem:$0x3FFE];
	_ =	sdelay $0x1  }
0x8a: {  	s1 =	srdreg.scid  }
0x8b: {  	s0 =	sand.u32 $0x1, s1  }
0x8c: {  	s17 =	sshll.u32 s0, $0xA;
	s2 =	sadd.s32 s3, s2  }
0x8d: {  	s2 =	sadd.s32 s2, s17  }
0x8e: {  	[smem:$0x3FBE] =	sst s2  }
0x8f: {  	_ = 	snop  }
0x90: {  	s2 =	sld [smem:$0x3FD0];
	(tm) =	ssettm $0x1  }
0x91: {  	s18 =	sld [smem:$0x3FFB];
	_ =	sdelay $0x3  }
0x92: {  	_ =	strace s18  }
0x93: {  	s3 =	sld [smem:$0x3FFC];
	_ =	sdelay $0x3  }
0x94: {  	_ =	strace s3  }
0x95: {  	s3 =	sld [smem:$0x3FFD];
	_ =	sdelay $0x3  }
0x96: {  	_ =	strace s3  }
0x97: {  	_ =	strace $0x8FFFFFFF  }
0x98: {  	s19 =	sld [smem:$0x3FDB];
	_ =	sdelay $0x1  }
0x99: {  	s4 =	simm.s32 $_scs_section_size  }
0x9a: {  	s5 =	simm.s32 $_size__tile_overlayer_lowered;
	s6 =	simm.s32 $_tile_overlayer_lowered  }
0x9b: {  	s22 =	simm.s32 $0x1BFF;
	s21 =	sshll.u32 s6, $0x1;
	s3 =	sadd.s32 s4, s19  }
0x9c: {  	s7 =	simm.s32 $0x0;
	s20 =	sshll.u32 s5, $0x1;
	s5 =	sadd.s32 s21, s3  }
0x9d: {  	[timem:s7], [sflag:s22] =	dma.local [hbm:s5], s20  }
0x9e: {  	_ =	swait.ge [sflag:s22], s20  }
0x9f: {  	s4 =	ssub.s32 $0x0, s20;
	[sflag:s22] =	ssyncset.done $0x0  }
0xa0: {  	[sflag:s22] =	ssyncadd.s32 s4;
	_ =	sdelay $0x1  }
0xa1: {  	s23 =	simm.s32 $0x1B8B  }
0xa2: {  	_ =	swait.ge [sflag:s23], $0x1  }
0xa3: {  	[sflag:s23] =	ssyncset.done $0x0  }
0xa4: {  	s25 =	simm.s32 $0x1B8E;
	s24 =	sld [smem:$0x3FFE];
	[sflag:s23] =	ssyncadd.s32 $0xFFFFFFFF  }
0xa5: {  	s26 =	simm.s32 $execute0_lowered;
	[smem:$0x3FD2] =	sst s25  }
0xa6: {  	s5 =	sshll.u32 s26, $0x1;
	_ =	strace $0x80000046;
	[dreg:$0x1] =	wrdreg $0xFFFFFFFF  }
0xa7: {  	s28 =	simm.s32 $_size_execute0_lowered;
	s3 =	sadd.s32 s3, s5;
	[dreg:$0x0] =	wrdreg $0x0  }
0xa8: {  	s5 =	sshll.u32 s28, $0x1;
	[dreg:$0x2] =	wrdreg s3  }
0xa9: {  	[dreg:$0x3] =	wrdreg s5  }
0xaa: {  	[dreg:$0x4] =	wrdreg $0xC0  }
0xab: {  	_ =	task [dreg:s7], $0x5FFFF  }
0xac: {  	[dreg:$0x1] =	wrdreg $0xFFFFFFFF  }
0xad: {  	[dreg:$0x0] =	wrdreg $0x60  }
0xae: {  	[dreg:$0x2] =	wrdreg s2  }
0xaf: {  	[dreg:$0x3] =	wrdreg s24  }
0xb0: {  	[dreg:$0x4] =	wrdreg $0x0  }
0xb1: {  	[dreg:$0x5] =	wrdreg $0x9  }
0xb2: {  	_ =	task.clear_ibuf [dreg:s7], $0x6FFFF;
	_ =	strace $0x90000046  }
0xb3: {  	s29 =	simm.s32 $0x9;
	_ =	strace $0x80000048  }
0xb4: {  	_ =	swait.ge [sflag:s29], $0x1  }
0xb5: {  	[sflag:s29] =	ssyncadd.s32 $0xFFFFFFFF  }
0xb6: {  	_ =	strace $0x90000048  }
0xb7: {  	_ =	sfence  }
0xb8: {  	s30 =	sld [smem:$0x0];
	_ =	sdelay $0x2  }
0xb9: {  	s31 =	sshll.u32 s1, $0xD;
	s1 =	sshrl.u32 s1, $0x2  }
0xba: {  	s3 =	sand.u32 $0x4000, s31;
	s1 =	sadd.s32 s1, s30  }
0xbb: {  	s0 =	sor.u32 s3, s0;
	s1 =	sshll.u32 s1, $0x11  }
0xbc: {  	s0 =	sor.u32 s1, s0  }
0xbd: {  	s0 =	sadd.s32 $0x8F2B, s0  }
0xbe: {  	[sflag:s0] =	ssyncadd.remote.s32 $0x1  }
0xbf: {  	_ =	sfence.sel $0xFFFF  }
0xc0: {  	[dreg:$0x0] =	wrdreg $0xFFFFFFFF;
	(pc) =	sbr.abs _section_cstart, $3  }
0xc1: {  	[dreg:$0x1] =	wrdreg $0xFFFFFFFF  }
0xc2: {  	_ =	task.clear_ibuf [dreg:s7], $0x2FFFF;
	_ =	strace $0x9FFFFFFF  }
0xc3: {  	(tm) =	ssettm $0x7FFFFFFF  }
tec
execute0_lowered:
.L_overlay_start_1:
0x0: {  	(tag) =	ssettag $0x1  }
0x1: {  	s7 =	rddreg [dreg:$0x0]  }
0x2: {  	s6 =	rddreg [dreg:$0x1]  }
0x3: {  	s2 =	rddreg [dreg:$0x2]  }
0x4: {  	s0 =	rddreg [dreg:$0x3];
	s3 =	simm.s32 $0x0;
	s4 =	srdreg.scid  }
0x5: {  	s1 =	stileid.u32;
	s12 =	simm.s32 $0x2A80;
	s13 =	simm.s32 $0x280  }
0x6: {  	s14 =	simm.s32 $0x80;
	s15 =	simm.s32 $0x20;
	s16 =	simm.s32 $0x10  }
0x7: {  	s17 =	simm.s32 $0x0;
	[smem:$0x7FF] =	sst s3;
	s8 =	sand.u32 $0x1, s4  }
0x8: {  	s9 =	smul.u32 $0x500, s1;
	s4 =	sadd.s32 $0xDE00, s6;
	s5 =	sadd.s32 $0xDC00, s6  }
0x9: {  	s26 =	smul.u32 $0xA00, s1;
	s31 =	sshll.u32 s1, $0x6;
	_ =	strace $0x80000047  }
0xa: {  	s10 =	sshll.u32 s8, $0x7;
	s11 =	sshll.u32 s8, $0x4;
	s28 =	ssub.s32 $0x2, s8  }
0xb: {  	s9 =	sor.u32 s10, s9;
	s29 =	sor.u32 s1, s11;
	s30 =	sshrl.u32 s28, $0x1  }
0xc: {  	s10 =	sshrl.u32 s26, $0x2;
	s9 =	sshrl.u32 s9, $0x3;
	s8 =	smul.u32 $0x500, s29  }
0xd: {  	s11 =	ssub.s32 s28, s30;
	s10 =	sadd.s32 s10, s2;
	s9 =	sadd.s32 s9, s6  }
0xe: {  	s6 =	sor.u32 $0x1C01, s31;
	s10 =	sshrl.u32 s10, $0x3;
	s7 =	sadd.s32 s7, s8  }
0xf: {  	s8 =	sadd.s32 $0xE000, s9;
	s9 =	smax.u32 s11, $0x1;
	s11 =	simm.s32 $0x1  }
.LBB2_1:
0x10: {  	[spmem:s10], [sflag:s6] =	dma.local [hbm:s5], $0x50  }
0x11: {  	_ =	swait.ge [sflag:s11], $0x50  }
0x12: {  	[sflag:s11] =	ssyncset.done $0x0  }
0x13: {  	[sflag:s11] =	ssyncadd.s32 $0xFFFFFFB0  }
0x14: {  	[tilespmem:s12], [sflag:$0x1] =	stream.linear.gather [hbm4b:s4+s3], $0x80, $0x38;
	[tilespmem:$0x2B00] =	vst v63  }
0x15: {  	_ =	swait.ge [sflag:s11], $0x80  }
0x16: {  	[sflag:s11] =	ssyncset.done $0x0  }
0x17: {  	[sflag:s11] =	ssyncadd.s32 $0xFFFFFF80  }
0x18: {  	[tilespmem:s13], [sflag:$0x1] =	stream.linear.gather [hbm4b:s7+s3], $0x2800, $0x38;
	[tilespmem:$0x2B00] =	vst v63  }
0x19: {  	_ =	swait.ge [sflag:s11], $0x2800  }
0x1a: {  	[sflag:s11] =	ssyncset.done $0x0  }
0x1b: {  	[sflag:s11] =	ssyncadd.s32 $0xFFFFD800  }
0x1c: {  	s18 =	simm.s32 $0x280;
	[bflag:$0x0] =	sbarrier.arrive $0xFFFF  }
0x1d: {  	[spmem:s2] =	stream.indirect.scatter.add.f32 [tilespmem:s12], [sflag:$0x1], $0x1, s18, s14, $0xb8;
	[tilespmem:$0x2B00] =	vst v63  }
0x1e: {  	s18 =	simm.s32 $0x200;
	_ =	swait.ge [sflag:s11], $0x80  }
.LBB2_2:
0x1f: {  	s19 =	sshra.s32 s18, $0x2;
	[sflag:s11] =	ssyncset.done $0x0;
	p0 =	sne.s32 s18, $0x9E00  }
.Ltmp0:
0x20: {  	s19 =	sadd.s32 $0x280, s19;
	[sflag:s11] =	ssyncadd.s32 $0xFFFFFF80;
	(pc) =	sbr.rel @p0 .LBB2_2-.Ltmp0, $3  }
0x21: {  	[spmem:s2] =	stream.indirect.scatter.add.f32 [tilespmem:s12], [sflag:$0x1], $0x1, s19, s14, $0xb8;
	[tilespmem:$0x2B00] =	vst v63  }
0x22: {  	s18 =	sadd.s32 $0x200, s18;
	_ =	sdelay $0x1  }
0x23: {  	_ =	swait.ge [sflag:s11], $0x80  }
0x24: {  	[sflag:s11] =	ssyncset.done $0x0;
	s17 =	sadd.s32 $0x1, s17  }
0x25: {  	[sflag:s11] =	ssyncadd.s32 $0xFFFFFF80;
	p0 =	sne.s32 s17, s9  }
.Ltmp1:
0x26: {  	[bflag:$0x0] =	sbarrier.arrive $0xFFFF;
	(pc) =	sbr.rel @p0 .LBB2_1-.Ltmp1, $4  }
0x27: {  	[hbm:s8@s15], [sflag:s6] =	dma.strided [spmem:s10@s16], $0x50, s11, $0x10   }
0x28: {  	_ =	swait.ge [sflag:s11], $0x50  }
0x29: {  	[sflag:s11] =	ssyncset.done $0x0  }
0x2a: {  	[sflag:s11] =	ssyncadd.s32 $0xFFFFFFB0  }
0x2b: {  	_ =	sfence.sel $0x180000  }
0x2c: {  	[bflag:$0x0] =	sbarrier.arrive $0xFFFF  }
0x2d: {  	p0 =	sne.s32 s1, $0x0;
	_ =	strace $0x90000047  }
0x2e: {  	s0 =	sadd.s32 @!p0 $0x100000, s0;
	[bflag:$0x2] =	sbarrier.arrive $0xFFFF  }
0x2f: {  	[sflag:s0] =	ssyncadd.tile.s32 @!p0 $0x1;
	_ =	shalt  }
.Lfunc_end2:
_tile_overlayer_lowered:
.L_overlay_start_2:
0x30: {  	(tag) =	ssettag $0x2  }
0x31: {  	s0 =	rddreg [dreg:$0x0];
	s2 =	stileid.u32  }
0x32: {  	s1 =	rddreg [dreg:$0x1];
	p0 =	sne.s32 s2, $0x0  }
0x33: {  	s3 =	rddreg [dreg:$0x2];
	[bflag:$0x3] =	sbarrier.arrive $0xFFFF;
	s2 =	simm.s32 @!p0 $0x1C01  }
0x34: {  	[timem:s3], [sflag:s2] =	dma.local @!p0 [hbm:s0], s1  }
0x35: {  	s0 =	simm.s32 @!p0 $0x1  }
0x36: {  	_ =	swait.ge @!p0 [sflag:s0], s1  }
0x37: {  	s1 =	ssub.s32 @!p0 $0x0, s1;
	[sflag:s0] =	ssyncset.done @!p0 $0x0  }
0x38: {  	[sflag:s0] =	ssyncadd.s32 @!p0 s1  }
0x39: {  	[bflag:$0x3] =	sbarrier.arrive $0xFFFF  }
0x3a: {  	_ =	shalt  }

</sc_bundles>
